<compile_context>
chip_gen: v7x
topology: tpu7x:2x2x1
jax: 0.10.2.dev20260603
libtpu: 0.0.44.dev20260713+nightly
codegen_flags: <defaults>
</compile_context>

<pallas_src>
import functools

import jax
import jax.numpy as jnp
from jax import lax
from jax.experimental import pallas as pl
from jax.experimental.pallas import tpu as pltpu
from jax.experimental.pallas import tpu_sc as plsc

B = 16384
D = 32
NNEG = 20
NC = 2
NS = 16
L = 16
NW = NC * NS
BPW = B // NW
CHUNK = 64
NCHUNK = BPW // CHUNK
NIDX_BLK = 128
NBLK = CHUNK * NNEG // NIDX_BLK
DK = D // L
RB = 4
NV = RB * NNEG // L

_R0 = [(v * L) // NNEG for v in range(NV)]
_C0 = [(v * L) % NNEG for v in range(NV)]
_BPOS = [NNEG * (r0 + 1) - v * L for v, r0 in enumerate(_R0)]


def _sg_body(t_idx_hbm, c_idx_hbm, n_idx_hbm, t_tab, c_tab,
             pos_hbm, neg_hbm,
             t_idx_v, c_idx_v, n2d_v, n_idx_v, t_rows, c_rows, n_rows,
             pos_v, neg_v, sem):
    wid = lax.axis_index("s") * NC + lax.axis_index("c")
    lane = lax.iota(jnp.int32, L)
    last = lane == (L - 1)
    crossed = [lane >= bp for bp in _BPOS]
    rowoff = [jnp.where(crossed[v], _R0[v] + 1, _R0[v]).astype(jnp.int32)
              for v in range(NV)]
    coloff = [lane + jnp.where(crossed[v], _C0[v] - NNEG, _C0[v]
                               ).astype(jnp.int32)
              for v in range(NV)]

    def chunk_body(ch, carry):
        base = wid * BPW + ch * CHUNK
        pltpu.sync_copy(t_idx_hbm.at[pl.ds(base, CHUNK)], t_idx_v)
        pltpu.sync_copy(c_idx_hbm.at[pl.ds(base, CHUNK)], c_idx_v)
        pltpu.sync_copy(n_idx_hbm.at[pl.ds(base, CHUNK)], n2d_v)

        def flat_body(r, fcarry):
            for v in range(NV):
                vals = plsc.load_gather(n2d_v, [r + rowoff[v], coloff[v]])
                n_idx_v[pl.ds(r * NNEG + v * L, L)] = vals
            return fcarry

        lax.fori_loop(0, CHUNK // RB, lambda r, c: flat_body(r * RB, c), 0)

        dmas = [pltpu.async_copy(t_tab.at[t_idx_v], t_rows, sem),
                pltpu.async_copy(c_tab.at[c_idx_v], c_rows, sem)]
        for k in range(NBLK):
            dmas.append(pltpu.async_copy(
                c_tab.at[n_idx_v.at[pl.ds(k * NIDX_BLK, NIDX_BLK)]],
                n_rows.at[pl.ds(k * NIDX_BLK, NIDX_BLK)], sem))
        for dma in dmas:
            dma.wait()

        def elem_body(e, ecarry):
            tv = [t_rows[e, pl.ds(k * L, L)] for k in range(DK)]
            prod = tv[0] * c_rows[e, pl.ds(0, L)]
            for k in range(1, DK):
                prod = prod + tv[k] * c_rows[e, pl.ds(k * L, L)]
            plsc.store_scatter(pos_v, [jnp.full((L,), e, jnp.int32)],
                               plsc.cumsum(prod), mask=last)
            for j in range(NNEG):
                r = e * NNEG + j
                prod = tv[0] * n_rows[r, pl.ds(0, L)]
                for k in range(1, DK):
                    prod = prod + tv[k] * n_rows[r, pl.ds(k * L, L)]
                plsc.store_scatter(neg_v,
                                   [jnp.full((L,), e, jnp.int32),
                                    jnp.full((L,), j, jnp.int32)],
                                   plsc.cumsum(prod), mask=last)
            return ecarry

        lax.fori_loop(0, CHUNK, elem_body, 0)
        pltpu.sync_copy(pos_v, pos_hbm.at[pl.ds(base, CHUNK)])
        pltpu.sync_copy(neg_v, neg_hbm.at[pl.ds(base, CHUNK)])
        return carry

    lax.fori_loop(0, NCHUNK, chunk_body, 0)


_sg_kernel = functools.partial(
    pl.kernel,
    mesh=plsc.VectorSubcoreMesh(core_axis_name="c", subcore_axis_name="s"),
    out_type=[jax.ShapeDtypeStruct((B,), jnp.float32),
              jax.ShapeDtypeStruct((B, NNEG), jnp.float32)],
    scratch_types=[
        pltpu.VMEM((CHUNK,), jnp.int32),
        pltpu.VMEM((CHUNK,), jnp.int32),
        pltpu.VMEM((CHUNK, NNEG), jnp.int32),
        pltpu.VMEM((CHUNK * NNEG,), jnp.int32),
        pltpu.VMEM((CHUNK, D), jnp.float32),
        pltpu.VMEM((CHUNK, D), jnp.float32),
        pltpu.VMEM((CHUNK * NNEG, D), jnp.float32),
        pltpu.VMEM((CHUNK,), jnp.float32),
        pltpu.VMEM((CHUNK, NNEG), jnp.float32),
        pltpu.SemaphoreType.DMA,
    ],
    compiler_params=pltpu.CompilerParams(needs_layout_passes=False,
                                         use_tc_tiling_on_sc=False),
)(_sg_body)


def kernel(target, context, negative_samples, target_table, context_table):
    t_idx = target.astype(jnp.int32)
    c_idx = context.astype(jnp.int32)
    n_idx = negative_samples.astype(jnp.int32)
    pos_lo, neg_lo = _sg_kernel(t_idx, c_idx, n_idx,
                                target_table[:, :D], context_table[:, :D])
    pos_hi, neg_hi = _sg_kernel(t_idx, c_idx, n_idx,
                                target_table[:, D:], context_table[:, D:])
    return pos_lo + pos_hi, neg_lo + neg_hi

# --- scband reference (transcript-rebuilt; emitter-appended) ---
"""Pipeline reference for scband-skip-gram-negative-sampling-88021059764568 (READ-ONLY COPY).

The authoritative reference and input builder live on the scoring server;
editing this copy changes nothing except your own understanding.
"""

import jax, jax.numpy as jnp
import numpy as np

VOCAB = 1000000
DIM = 64
B = 16384
N_NEG = 20

def setup_inputs(seed: int = 0) -> dict:
    key = jax.random.key(seed)
    k1, k2, k3, k4, k5 = jax.random.split(key, 5)
    target = jax.random.randint(k1, (B,), 0, VOCAB)
    context = jax.random.randint(k2, (B,), 0, VOCAB)
    negative_samples = jax.random.randint(k3, (B, N_NEG), 0, VOCAB)
    target_table = jax.random.normal(k4, (VOCAB, DIM), dtype=jnp.float32) * 0.01
    context_table = jax.random.normal(k5, (VOCAB, DIM), dtype=jnp.float32) * 0.01
    return {
        "target": target,
        "context": context,
        "negative_samples": negative_samples,
        "target_table": target_table,
        "context_table": context_table,
    }

def reference(target, context, negative_samples, target_table, context_table):
    # target_embed = self.target_embedding(target)
    target_embed = jnp.take(target_table, target, axis=0)          # [B, D]
    # context_embed = self.context_embedding(context)
    context_embed = jnp.take(context_table, context, axis=0)       # [B, D]
    # neg_samples_embed = self.context_embedding(negative_samples)
    neg_samples_embed = jnp.take(context_table, negative_samples, axis=0)  # [B, N, D]
    # pos_score = sum(target_embed * context_embed, dim=1)
    pos_score = jnp.sum(target_embed * context_embed, axis=1)      # [B]
    # neg_score = bmm(target_embed.unsqueeze(1), neg_samples_embed.transpose(1,2)).squeeze()
    neg_score = jnp.einsum('bd,bnd->bn', target_embed, neg_samples_embed)  # [B, N]
    return (pos_score, neg_score)

if __name__ == "__main__":
    import jax
    _d = setup_inputs()
    print(jax.jit(kernel)(*tuple(_d.values())))

</pallas_src>

<mosaic_0001>
#map = affine_map<(d0, d1) -> (0)>
#map1 = affine_map<(d0, d1) -> (0, 0)>
module attributes {stable_mosaic.version = 14 : i64} {
  func.func @_sg_body(%arg0: i32, %arg1: i32, %arg2: memref<16384xi32, #tpu.memory_space<hbm>>, %arg3: memref<16384xi32, #tpu.memory_space<hbm>>, %arg4: memref<16384x20xi32, #tpu.memory_space<hbm>>, %arg5: memref<1000000x32xf32, #tpu.memory_space<hbm>>, %arg6: memref<1000000x32xf32, #tpu.memory_space<hbm>>, %arg7: memref<16384xf32, #tpu.memory_space<hbm>>, %arg8: memref<16384x20xf32, #tpu.memory_space<hbm>>, %arg9: memref<64xi32, #tpu.memory_space<vmem>>, %arg10: memref<64xi32, #tpu.memory_space<vmem>>, %arg11: memref<64x20xi32, #tpu.memory_space<vmem>>, %arg12: memref<1280xi32, #tpu.memory_space<vmem>>, %arg13: memref<64x32xf32, #tpu.memory_space<vmem>>, %arg14: memref<64x32xf32, #tpu.memory_space<vmem>>, %arg15: memref<1280x32xf32, #tpu.memory_space<vmem>>, %arg16: memref<64xf32, #tpu.memory_space<vmem>>, %arg17: memref<64x20xf32, #tpu.memory_space<vmem>>, %arg18: memref<!tpu.dma_semaphore, #tpu.memory_space<semaphore_mem>>) attributes {dimension_semantics = [#tpu.dimension_semantics<core_parallel>, #tpu.dimension_semantics<subcore_parallel>], iteration_bounds = array<i64: 2, 16>, scalar_prefetch = 0 : i64, scratch_operands = 10 : i64, tpu.core_type = #tpu.core_type<sc_vector_subcore>, window_params = [{transform_indices = #map}, {transform_indices = #map}, {transform_indices = #map1}, {transform_indices = #map1}, {transform_indices = #map1}, {transform_indices = #map}, {transform_indices = #map1}]} {
    %mul3A = arith.constant 2 : i32
    %mul3A_0 = arith.muli %arg1, %mul3A : i32
    %add3A = arith.addi %mul3A_0, %arg0 : i32
    %iota3A = tpu.iota {dimensions = array<i32: 0>} : vector<16xi32>
    %eq3A = arith.constant 15 : i32
    %eq3A_1 = vector.broadcast %eq3A : i32 to vector<16xi32>
    %eq3A_2 = arith.cmpi eq, %iota3A, %eq3A_1 : vector<16xi32>
    %ge3A = arith.constant 20 : i32
    %ge3A_3 = vector.broadcast %ge3A : i32 to vector<16xi32>
    %ge3A_4 = arith.cmpi sge, %iota3A, %ge3A_3 : vector<16xi32>
    %ge3A_5 = arith.constant 4 : i32
    %ge3A_6 = vector.broadcast %ge3A_5 : i32 to vector<16xi32>
    %ge3A_7 = arith.cmpi sge, %iota3A, %ge3A_6 : vector<16xi32>
    %ge3A_8 = arith.constant 8 : i32
    %ge3A_9 = vector.broadcast %ge3A_8 : i32 to vector<16xi32>
    %ge3A_10 = arith.cmpi sge, %iota3A, %ge3A_9 : vector<16xi32>
    %ge3A_11 = arith.constant 12 : i32
    %ge3A_12 = vector.broadcast %ge3A_11 : i32 to vector<16xi32>
    %ge3A_13 = arith.cmpi sge, %iota3A, %ge3A_12 : vector<16xi32>
    %ge3A_14 = arith.constant 16 : i32
    %ge3A_15 = vector.broadcast %ge3A_14 : i32 to vector<16xi32>
    %ge3A_16 = arith.cmpi sge, %iota3A, %ge3A_15 : vector<16xi32>
    %jit3A = arith.constant 1 : i32
    %jit3A_17 = arith.constant 0 : i32
    %broadcast_in_dim3A = vector.broadcast %jit3A : i32 to vector<16xi32>
    %broadcast_in_dim3A_18 = vector.broadcast %jit3A_17 : i32 to vector<16xi32>
    %select_n3A = arith.select %ge3A_4, %broadcast_in_dim3A, %broadcast_in_dim3A_18 : vector<16xi1>, vector<16xi32>
    %jit3A_19 = arith.constant 1 : i32
    %jit3A_20 = arith.constant 0 : i32
    %broadcast_in_dim3A_21 = vector.broadcast %jit3A_19 : i32 to vector<16xi32>
    %broadcast_in_dim3A_22 = vector.broadcast %jit3A_20 : i32 to vector<16xi32>
    %select_n3A_23 = arith.select %ge3A_7, %broadcast_in_dim3A_21, %broadcast_in_dim3A_22 : vector<16xi1>, vector<16xi32>
    %jit3A_24 = arith.constant 2 : i32
    %jit3A_25 = arith.constant 1 : i32
    %broadcast_in_dim3A_26 = vector.broadcast %jit3A_24 : i32 to vector<16xi32>
    %broadcast_in_dim3A_27 = vector.broadcast %jit3A_25 : i32 to vector<16xi32>
    %select_n3A_28 = arith.select %ge3A_10, %broadcast_in_dim3A_26, %broadcast_in_dim3A_27 : vector<16xi1>, vector<16xi32>
    %jit3A_29 = arith.constant 3 : i32
    %jit3A_30 = arith.constant 2 : i32
    %broadcast_in_dim3A_31 = vector.broadcast %jit3A_29 : i32 to vector<16xi32>
    %broadcast_in_dim3A_32 = vector.broadcast %jit3A_30 : i32 to vector<16xi32>
    %select_n3A_33 = arith.select %ge3A_13, %broadcast_in_dim3A_31, %broadcast_in_dim3A_32 : vector<16xi1>, vector<16xi32>
    %jit3A_34 = arith.constant 4 : i32
    %jit3A_35 = arith.constant 3 : i32
    %broadcast_in_dim3A_36 = vector.broadcast %jit3A_34 : i32 to vector<16xi32>
    %broadcast_in_dim3A_37 = vector.broadcast %jit3A_35 : i32 to vector<16xi32>
    %select_n3A_38 = arith.select %ge3A_16, %broadcast_in_dim3A_36, %broadcast_in_dim3A_37 : vector<16xi1>, vector<16xi32>
    %jit3A_39 = arith.constant -20 : i32
    %jit3A_40 = arith.constant 0 : i32
    %broadcast_in_dim3A_41 = vector.broadcast %jit3A_39 : i32 to vector<16xi32>
    %broadcast_in_dim3A_42 = vector.broadcast %jit3A_40 : i32 to vector<16xi32>
    %select_n3A_43 = arith.select %ge3A_4, %broadcast_in_dim3A_41, %broadcast_in_dim3A_42 : vector<16xi1>, vector<16xi32>
    %add3A_44 = arith.addi %iota3A, %select_n3A_43 : vector<16xi32>
    %jit3A_45 = arith.constant -4 : i32
    %jit3A_46 = arith.constant 16 : i32
    %broadcast_in_dim3A_47 = vector.broadcast %jit3A_45 : i32 to vector<16xi32>
    %broadcast_in_dim3A_48 = vector.broadcast %jit3A_46 : i32 to vector<16xi32>
    %select_n3A_49 = arith.select %ge3A_7, %broadcast_in_dim3A_47, %broadcast_in_dim3A_48 : vector<16xi1>, vector<16xi32>
    %add3A_50 = arith.addi %iota3A, %select_n3A_49 : vector<16xi32>
    %jit3A_51 = arith.constant -8 : i32
    %jit3A_52 = arith.constant 12 : i32
    %broadcast_in_dim3A_53 = vector.broadcast %jit3A_51 : i32 to vector<16xi32>
    %broadcast_in_dim3A_54 = vector.broadcast %jit3A_52 : i32 to vector<16xi32>
    %select_n3A_55 = arith.select %ge3A_10, %broadcast_in_dim3A_53, %broadcast_in_dim3A_54 : vector<16xi1>, vector<16xi32>
    %add3A_56 = arith.addi %iota3A, %select_n3A_55 : vector<16xi32>
    %jit3A_57 = arith.constant -12 : i32
    %jit3A_58 = arith.constant 8 : i32
    %broadcast_in_dim3A_59 = vector.broadcast %jit3A_57 : i32 to vector<16xi32>
    %broadcast_in_dim3A_60 = vector.broadcast %jit3A_58 : i32 to vector<16xi32>
    %select_n3A_61 = arith.select %ge3A_13, %broadcast_in_dim3A_59, %broadcast_in_dim3A_60 : vector<16xi1>, vector<16xi32>
    %add3A_62 = arith.addi %iota3A, %select_n3A_61 : vector<16xi32>
    %jit3A_63 = arith.constant -16 : i32
    %jit3A_64 = arith.constant 4 : i32
    %broadcast_in_dim3A_65 = vector.broadcast %jit3A_63 : i32 to vector<16xi32>
    %broadcast_in_dim3A_66 = vector.broadcast %jit3A_64 : i32 to vector<16xi32>
    %select_n3A_67 = arith.select %ge3A_16, %broadcast_in_dim3A_65, %broadcast_in_dim3A_66 : vector<16xi1>, vector<16xi32>
    %add3A_68 = arith.addi %iota3A, %select_n3A_67 : vector<16xi32>
    %scan3A = arith.constant 0 : i32
    %scan3A_69 = arith.constant 0 : i32
    %scan3A_70 = arith.constant 8 : i32
    %scan3A_71 = arith.addi %scan3A_69, %scan3A_70 : i32
    %scan3A_72 = arith.constant 1 : i32
    scf.for %scan3A_74 = %scan3A_69 to %scan3A_71 step %scan3A_72  : i32 {
      %mul3A_75 = arith.constant 512 : i32
      %mul3A_76 = arith.muli %add3A, %mul3A_75 : i32
      %mul3A_77 = arith.constant 64 : i32
      %mul3A_78 = arith.muli %scan3A_74, %mul3A_77 : i32
      %add3A_79 = arith.addi %mul3A_76, %mul3A_78 : i32
      "tpu.region"() ({
        %run_scoped3A = tpu.sem_alloc : memref<!tpu.dma_semaphore, #tpu.memory_space<semaphore_mem>>
        %dma_start3A_262 = tpu.memref_slice %arg2[%add3A_79] : memref<16384xi32, #tpu.memory_space<hbm>> -> memref<64xi32, #tpu.memory_space<hbm>>
        %dma_start3A_263 = tpu.memref_slice %arg2[%add3A_79] : memref<16384xi32, #tpu.memory_space<hbm>> -> memref<64xi32, #tpu.memory_space<hbm>>
        tpu.enqueue_dma source(%dma_start3A_263 : memref<64xi32, #tpu.memory_space<hbm>>) target(%arg9 : memref<64xi32, #tpu.memory_space<vmem>>) target_semaphore(%run_scoped3A : memref<!tpu.dma_semaphore, #tpu.memory_space<semaphore_mem>>)
        %dma_wait3A_264 = tpu.memref_slice %arg2[%add3A_79] : memref<16384xi32, #tpu.memory_space<hbm>> -> memref<64xi32, #tpu.memory_space<hbm>>
        %dma_wait3A_265 = tpu.memref_slice %arg2[%add3A_79] : memref<16384xi32, #tpu.memory_space<hbm>> -> memref<64xi32, #tpu.memory_space<hbm>>
        tpu.wait_dma2 semaphore(%run_scoped3A : memref<!tpu.dma_semaphore, #tpu.memory_space<semaphore_mem>>) src(%dma_wait3A_265 : memref<64xi32, #tpu.memory_space<hbm>>) dst(%arg9 : memref<64xi32, #tpu.memory_space<vmem>>)
        tpu.yield
      }) : () -> ()
      "tpu.region"() ({
        %run_scoped3A = tpu.sem_alloc : memref<!tpu.dma_semaphore, #tpu.memory_space<semaphore_mem>>
        %dma_start3A_262 = tpu.memref_slice %arg3[%add3A_79] : memref<16384xi32, #tpu.memory_space<hbm>> -> memref<64xi32, #tpu.memory_space<hbm>>
        %dma_start3A_263 = tpu.memref_slice %arg3[%add3A_79] : memref<16384xi32, #tpu.memory_space<hbm>> -> memref<64xi32, #tpu.memory_space<hbm>>
        tpu.enqueue_dma source(%dma_start3A_263 : memref<64xi32, #tpu.memory_space<hbm>>) target(%arg10 : memref<64xi32, #tpu.memory_space<vmem>>) target_semaphore(%run_scoped3A : memref<!tpu.dma_semaphore, #tpu.memory_space<semaphore_mem>>)
        %dma_wait3A_264 = tpu.memref_slice %arg3[%add3A_79] : memref<16384xi32, #tpu.memory_space<hbm>> -> memref<64xi32, #tpu.memory_space<hbm>>
        %dma_wait3A_265 = tpu.memref_slice %arg3[%add3A_79] : memref<16384xi32, #tpu.memory_space<hbm>> -> memref<64xi32, #tpu.memory_space<hbm>>
        tpu.wait_dma2 semaphore(%run_scoped3A : memref<!tpu.dma_semaphore, #tpu.memory_space<semaphore_mem>>) src(%dma_wait3A_265 : memref<64xi32, #tpu.memory_space<hbm>>) dst(%arg10 : memref<64xi32, #tpu.memory_space<vmem>>)
        tpu.yield
      }) : () -> ()
      "tpu.region"() ({
        %run_scoped3A = tpu.sem_alloc : memref<!tpu.dma_semaphore, #tpu.memory_space<semaphore_mem>>
        %dma_start3A_262 = arith.constant 0 : i32
        %dma_start3A_263 = tpu.memref_slice %arg4[%add3A_79, %dma_start3A_262] : memref<16384x20xi32, #tpu.memory_space<hbm>> -> memref<64x20xi32, #tpu.memory_space<hbm>>
        %dma_start3A_264 = arith.constant 0 : i32
        %dma_start3A_265 = tpu.memref_slice %arg4[%add3A_79, %dma_start3A_264] : memref<16384x20xi32, #tpu.memory_space<hbm>> -> memref<64x20xi32, #tpu.memory_space<hbm>>
        tpu.enqueue_dma source(%dma_start3A_265 : memref<64x20xi32, #tpu.memory_space<hbm>>) target(%arg11 : memref<64x20xi32, #tpu.memory_space<vmem>>) target_semaphore(%run_scoped3A : memref<!tpu.dma_semaphore, #tpu.memory_space<semaphore_mem>>)
        %dma_wait3A_266 = arith.constant 0 : i32
        %dma_wait3A_267 = tpu.memref_slice %arg4[%add3A_79, %dma_wait3A_266] : memref<16384x20xi32, #tpu.memory_space<hbm>> -> memref<64x20xi32, #tpu.memory_space<hbm>>
        %dma_wait3A_268 = arith.constant 0 : i32
        %dma_wait3A_269 = tpu.memref_slice %arg4[%add3A_79, %dma_wait3A_268] : memref<16384x20xi32, #tpu.memory_space<hbm>> -> memref<64x20xi32, #tpu.memory_space<hbm>>
        tpu.wait_dma2 semaphore(%run_scoped3A : memref<!tpu.dma_semaphore, #tpu.memory_space<semaphore_mem>>) src(%dma_wait3A_269 : memref<64x20xi32, #tpu.memory_space<hbm>>) dst(%arg11 : memref<64x20xi32, #tpu.memory_space<vmem>>)
        tpu.yield
      }) : () -> ()
      %scan3A_80 = arith.constant 0 : i32
      %scan3A_81 = arith.constant 0 : i32
      %scan3A_82 = arith.constant 16 : i32
      %scan3A_83 = arith.addi %scan3A_81, %scan3A_82 : i32
      %scan3A_84 = arith.constant 1 : i32
      scf.for %scan3A_262 = %scan3A_81 to %scan3A_83 step %scan3A_84  : i32 {
        %mul3A_263 = arith.constant 4 : i32
        %mul3A_264 = arith.muli %scan3A_262, %mul3A_263 : i32
        %add3A_265 = vector.broadcast %mul3A_264 : i32 to vector<16xi32>
        %add3A_266 = arith.addi %add3A_265, %select_n3A : vector<16xi32>
        %gather3A = tpu.vector_load_idx %arg11[%add3A_266, %add3A_44] : memref<64x20xi32, #tpu.memory_space<vmem>>[vector<16xi32>, vector<16xi32>], vector<16xi32>,
        %mul3A_267 = arith.constant 20 : i32
        %mul3A_268 = arith.muli %mul3A_264, %mul3A_267 : i32
        %add3A_269 = arith.constant 0 : i32
        %add3A_270 = arith.addi %mul3A_268, %add3A_269 : i32
        %swap3A = arith.index_cast %add3A_270 : i32 to index
        %swap3A_271 = tpu.vector_load %arg12[%swap3A] {strides = array<i32>} : memref<1280xi32, #tpu.memory_space<vmem>>, vector<16xi32>,
        tpu.vector_store %arg12[%swap3A], %gather3A {strides = array<i32>} : memref<1280xi32, #tpu.memory_space<vmem>>, vector<16xi32>,
        %add3A_272 = vector.broadcast %mul3A_264 : i32 to vector<16xi32>
        %add3A_273 = arith.addi %add3A_272, %select_n3A_23 : vector<16xi32>
        %gather3A_274 = tpu.vector_load_idx %arg11[%add3A_273, %add3A_50] : memref<64x20xi32, #tpu.memory_space<vmem>>[vector<16xi32>, vector<16xi32>], vector<16xi32>,
        %mul3A_275 = arith.constant 20 : i32
        %mul3A_276 = arith.muli %mul3A_264, %mul3A_275 : i32
        %add3A_277 = arith.constant 16 : i32
        %add3A_278 = arith.addi %mul3A_276, %add3A_277 : i32
        %swap3A_279 = arith.index_cast %add3A_278 : i32 to index
        %swap3A_280 = tpu.vector_load %arg12[%swap3A_279] {strides = array<i32>} : memref<1280xi32, #tpu.memory_space<vmem>>, vector<16xi32>,
        tpu.vector_store %arg12[%swap3A_279], %gather3A_274 {strides = array<i32>} : memref<1280xi32, #tpu.memory_space<vmem>>, vector<16xi32>,
        %add3A_281 = vector.broadcast %mul3A_264 : i32 to vector<16xi32>
        %add3A_282 = arith.addi %add3A_281, %select_n3A_28 : vector<16xi32>
        %gather3A_283 = tpu.vector_load_idx %arg11[%add3A_282, %add3A_56] : memref<64x20xi32, #tpu.memory_space<vmem>>[vector<16xi32>, vector<16xi32>], vector<16xi32>,
        %mul3A_284 = arith.constant 20 : i32
        %mul3A_285 = arith.muli %mul3A_264, %mul3A_284 : i32
        %add3A_286 = arith.constant 32 : i32
        %add3A_287 = arith.addi %mul3A_285, %add3A_286 : i32
        %swap3A_288 = arith.index_cast %add3A_287 : i32 to index
        %swap3A_289 = tpu.vector_load %arg12[%swap3A_288] {strides = array<i32>} : memref<1280xi32, #tpu.memory_space<vmem>>, vector<16xi32>,
        tpu.vector_store %arg12[%swap3A_288], %gather3A_283 {strides = array<i32>} : memref<1280xi32, #tpu.memory_space<vmem>>, vector<16xi32>,
        %add3A_290 = vector.broadcast %mul3A_264 : i32 to vector<16xi32>
        %add3A_291 = arith.addi %add3A_290, %select_n3A_33 : vector<16xi32>
        %gather3A_292 = tpu.vector_load_idx %arg11[%add3A_291, %add3A_62] : memref<64x20xi32, #tpu.memory_space<vmem>>[vector<16xi32>, vector<16xi32>], vector<16xi32>,
        %mul3A_293 = arith.constant 20 : i32
        %mul3A_294 = arith.muli %mul3A_264, %mul3A_293 : i32
        %add3A_295 = arith.constant 48 : i32
        %add3A_296 = arith.addi %mul3A_294, %add3A_295 : i32
        %swap3A_297 = arith.index_cast %add3A_296 : i32 to index
        %swap3A_298 = tpu.vector_load %arg12[%swap3A_297] {strides = array<i32>} : memref<1280xi32, #tpu.memory_space<vmem>>, vector<16xi32>,
        tpu.vector_store %arg12[%swap3A_297], %gather3A_292 {strides = array<i32>} : memref<1280xi32, #tpu.memory_space<vmem>>, vector<16xi32>,
        %add3A_299 = vector.broadcast %mul3A_264 : i32 to vector<16xi32>
        %add3A_300 = arith.addi %add3A_299, %select_n3A_38 : vector<16xi32>
        %gather3A_301 = tpu.vector_load_idx %arg11[%add3A_300, %add3A_68] : memref<64x20xi32, #tpu.memory_space<vmem>>[vector<16xi32>, vector<16xi32>], vector<16xi32>,
        %mul3A_302 = arith.constant 20 : i32
        %mul3A_303 = arith.muli %mul3A_264, %mul3A_302 : i32
        %add3A_304 = arith.constant 64 : i32
        %add3A_305 = arith.addi %mul3A_303, %add3A_304 : i32
        %swap3A_306 = arith.index_cast %add3A_305 : i32 to index
        %swap3A_307 = tpu.vector_load %arg12[%swap3A_306] {strides = array<i32>} : memref<1280xi32, #tpu.memory_space<vmem>>, vector<16xi32>,
        tpu.vector_store %arg12[%swap3A_306], %gather3A_301 {strides = array<i32>} : memref<1280xi32, #tpu.memory_space<vmem>>, vector<16xi32>,
      }
      %scan3A_85 = arith.constant 16 : i32
      %dma_start3A = arith.constant 0 : i32
      %dma_start3A_86 = arith.constant 0 : i32
      %dma_start3A_87 = tpu.memref_slice %arg5[%dma_start3A, %dma_start3A_86] : memref<1000000x32xf32, #tpu.memory_space<hbm>> -> memref<1000000x32xf32, #tpu.memory_space<hbm>>
      tpu.enqueue_indirect_dma source(%dma_start3A_87 : memref<1000000x32xf32, #tpu.memory_space<hbm>>) target(%arg13 : memref<64x32xf32, #tpu.memory_space<vmem>>) offsets(%arg9 : memref<64xi32, #tpu.memory_space<vmem>>) semaphore(%arg18 : memref<!tpu.dma_semaphore, #tpu.memory_space<semaphore_mem>>)
      %dma_start3A_88 = arith.constant 0 : i32
      %dma_start3A_89 = arith.constant 0 : i32
      %dma_start3A_90 = tpu.memref_slice %arg6[%dma_start3A_88, %dma_start3A_89] : memref<1000000x32xf32, #tpu.memory_space<hbm>> -> memref<1000000x32xf32, #tpu.memory_space<hbm>>
      tpu.enqueue_indirect_dma source(%dma_start3A_90 : memref<1000000x32xf32, #tpu.memory_space<hbm>>) target(%arg14 : memref<64x32xf32, #tpu.memory_space<vmem>>) offsets(%arg10 : memref<64xi32, #tpu.memory_space<vmem>>) semaphore(%arg18 : memref<!tpu.dma_semaphore, #tpu.memory_space<semaphore_mem>>)
      %dma_start3A_91 = arith.constant 0 : i32
      %dma_start3A_92 = arith.constant 0 : i32
      %dma_start3A_93 = tpu.memref_slice %arg15[%dma_start3A_91, %dma_start3A_92] : memref<1280x32xf32, #tpu.memory_space<vmem>> -> memref<128x32xf32, #tpu.memory_space<vmem>>
      %dma_start3A_94 = arith.constant 0 : i32
      %dma_start3A_95 = tpu.memref_slice %arg12[%dma_start3A_94] : memref<1280xi32, #tpu.memory_space<vmem>> -> memref<128xi32, #tpu.memory_space<vmem>>
      %dma_start3A_96 = arith.constant 0 : i32
      %dma_start3A_97 = arith.constant 0 : i32
      %dma_start3A_98 = tpu.memref_slice %arg6[%dma_start3A_96, %dma_start3A_97] : memref<1000000x32xf32, #tpu.memory_space<hbm>> -> memref<1000000x32xf32, #tpu.memory_space<hbm>>
      tpu.enqueue_indirect_dma source(%dma_start3A_98 : memref<1000000x32xf32, #tpu.memory_space<hbm>>) target(%dma_start3A_93 : memref<128x32xf32, #tpu.memory_space<vmem>>) offsets(%dma_start3A_95 : memref<128xi32, #tpu.memory_space<vmem>>) semaphore(%arg18 : memref<!tpu.dma_semaphore, #tpu.memory_space<semaphore_mem>>)
      %dma_start3A_99 = arith.constant 128 : i32
      %dma_start3A_100 = arith.constant 0 : i32
      %dma_start3A_101 = tpu.memref_slice %arg15[%dma_start3A_99, %dma_start3A_100] : memref<1280x32xf32, #tpu.memory_space<vmem>> -> memref<128x32xf32, #tpu.memory_space<vmem>>
      %dma_start3A_102 = arith.constant 128 : i32
      %dma_start3A_103 = tpu.memref_slice %arg12[%dma_start3A_102] : memref<1280xi32, #tpu.memory_space<vmem>> -> memref<128xi32, #tpu.memory_space<vmem>>
      %dma_start3A_104 = arith.constant 0 : i32
      %dma_start3A_105 = arith.constant 0 : i32
      %dma_start3A_106 = tpu.memref_slice %arg6[%dma_start3A_104, %dma_start3A_105] : memref<1000000x32xf32, #tpu.memory_space<hbm>> -> memref<1000000x32xf32, #tpu.memory_space<hbm>>
      tpu.enqueue_indirect_dma source(%dma_start3A_106 : memref<1000000x32xf32, #tpu.memory_space<hbm>>) target(%dma_start3A_101 : memref<128x32xf32, #tpu.memory_space<vmem>>) offsets(%dma_start3A_103 : memref<128xi32, #tpu.memory_space<vmem>>) semaphore(%arg18 : memref<!tpu.dma_semaphore, #tpu.memory_space<semaphore_mem>>)
      %dma_start3A_107 = arith.constant 256 : i32
      %dma_start3A_108 = arith.constant 0 : i32
      %dma_start3A_109 = tpu.memref_slice %arg15[%dma_start3A_107, %dma_start3A_108] : memref<1280x32xf32, #tpu.memory_space<vmem>> -> memref<128x32xf32, #tpu.memory_space<vmem>>
      %dma_start3A_110 = arith.constant 256 : i32
      %dma_start3A_111 = tpu.memref_slice %arg12[%dma_start3A_110] : memref<1280xi32, #tpu.memory_space<vmem>> -> memref<128xi32, #tpu.memory_space<vmem>>
      %dma_start3A_112 = arith.constant 0 : i32
      %dma_start3A_113 = arith.constant 0 : i32
      %dma_start3A_114 = tpu.memref_slice %arg6[%dma_start3A_112, %dma_start3A_113] : memref<1000000x32xf32, #tpu.memory_space<hbm>> -> memref<1000000x32xf32, #tpu.memory_space<hbm>>
      tpu.enqueue_indirect_dma source(%dma_start3A_114 : memref<1000000x32xf32, #tpu.memory_space<hbm>>) target(%dma_start3A_109 : memref<128x32xf32, #tpu.memory_space<vmem>>) offsets(%dma_start3A_111 : memref<128xi32, #tpu.memory_space<vmem>>) semaphore(%arg18 : memref<!tpu.dma_semaphore, #tpu.memory_space<semaphore_mem>>)
      %dma_start3A_115 = arith.constant 384 : i32
      %dma_start3A_116 = arith.constant 0 : i32
      %dma_start3A_117 = tpu.memref_slice %arg15[%dma_start3A_115, %dma_start3A_116] : memref<1280x32xf32, #tpu.memory_space<vmem>> -> memref<128x32xf32, #tpu.memory_space<vmem>>
      %dma_start3A_118 = arith.constant 384 : i32
      %dma_start3A_119 = tpu.memref_slice %arg12[%dma_start3A_118] : memref<1280xi32, #tpu.memory_space<vmem>> -> memref<128xi32, #tpu.memory_space<vmem>>
      %dma_start3A_120 = arith.constant 0 : i32
      %dma_start3A_121 = arith.constant 0 : i32
      %dma_start3A_122 = tpu.memref_slice %arg6[%dma_start3A_120, %dma_start3A_121] : memref<1000000x32xf32, #tpu.memory_space<hbm>> -> memref<1000000x32xf32, #tpu.memory_space<hbm>>
      tpu.enqueue_indirect_dma source(%dma_start3A_122 : memref<1000000x32xf32, #tpu.memory_space<hbm>>) target(%dma_start3A_117 : memref<128x32xf32, #tpu.memory_space<vmem>>) offsets(%dma_start3A_119 : memref<128xi32, #tpu.memory_space<vmem>>) semaphore(%arg18 : memref<!tpu.dma_semaphore, #tpu.memory_space<semaphore_mem>>)
      %dma_start3A_123 = arith.constant 512 : i32
      %dma_start3A_124 = arith.constant 0 : i32
      %dma_start3A_125 = tpu.memref_slice %arg15[%dma_start3A_123, %dma_start3A_124] : memref<1280x32xf32, #tpu.memory_space<vmem>> -> memref<128x32xf32, #tpu.memory_space<vmem>>
      %dma_start3A_126 = arith.constant 512 : i32
      %dma_start3A_127 = tpu.memref_slice %arg12[%dma_start3A_126] : memref<1280xi32, #tpu.memory_space<vmem>> -> memref<128xi32, #tpu.memory_space<vmem>>
      %dma_start3A_128 = arith.constant 0 : i32
      %dma_start3A_129 = arith.constant 0 : i32
      %dma_start3A_130 = tpu.memref_slice %arg6[%dma_start3A_128, %dma_start3A_129] : memref<1000000x32xf32, #tpu.memory_space<hbm>> -> memref<1000000x32xf32, #tpu.memory_space<hbm>>
      tpu.enqueue_indirect_dma source(%dma_start3A_130 : memref<1000000x32xf32, #tpu.memory_space<hbm>>) target(%dma_start3A_125 : memref<128x32xf32, #tpu.memory_space<vmem>>) offsets(%dma_start3A_127 : memref<128xi32, #tpu.memory_space<vmem>>) semaphore(%arg18 : memref<!tpu.dma_semaphore, #tpu.memory_space<semaphore_mem>>)
      %dma_start3A_131 = arith.constant 640 : i32
      %dma_start3A_132 = arith.constant 0 : i32
      %dma_start3A_133 = tpu.memref_slice %arg15[%dma_start3A_131, %dma_start3A_132] : memref<1280x32xf32, #tpu.memory_space<vmem>> -> memref<128x32xf32, #tpu.memory_space<vmem>>
      %dma_start3A_134 = arith.constant 640 : i32
      %dma_start3A_135 = tpu.memref_slice %arg12[%dma_start3A_134] : memref<1280xi32, #tpu.memory_space<vmem>> -> memref<128xi32, #tpu.memory_space<vmem>>
      %dma_start3A_136 = arith.constant 0 : i32
      %dma_start3A_137 = arith.constant 0 : i32
      %dma_start3A_138 = tpu.memref_slice %arg6[%dma_start3A_136, %dma_start3A_137] : memref<1000000x32xf32, #tpu.memory_space<hbm>> -> memref<1000000x32xf32, #tpu.memory_space<hbm>>
      tpu.enqueue_indirect_dma source(%dma_start3A_138 : memref<1000000x32xf32, #tpu.memory_space<hbm>>) target(%dma_start3A_133 : memref<128x32xf32, #tpu.memory_space<vmem>>) offsets(%dma_start3A_135 : memref<128xi32, #tpu.memory_space<vmem>>) semaphore(%arg18 : memref<!tpu.dma_semaphore, #tpu.memory_space<semaphore_mem>>)
      %dma_start3A_139 = arith.constant 768 : i32
      %dma_start3A_140 = arith.constant 0 : i32
      %dma_start3A_141 = tpu.memref_slice %arg15[%dma_start3A_139, %dma_start3A_140] : memref<1280x32xf32, #tpu.memory_space<vmem>> -> memref<128x32xf32, #tpu.memory_space<vmem>>
      %dma_start3A_142 = arith.constant 768 : i32
      %dma_start3A_143 = tpu.memref_slice %arg12[%dma_start3A_142] : memref<1280xi32, #tpu.memory_space<vmem>> -> memref<128xi32, #tpu.memory_space<vmem>>
      %dma_start3A_144 = arith.constant 0 : i32
      %dma_start3A_145 = arith.constant 0 : i32
      %dma_start3A_146 = tpu.memref_slice %arg6[%dma_start3A_144, %dma_start3A_145] : memref<1000000x32xf32, #tpu.memory_space<hbm>> -> memref<1000000x32xf32, #tpu.memory_space<hbm>>
      tpu.enqueue_indirect_dma source(%dma_start3A_146 : memref<1000000x32xf32, #tpu.memory_space<hbm>>) target(%dma_start3A_141 : memref<128x32xf32, #tpu.memory_space<vmem>>) offsets(%dma_start3A_143 : memref<128xi32, #tpu.memory_space<vmem>>) semaphore(%arg18 : memref<!tpu.dma_semaphore, #tpu.memory_space<semaphore_mem>>)
      %dma_start3A_147 = arith.constant 896 : i32
      %dma_start3A_148 = arith.constant 0 : i32
      %dma_start3A_149 = tpu.memref_slice %arg15[%dma_start3A_147, %dma_start3A_148] : memref<1280x32xf32, #tpu.memory_space<vmem>> -> memref<128x32xf32, #tpu.memory_space<vmem>>
      %dma_start3A_150 = arith.constant 896 : i32
      %dma_start3A_151 = tpu.memref_slice %arg12[%dma_start3A_150] : memref<1280xi32, #tpu.memory_space<vmem>> -> memref<128xi32, #tpu.memory_space<vmem>>
      %dma_start3A_152 = arith.constant 0 : i32
      %dma_start3A_153 = arith.constant 0 : i32
      %dma_start3A_154 = tpu.memref_slice %arg6[%dma_start3A_152, %dma_start3A_153] : memref<1000000x32xf32, #tpu.memory_space<hbm>> -> memref<1000000x32xf32, #tpu.memory_space<hbm>>
      tpu.enqueue_indirect_dma source(%dma_start3A_154 : memref<1000000x32xf32, #tpu.memory_space<hbm>>) target(%dma_start3A_149 : memref<128x32xf32, #tpu.memory_space<vmem>>) offsets(%dma_start3A_151 : memref<128xi32, #tpu.memory_space<vmem>>) semaphore(%arg18 : memref<!tpu.dma_semaphore, #tpu.memory_space<semaphore_mem>>)
      %dma_start3A_155 = arith.constant 1024 : i32
      %dma_start3A_156 = arith.constant 0 : i32
      %dma_start3A_157 = tpu.memref_slice %arg15[%dma_start3A_155, %dma_start3A_156] : memref<1280x32xf32, #tpu.memory_space<vmem>> -> memref<128x32xf32, #tpu.memory_space<vmem>>
      %dma_start3A_158 = arith.constant 1024 : i32
      %dma_start3A_159 = tpu.memref_slice %arg12[%dma_start3A_158] : memref<1280xi32, #tpu.memory_space<vmem>> -> memref<128xi32, #tpu.memory_space<vmem>>
      %dma_start3A_160 = arith.constant 0 : i32
      %dma_start3A_161 = arith.constant 0 : i32
      %dma_start3A_162 = tpu.memref_slice %arg6[%dma_start3A_160, %dma_start3A_161] : memref<1000000x32xf32, #tpu.memory_space<hbm>> -> memref<1000000x32xf32, #tpu.memory_space<hbm>>
      tpu.enqueue_indirect_dma source(%dma_start3A_162 : memref<1000000x32xf32, #tpu.memory_space<hbm>>) target(%dma_start3A_157 : memref<128x32xf32, #tpu.memory_space<vmem>>) offsets(%dma_start3A_159 : memref<128xi32, #tpu.memory_space<vmem>>) semaphore(%arg18 : memref<!tpu.dma_semaphore, #tpu.memory_space<semaphore_mem>>)
      %dma_start3A_163 = arith.constant 1152 : i32
      %dma_start3A_164 = arith.constant 0 : i32
      %dma_start3A_165 = tpu.memref_slice %arg15[%dma_start3A_163, %dma_start3A_164] : memref<1280x32xf32, #tpu.memory_space<vmem>> -> memref<128x32xf32, #tpu.memory_space<vmem>>
      %dma_start3A_166 = arith.constant 1152 : i32
      %dma_start3A_167 = tpu.memref_slice %arg12[%dma_start3A_166] : memref<1280xi32, #tpu.memory_space<vmem>> -> memref<128xi32, #tpu.memory_space<vmem>>
      %dma_start3A_168 = arith.constant 0 : i32
      %dma_start3A_169 = arith.constant 0 : i32
      %dma_start3A_170 = tpu.memref_slice %arg6[%dma_start3A_168, %dma_start3A_169] : memref<1000000x32xf32, #tpu.memory_space<hbm>> -> memref<1000000x32xf32, #tpu.memory_space<hbm>>
      tpu.enqueue_indirect_dma source(%dma_start3A_170 : memref<1000000x32xf32, #tpu.memory_space<hbm>>) target(%dma_start3A_165 : memref<128x32xf32, #tpu.memory_space<vmem>>) offsets(%dma_start3A_167 : memref<128xi32, #tpu.memory_space<vmem>>) semaphore(%arg18 : memref<!tpu.dma_semaphore, #tpu.memory_space<semaphore_mem>>)
      %dma_wait3A = arith.constant 0 : i32
      %dma_wait3A_171 = arith.constant 0 : i32
      %dma_wait3A_172 = tpu.memref_slice %arg5[%dma_wait3A, %dma_wait3A_171] : memref<1000000x32xf32, #tpu.memory_space<hbm>> -> memref<1000000x32xf32, #tpu.memory_space<hbm>>
      tpu.wait_indirect_dma semaphore(%arg18 : memref<!tpu.dma_semaphore, #tpu.memory_space<semaphore_mem>>) src(%dma_wait3A_172 : memref<1000000x32xf32, #tpu.memory_space<hbm>>) dst(%arg13 : memref<64x32xf32, #tpu.memory_space<vmem>>)
      %dma_wait3A_173 = arith.constant 0 : i32
      %dma_wait3A_174 = arith.constant 0 : i32
      %dma_wait3A_175 = tpu.memref_slice %arg6[%dma_wait3A_173, %dma_wait3A_174] : memref<1000000x32xf32, #tpu.memory_space<hbm>> -> memref<1000000x32xf32, #tpu.memory_space<hbm>>
      tpu.wait_indirect_dma semaphore(%arg18 : memref<!tpu.dma_semaphore, #tpu.memory_space<semaphore_mem>>) src(%dma_wait3A_175 : memref<1000000x32xf32, #tpu.memory_space<hbm>>) dst(%arg14 : memref<64x32xf32, #tpu.memory_space<vmem>>)
      %dma_wait3A_176 = arith.constant 0 : i32
      %dma_wait3A_177 = arith.constant 0 : i32
      %dma_wait3A_178 = tpu.memref_slice %arg15[%dma_wait3A_176, %dma_wait3A_177] : memref<1280x32xf32, #tpu.memory_space<vmem>> -> memref<128x32xf32, #tpu.memory_space<vmem>>
      %dma_wait3A_179 = arith.constant 0 : i32
      %dma_wait3A_180 = tpu.memref_slice %arg12[%dma_wait3A_179] : memref<1280xi32, #tpu.memory_space<vmem>> -> memref<128xi32, #tpu.memory_space<vmem>>
      %dma_wait3A_181 = arith.constant 0 : i32
      %dma_wait3A_182 = arith.constant 0 : i32
      %dma_wait3A_183 = tpu.memref_slice %arg6[%dma_wait3A_181, %dma_wait3A_182] : memref<1000000x32xf32, #tpu.memory_space<hbm>> -> memref<1000000x32xf32, #tpu.memory_space<hbm>>
      tpu.wait_indirect_dma semaphore(%arg18 : memref<!tpu.dma_semaphore, #tpu.memory_space<semaphore_mem>>) src(%dma_wait3A_183 : memref<1000000x32xf32, #tpu.memory_space<hbm>>) dst(%dma_wait3A_178 : memref<128x32xf32, #tpu.memory_space<vmem>>)
      %dma_wait3A_184 = arith.constant 128 : i32
      %dma_wait3A_185 = arith.constant 0 : i32
      %dma_wait3A_186 = tpu.memref_slice %arg15[%dma_wait3A_184, %dma_wait3A_185] : memref<1280x32xf32, #tpu.memory_space<vmem>> -> memref<128x32xf32, #tpu.memory_space<vmem>>
      %dma_wait3A_187 = arith.constant 128 : i32
      %dma_wait3A_188 = tpu.memref_slice %arg12[%dma_wait3A_187] : memref<1280xi32, #tpu.memory_space<vmem>> -> memref<128xi32, #tpu.memory_space<vmem>>
      %dma_wait3A_189 = arith.constant 0 : i32
      %dma_wait3A_190 = arith.constant 0 : i32
      %dma_wait3A_191 = tpu.memref_slice %arg6[%dma_wait3A_189, %dma_wait3A_190] : memref<1000000x32xf32, #tpu.memory_space<hbm>> -> memref<1000000x32xf32, #tpu.memory_space<hbm>>
      tpu.wait_indirect_dma semaphore(%arg18 : memref<!tpu.dma_semaphore, #tpu.memory_space<semaphore_mem>>) src(%dma_wait3A_191 : memref<1000000x32xf32, #tpu.memory_space<hbm>>) dst(%dma_wait3A_186 : memref<128x32xf32, #tpu.memory_space<vmem>>)
      %dma_wait3A_192 = arith.constant 256 : i32
      %dma_wait3A_193 = arith.constant 0 : i32
      %dma_wait3A_194 = tpu.memref_slice %arg15[%dma_wait3A_192, %dma_wait3A_193] : memref<1280x32xf32, #tpu.memory_space<vmem>> -> memref<128x32xf32, #tpu.memory_space<vmem>>
      %dma_wait3A_195 = arith.constant 256 : i32
      %dma_wait3A_196 = tpu.memref_slice %arg12[%dma_wait3A_195] : memref<1280xi32, #tpu.memory_space<vmem>> -> memref<128xi32, #tpu.memory_space<vmem>>
      %dma_wait3A_197 = arith.constant 0 : i32
      %dma_wait3A_198 = arith.constant 0 : i32
      %dma_wait3A_199 = tpu.memref_slice %arg6[%dma_wait3A_197, %dma_wait3A_198] : memref<1000000x32xf32, #tpu.memory_space<hbm>> -> memref<1000000x32xf32, #tpu.memory_space<hbm>>
      tpu.wait_indirect_dma semaphore(%arg18 : memref<!tpu.dma_semaphore, #tpu.memory_space<semaphore_mem>>) src(%dma_wait3A_199 : memref<1000000x32xf32, #tpu.memory_space<hbm>>) dst(%dma_wait3A_194 : memref<128x32xf32, #tpu.memory_space<vmem>>)
      %dma_wait3A_200 = arith.constant 384 : i32
      %dma_wait3A_201 = arith.constant 0 : i32
      %dma_wait3A_202 = tpu.memref_slice %arg15[%dma_wait3A_200, %dma_wait3A_201] : memref<1280x32xf32, #tpu.memory_space<vmem>> -> memref<128x32xf32, #tpu.memory_space<vmem>>
      %dma_wait3A_203 = arith.constant 384 : i32
      %dma_wait3A_204 = tpu.memref_slice %arg12[%dma_wait3A_203] : memref<1280xi32, #tpu.memory_space<vmem>> -> memref<128xi32, #tpu.memory_space<vmem>>
      %dma_wait3A_205 = arith.constant 0 : i32
      %dma_wait3A_206 = arith.constant 0 : i32
      %dma_wait3A_207 = tpu.memref_slice %arg6[%dma_wait3A_205, %dma_wait3A_206] : memref<1000000x32xf32, #tpu.memory_space<hbm>> -> memref<1000000x32xf32, #tpu.memory_space<hbm>>
      tpu.wait_indirect_dma semaphore(%arg18 : memref<!tpu.dma_semaphore, #tpu.memory_space<semaphore_mem>>) src(%dma_wait3A_207 : memref<1000000x32xf32, #tpu.memory_space<hbm>>) dst(%dma_wait3A_202 : memref<128x32xf32, #tpu.memory_space<vmem>>)
      %dma_wait3A_208 = arith.constant 512 : i32
      %dma_wait3A_209 = arith.constant 0 : i32
      %dma_wait3A_210 = tpu.memref_slice %arg15[%dma_wait3A_208, %dma_wait3A_209] : memref<1280x32xf32, #tpu.memory_space<vmem>> -> memref<128x32xf32, #tpu.memory_space<vmem>>
      %dma_wait3A_211 = arith.constant 512 : i32
      %dma_wait3A_212 = tpu.memref_slice %arg12[%dma_wait3A_211] : memref<1280xi32, #tpu.memory_space<vmem>> -> memref<128xi32, #tpu.memory_space<vmem>>
      %dma_wait3A_213 = arith.constant 0 : i32
      %dma_wait3A_214 = arith.constant 0 : i32
      %dma_wait3A_215 = tpu.memref_slice %arg6[%dma_wait3A_213, %dma_wait3A_214] : memref<1000000x32xf32, #tpu.memory_space<hbm>> -> memref<1000000x32xf32, #tpu.memory_space<hbm>>
      tpu.wait_indirect_dma semaphore(%arg18 : memref<!tpu.dma_semaphore, #tpu.memory_space<semaphore_mem>>) src(%dma_wait3A_215 : memref<1000000x32xf32, #tpu.memory_space<hbm>>) dst(%dma_wait3A_210 : memref<128x32xf32, #tpu.memory_space<vmem>>)
      %dma_wait3A_216 = arith.constant 640 : i32
      %dma_wait3A_217 = arith.constant 0 : i32
      %dma_wait3A_218 = tpu.memref_slice %arg15[%dma_wait3A_216, %dma_wait3A_217] : memref<1280x32xf32, #tpu.memory_space<vmem>> -> memref<128x32xf32, #tpu.memory_space<vmem>>
      %dma_wait3A_219 = arith.constant 640 : i32
      %dma_wait3A_220 = tpu.memref_slice %arg12[%dma_wait3A_219] : memref<1280xi32, #tpu.memory_space<vmem>> -> memref<128xi32, #tpu.memory_space<vmem>>
      %dma_wait3A_221 = arith.constant 0 : i32
      %dma_wait3A_222 = arith.constant 0 : i32
      %dma_wait3A_223 = tpu.memref_slice %arg6[%dma_wait3A_221, %dma_wait3A_222] : memref<1000000x32xf32, #tpu.memory_space<hbm>> -> memref<1000000x32xf32, #tpu.memory_space<hbm>>
      tpu.wait_indirect_dma semaphore(%arg18 : memref<!tpu.dma_semaphore, #tpu.memory_space<semaphore_mem>>) src(%dma_wait3A_223 : memref<1000000x32xf32, #tpu.memory_space<hbm>>) dst(%dma_wait3A_218 : memref<128x32xf32, #tpu.memory_space<vmem>>)
      %dma_wait3A_224 = arith.constant 768 : i32
      %dma_wait3A_225 = arith.constant 0 : i32
      %dma_wait3A_226 = tpu.memref_slice %arg15[%dma_wait3A_224, %dma_wait3A_225] : memref<1280x32xf32, #tpu.memory_space<vmem>> -> memref<128x32xf32, #tpu.memory_space<vmem>>
      %dma_wait3A_227 = arith.constant 768 : i32
      %dma_wait3A_228 = tpu.memref_slice %arg12[%dma_wait3A_227] : memref<1280xi32, #tpu.memory_space<vmem>> -> memref<128xi32, #tpu.memory_space<vmem>>
      %dma_wait3A_229 = arith.constant 0 : i32
      %dma_wait3A_230 = arith.constant 0 : i32
      %dma_wait3A_231 = tpu.memref_slice %arg6[%dma_wait3A_229, %dma_wait3A_230] : memref<1000000x32xf32, #tpu.memory_space<hbm>> -> memref<1000000x32xf32, #tpu.memory_space<hbm>>
      tpu.wait_indirect_dma semaphore(%arg18 : memref<!tpu.dma_semaphore, #tpu.memory_space<semaphore_mem>>) src(%dma_wait3A_231 : memref<1000000x32xf32, #tpu.memory_space<hbm>>) dst(%dma_wait3A_226 : memref<128x32xf32, #tpu.memory_space<vmem>>)
      %dma_wait3A_232 = arith.constant 896 : i32
      %dma_wait3A_233 = arith.constant 0 : i32
      %dma_wait3A_234 = tpu.memref_slice %arg15[%dma_wait3A_232, %dma_wait3A_233] : memref<1280x32xf32, #tpu.memory_space<vmem>> -> memref<128x32xf32, #tpu.memory_space<vmem>>
      %dma_wait3A_235 = arith.constant 896 : i32
      %dma_wait3A_236 = tpu.memref_slice %arg12[%dma_wait3A_235] : memref<1280xi32, #tpu.memory_space<vmem>> -> memref<128xi32, #tpu.memory_space<vmem>>
      %dma_wait3A_237 = arith.constant 0 : i32
      %dma_wait3A_238 = arith.constant 0 : i32
      %dma_wait3A_239 = tpu.memref_slice %arg6[%dma_wait3A_237, %dma_wait3A_238] : memref<1000000x32xf32, #tpu.memory_space<hbm>> -> memref<1000000x32xf32, #tpu.memory_space<hbm>>
      tpu.wait_indirect_dma semaphore(%arg18 : memref<!tpu.dma_semaphore, #tpu.memory_space<semaphore_mem>>) src(%dma_wait3A_239 : memref<1000000x32xf32, #tpu.memory_space<hbm>>) dst(%dma_wait3A_234 : memref<128x32xf32, #tpu.memory_space<vmem>>)
      %dma_wait3A_240 = arith.constant 1024 : i32
      %dma_wait3A_241 = arith.constant 0 : i32
      %dma_wait3A_242 = tpu.memref_slice %arg15[%dma_wait3A_240, %dma_wait3A_241] : memref<1280x32xf32, #tpu.memory_space<vmem>> -> memref<128x32xf32, #tpu.memory_space<vmem>>
      %dma_wait3A_243 = arith.constant 1024 : i32
      %dma_wait3A_244 = tpu.memref_slice %arg12[%dma_wait3A_243] : memref<1280xi32, #tpu.memory_space<vmem>> -> memref<128xi32, #tpu.memory_space<vmem>>
      %dma_wait3A_245 = arith.constant 0 : i32
      %dma_wait3A_246 = arith.constant 0 : i32
      %dma_wait3A_247 = tpu.memref_slice %arg6[%dma_wait3A_245, %dma_wait3A_246] : memref<1000000x32xf32, #tpu.memory_space<hbm>> -> memref<1000000x32xf32, #tpu.memory_space<hbm>>
      tpu.wait_indirect_dma semaphore(%arg18 : memref<!tpu.dma_semaphore, #tpu.memory_space<semaphore_mem>>) src(%dma_wait3A_247 : memref<1000000x32xf32, #tpu.memory_space<hbm>>) dst(%dma_wait3A_242 : memref<128x32xf32, #tpu.memory_space<vmem>>)
      %dma_wait3A_248 = arith.constant 1152 : i32
      %dma_wait3A_249 = arith.constant 0 : i32
      %dma_wait3A_250 = tpu.memref_slice %arg15[%dma_wait3A_248, %dma_wait3A_249] : memref<1280x32xf32, #tpu.memory_space<vmem>> -> memref<128x32xf32, #tpu.memory_space<vmem>>
      %dma_wait3A_251 = arith.constant 1152 : i32
      %dma_wait3A_252 = tpu.memref_slice %arg12[%dma_wait3A_251] : memref<1280xi32, #tpu.memory_space<vmem>> -> memref<128xi32, #tpu.memory_space<vmem>>
      %dma_wait3A_253 = arith.constant 0 : i32
      %dma_wait3A_254 = arith.constant 0 : i32
      %dma_wait3A_255 = tpu.memref_slice %arg6[%dma_wait3A_253, %dma_wait3A_254] : memref<1000000x32xf32, #tpu.memory_space<hbm>> -> memref<1000000x32xf32, #tpu.memory_space<hbm>>
      tpu.wait_indirect_dma semaphore(%arg18 : memref<!tpu.dma_semaphore, #tpu.memory_space<semaphore_mem>>) src(%dma_wait3A_255 : memref<1000000x32xf32, #tpu.memory_space<hbm>>) dst(%dma_wait3A_250 : memref<128x32xf32, #tpu.memory_space<vmem>>)
      %scan3A_256 = arith.constant 0 : i32
      %scan3A_257 = arith.constant 0 : i32
      %scan3A_258 = arith.constant 64 : i32
      %scan3A_259 = arith.addi %scan3A_257, %scan3A_258 : i32
      %scan3A_260 = arith.constant 1 : i32
      scf.for %scan3A_262 = %scan3A_257 to %scan3A_259 step %scan3A_260  : i32 {
        %get3A = arith.index_cast %scan3A_262 : i32 to index
        %get3A_263 = arith.constant 0 : index
        %get3A_264 = tpu.vector_load %arg13[%get3A, %get3A_263] {strides = array<i32>} : memref<64x32xf32, #tpu.memory_space<vmem>>, vector<16xf32>,
        %get3A_265 = arith.index_cast %scan3A_262 : i32 to index
        %get3A_266 = arith.constant 16 : index
        %get3A_267 = tpu.vector_load %arg13[%get3A_265, %get3A_266] {strides = array<i32>} : memref<64x32xf32, #tpu.memory_space<vmem>>, vector<16xf32>,
        %get3A_268 = arith.index_cast %scan3A_262 : i32 to index
        %get3A_269 = arith.constant 0 : index
        %get3A_270 = tpu.vector_load %arg14[%get3A_268, %get3A_269] {strides = array<i32>} : memref<64x32xf32, #tpu.memory_space<vmem>>, vector<16xf32>,
        %mul3A_271 = arith.mulf %get3A_264, %get3A_270 : vector<16xf32>
        %get3A_272 = arith.index_cast %scan3A_262 : i32 to index
        %get3A_273 = arith.constant 16 : index
        %get3A_274 = tpu.vector_load %arg14[%get3A_272, %get3A_273] {strides = array<i32>} : memref<64x32xf32, #tpu.memory_space<vmem>>, vector<16xf32>,
        %mul3A_275 = arith.mulf %get3A_267, %get3A_274 : vector<16xf32>
        %add3A_276 = arith.addf %mul3A_271, %mul3A_275 : vector<16xf32>
        %broadcast_in_dim3A_277 = vector.broadcast %scan3A_262 : i32 to vector<16xi32>
        %broadcast_in_dim3A_278 = arith.constant true
        %broadcast_in_dim3A_279 = vector.broadcast %broadcast_in_dim3A_278 : i1 to vector<16xi1>
        %masked_cumsum3A = tpu.scan <sum>, %add3A_276 masked %broadcast_in_dim3A_279 : vector<16xf32>, vector<16xi1> -> vector<16xf32>
        tpu.vector_store_idx %arg16[%broadcast_in_dim3A_277], %masked_cumsum3A masked %eq3A_2 : memref<64xf32, #tpu.memory_space<vmem>>[vector<16xi32>], vector<16xf32>, vector<16xi1>
        %mul3A_280 = arith.constant 20 : i32
        %mul3A_281 = arith.muli %scan3A_262, %mul3A_280 : i32
        %add3A_282 = arith.constant 0 : i32
        %add3A_283 = arith.addi %mul3A_281, %add3A_282 : i32
        %get3A_284 = arith.index_cast %add3A_283 : i32 to index
        %get3A_285 = arith.constant 0 : index
        %get3A_286 = tpu.vector_load %arg15[%get3A_284, %get3A_285] {strides = array<i32>} : memref<1280x32xf32, #tpu.memory_space<vmem>>, vector<16xf32>,
        %mul3A_287 = arith.mulf %get3A_264, %get3A_286 : vector<16xf32>
        %get3A_288 = arith.index_cast %add3A_283 : i32 to index
        %get3A_289 = arith.constant 16 : index
        %get3A_290 = tpu.vector_load %arg15[%get3A_288, %get3A_289] {strides = array<i32>} : memref<1280x32xf32, #tpu.memory_space<vmem>>, vector<16xf32>,
        %mul3A_291 = arith.mulf %get3A_267, %get3A_290 : vector<16xf32>
        %add3A_292 = arith.addf %mul3A_287, %mul3A_291 : vector<16xf32>
        %broadcast_in_dim3A_293 = vector.broadcast %scan3A_262 : i32 to vector<16xi32>
        %broadcast_in_dim3A_294 = arith.constant 0 : i32
        %broadcast_in_dim3A_295 = vector.broadcast %broadcast_in_dim3A_294 : i32 to vector<16xi32>
        %broadcast_in_dim3A_296 = arith.constant true
        %broadcast_in_dim3A_297 = vector.broadcast %broadcast_in_dim3A_296 : i1 to vector<16xi1>
        %masked_cumsum3A_298 = tpu.scan <sum>, %add3A_292 masked %broadcast_in_dim3A_297 : vector<16xf32>, vector<16xi1> -> vector<16xf32>
        tpu.vector_store_idx %arg17[%broadcast_in_dim3A_293, %broadcast_in_dim3A_295], %masked_cumsum3A_298 masked %eq3A_2 : memref<64x20xf32, #tpu.memory_space<vmem>>[vector<16xi32>, vector<16xi32>], vector<16xf32>, vector<16xi1>
        %mul3A_299 = arith.constant 20 : i32
        %mul3A_300 = arith.muli %scan3A_262, %mul3A_299 : i32
        %add3A_301 = arith.constant 1 : i32
        %add3A_302 = arith.addi %mul3A_300, %add3A_301 : i32
        %get3A_303 = arith.index_cast %add3A_302 : i32 to index
        %get3A_304 = arith.constant 0 : index
        %get3A_305 = tpu.vector_load %arg15[%get3A_303, %get3A_304] {strides = array<i32>} : memref<1280x32xf32, #tpu.memory_space<vmem>>, vector<16xf32>,
        %mul3A_306 = arith.mulf %get3A_264, %get3A_305 : vector<16xf32>
        %get3A_307 = arith.index_cast %add3A_302 : i32 to index
        %get3A_308 = arith.constant 16 : index
        %get3A_309 = tpu.vector_load %arg15[%get3A_307, %get3A_308] {strides = array<i32>} : memref<1280x32xf32, #tpu.memory_space<vmem>>, vector<16xf32>,
        %mul3A_310 = arith.mulf %get3A_267, %get3A_309 : vector<16xf32>
        %add3A_311 = arith.addf %mul3A_306, %mul3A_310 : vector<16xf32>
        %broadcast_in_dim3A_312 = vector.broadcast %scan3A_262 : i32 to vector<16xi32>
        %broadcast_in_dim3A_313 = arith.constant 1 : i32
        %broadcast_in_dim3A_314 = vector.broadcast %broadcast_in_dim3A_313 : i32 to vector<16xi32>
        %broadcast_in_dim3A_315 = arith.constant true
        %broadcast_in_dim3A_316 = vector.broadcast %broadcast_in_dim3A_315 : i1 to vector<16xi1>
        %masked_cumsum3A_317 = tpu.scan <sum>, %add3A_311 masked %broadcast_in_dim3A_316 : vector<16xf32>, vector<16xi1> -> vector<16xf32>
        tpu.vector_store_idx %arg17[%broadcast_in_dim3A_312, %broadcast_in_dim3A_314], %masked_cumsum3A_317 masked %eq3A_2 : memref<64x20xf32, #tpu.memory_space<vmem>>[vector<16xi32>, vector<16xi32>], vector<16xf32>, vector<16xi1>
        %mul3A_318 = arith.constant 20 : i32
        %mul3A_319 = arith.muli %scan3A_262, %mul3A_318 : i32
        %add3A_320 = arith.constant 2 : i32
        %add3A_321 = arith.addi %mul3A_319, %add3A_320 : i32
        %get3A_322 = arith.index_cast %add3A_321 : i32 to index
        %get3A_323 = arith.constant 0 : index
        %get3A_324 = tpu.vector_load %arg15[%get3A_322, %get3A_323] {strides = array<i32>} : memref<1280x32xf32, #tpu.memory_space<vmem>>, vector<16xf32>,
        %mul3A_325 = arith.mulf %get3A_264, %get3A_324 : vector<16xf32>
        %get3A_326 = arith.index_cast %add3A_321 : i32 to index
        %get3A_327 = arith.constant 16 : index
        %get3A_328 = tpu.vector_load %arg15[%get3A_326, %get3A_327] {strides = array<i32>} : memref<1280x32xf32, #tpu.memory_space<vmem>>, vector<16xf32>,
        %mul3A_329 = arith.mulf %get3A_267, %get3A_328 : vector<16xf32>
        %add3A_330 = arith.addf %mul3A_325, %mul3A_329 : vector<16xf32>
        %broadcast_in_dim3A_331 = vector.broadcast %scan3A_262 : i32 to vector<16xi32>
        %broadcast_in_dim3A_332 = arith.constant 2 : i32
        %broadcast_in_dim3A_333 = vector.broadcast %broadcast_in_dim3A_332 : i32 to vector<16xi32>
        %broadcast_in_dim3A_334 = arith.constant true
        %broadcast_in_dim3A_335 = vector.broadcast %broadcast_in_dim3A_334 : i1 to vector<16xi1>
        %masked_cumsum3A_336 = tpu.scan <sum>, %add3A_330 masked %broadcast_in_dim3A_335 : vector<16xf32>, vector<16xi1> -> vector<16xf32>
        tpu.vector_store_idx %arg17[%broadcast_in_dim3A_331, %broadcast_in_dim3A_333], %masked_cumsum3A_336 masked %eq3A_2 : memref<64x20xf32, #tpu.memory_space<vmem>>[vector<16xi32>, vector<16xi32>], vector<16xf32>, vector<16xi1>
        %mul3A_337 = arith.constant 20 : i32
        %mul3A_338 = arith.muli %scan3A_262, %mul3A_337 : i32
        %add3A_339 = arith.constant 3 : i32
        %add3A_340 = arith.addi %mul3A_338, %add3A_339 : i32
        %get3A_341 = arith.index_cast %add3A_340 : i32 to index
        %get3A_342 = arith.constant 0 : index
        %get3A_343 = tpu.vector_load %arg15[%get3A_341, %get3A_342] {strides = array<i32>} : memref<1280x32xf32, #tpu.memory_space<vmem>>, vector<16xf32>,
        %mul3A_344 = arith.mulf %get3A_264, %get3A_343 : vector<16xf32>
        %get3A_345 = arith.index_cast %add3A_340 : i32 to index
        %get3A_346 = arith.constant 16 : index
        %get3A_347 = tpu.vector_load %arg15[%get3A_345, %get3A_346] {strides = array<i32>} : memref<1280x32xf32, #tpu.memory_space<vmem>>, vector<16xf32>,
        %mul3A_348 = arith.mulf %get3A_267, %get3A_347 : vector<16xf32>
        %add3A_349 = arith.addf %mul3A_344, %mul3A_348 : vector<16xf32>
        %broadcast_in_dim3A_350 = vector.broadcast %scan3A_262 : i32 to vector<16xi32>
        %broadcast_in_dim3A_351 = arith.constant 3 : i32
        %broadcast_in_dim3A_352 = vector.broadcast %broadcast_in_dim3A_351 : i32 to vector<16xi32>
        %broadcast_in_dim3A_353 = arith.constant true
        %broadcast_in_dim3A_354 = vector.broadcast %broadcast_in_dim3A_353 : i1 to vector<16xi1>
        %masked_cumsum3A_355 = tpu.scan <sum>, %add3A_349 masked %broadcast_in_dim3A_354 : vector<16xf32>, vector<16xi1> -> vector<16xf32>
        tpu.vector_store_idx %arg17[%broadcast_in_dim3A_350, %broadcast_in_dim3A_352], %masked_cumsum3A_355 masked %eq3A_2 : memref<64x20xf32, #tpu.memory_space<vmem>>[vector<16xi32>, vector<16xi32>], vector<16xf32>, vector<16xi1>
        %mul3A_356 = arith.constant 20 : i32
        %mul3A_357 = arith.muli %scan3A_262, %mul3A_356 : i32
        %add3A_358 = arith.constant 4 : i32
        %add3A_359 = arith.addi %mul3A_357, %add3A_358 : i32
        %get3A_360 = arith.index_cast %add3A_359 : i32 to index
        %get3A_361 = arith.constant 0 : index
        %get3A_362 = tpu.vector_load %arg15[%get3A_360, %get3A_361] {strides = array<i32>} : memref<1280x32xf32, #tpu.memory_space<vmem>>, vector<16xf32>,
        %mul3A_363 = arith.mulf %get3A_264, %get3A_362 : vector<16xf32>
        %get3A_364 = arith.index_cast %add3A_359 : i32 to index
        %get3A_365 = arith.constant 16 : index
        %get3A_366 = tpu.vector_load %arg15[%get3A_364, %get3A_365] {strides = array<i32>} : memref<1280x32xf32, #tpu.memory_space<vmem>>, vector<16xf32>,
        %mul3A_367 = arith.mulf %get3A_267, %get3A_366 : vector<16xf32>
        %add3A_368 = arith.addf %mul3A_363, %mul3A_367 : vector<16xf32>
        %broadcast_in_dim3A_369 = vector.broadcast %scan3A_262 : i32 to vector<16xi32>
        %broadcast_in_dim3A_370 = arith.constant 4 : i32
        %broadcast_in_dim3A_371 = vector.broadcast %broadcast_in_dim3A_370 : i32 to vector<16xi32>
        %broadcast_in_dim3A_372 = arith.constant true
        %broadcast_in_dim3A_373 = vector.broadcast %broadcast_in_dim3A_372 : i1 to vector<16xi1>
        %masked_cumsum3A_374 = tpu.scan <sum>, %add3A_368 masked %broadcast_in_dim3A_373 : vector<16xf32>, vector<16xi1> -> vector<16xf32>
        tpu.vector_store_idx %arg17[%broadcast_in_dim3A_369, %broadcast_in_dim3A_371], %masked_cumsum3A_374 masked %eq3A_2 : memref<64x20xf32, #tpu.memory_space<vmem>>[vector<16xi32>, vector<16xi32>], vector<16xf32>, vector<16xi1>
        %mul3A_375 = arith.constant 20 : i32
        %mul3A_376 = arith.muli %scan3A_262, %mul3A_375 : i32
        %add3A_377 = arith.constant 5 : i32
        %add3A_378 = arith.addi %mul3A_376, %add3A_377 : i32
        %get3A_379 = arith.index_cast %add3A_378 : i32 to index
        %get3A_380 = arith.constant 0 : index
        %get3A_381 = tpu.vector_load %arg15[%get3A_379, %get3A_380] {strides = array<i32>} : memref<1280x32xf32, #tpu.memory_space<vmem>>, vector<16xf32>,
        %mul3A_382 = arith.mulf %get3A_264, %get3A_381 : vector<16xf32>
        %get3A_383 = arith.index_cast %add3A_378 : i32 to index
        %get3A_384 = arith.constant 16 : index
        %get3A_385 = tpu.vector_load %arg15[%get3A_383, %get3A_384] {strides = array<i32>} : memref<1280x32xf32, #tpu.memory_space<vmem>>, vector<16xf32>,
        %mul3A_386 = arith.mulf %get3A_267, %get3A_385 : vector<16xf32>
        %add3A_387 = arith.addf %mul3A_382, %mul3A_386 : vector<16xf32>
        %broadcast_in_dim3A_388 = vector.broadcast %scan3A_262 : i32 to vector<16xi32>
        %broadcast_in_dim3A_389 = arith.constant 5 : i32
        %broadcast_in_dim3A_390 = vector.broadcast %broadcast_in_dim3A_389 : i32 to vector<16xi32>
        %broadcast_in_dim3A_391 = arith.constant true
        %broadcast_in_dim3A_392 = vector.broadcast %broadcast_in_dim3A_391 : i1 to vector<16xi1>
        %masked_cumsum3A_393 = tpu.scan <sum>, %add3A_387 masked %broadcast_in_dim3A_392 : vector<16xf32>, vector<16xi1> -> vector<16xf32>
        tpu.vector_store_idx %arg17[%broadcast_in_dim3A_388, %broadcast_in_dim3A_390], %masked_cumsum3A_393 masked %eq3A_2 : memref<64x20xf32, #tpu.memory_space<vmem>>[vector<16xi32>, vector<16xi32>], vector<16xf32>, vector<16xi1>
        %mul3A_394 = arith.constant 20 : i32
        %mul3A_395 = arith.muli %scan3A_262, %mul3A_394 : i32
        %add3A_396 = arith.constant 6 : i32
        %add3A_397 = arith.addi %mul3A_395, %add3A_396 : i32
        %get3A_398 = arith.index_cast %add3A_397 : i32 to index
        %get3A_399 = arith.constant 0 : index
        %get3A_400 = tpu.vector_load %arg15[%get3A_398, %get3A_399] {strides = array<i32>} : memref<1280x32xf32, #tpu.memory_space<vmem>>, vector<16xf32>,
        %mul3A_401 = arith.mulf %get3A_264, %get3A_400 : vector<16xf32>
        %get3A_402 = arith.index_cast %add3A_397 : i32 to index
        %get3A_403 = arith.constant 16 : index
        %get3A_404 = tpu.vector_load %arg15[%get3A_402, %get3A_403] {strides = array<i32>} : memref<1280x32xf32, #tpu.memory_space<vmem>>, vector<16xf32>,
        %mul3A_405 = arith.mulf %get3A_267, %get3A_404 : vector<16xf32>
        %add3A_406 = arith.addf %mul3A_401, %mul3A_405 : vector<16xf32>
        %broadcast_in_dim3A_407 = vector.broadcast %scan3A_262 : i32 to vector<16xi32>
        %broadcast_in_dim3A_408 = arith.constant 6 : i32
        %broadcast_in_dim3A_409 = vector.broadcast %broadcast_in_dim3A_408 : i32 to vector<16xi32>
        %broadcast_in_dim3A_410 = arith.constant true
        %broadcast_in_dim3A_411 = vector.broadcast %broadcast_in_dim3A_410 : i1 to vector<16xi1>
        %masked_cumsum3A_412 = tpu.scan <sum>, %add3A_406 masked %broadcast_in_dim3A_411 : vector<16xf32>, vector<16xi1> -> vector<16xf32>
        tpu.vector_store_idx %arg17[%broadcast_in_dim3A_407, %broadcast_in_dim3A_409], %masked_cumsum3A_412 masked %eq3A_2 : memref<64x20xf32, #tpu.memory_space<vmem>>[vector<16xi32>, vector<16xi32>], vector<16xf32>, vector<16xi1>
        %mul3A_413 = arith.constant 20 : i32
        %mul3A_414 = arith.muli %scan3A_262, %mul3A_413 : i32
        %add3A_415 = arith.constant 7 : i32
        %add3A_416 = arith.addi %mul3A_414, %add3A_415 : i32
        %get3A_417 = arith.index_cast %add3A_416 : i32 to index
        %get3A_418 = arith.constant 0 : index
        %get3A_419 = tpu.vector_load %arg15[%get3A_417, %get3A_418] {strides = array<i32>} : memref<1280x32xf32, #tpu.memory_space<vmem>>, vector<16xf32>,
        %mul3A_420 = arith.mulf %get3A_264, %get3A_419 : vector<16xf32>
        %get3A_421 = arith.index_cast %add3A_416 : i32 to index
        %get3A_422 = arith.constant 16 : index
        %get3A_423 = tpu.vector_load %arg15[%get3A_421, %get3A_422] {strides = array<i32>} : memref<1280x32xf32, #tpu.memory_space<vmem>>, vector<16xf32>,
        %mul3A_424 = arith.mulf %get3A_267, %get3A_423 : vector<16xf32>
        %add3A_425 = arith.addf %mul3A_420, %mul3A_424 : vector<16xf32>
        %broadcast_in_dim3A_426 = vector.broadcast %scan3A_262 : i32 to vector<16xi32>
        %broadcast_in_dim3A_427 = arith.constant 7 : i32
        %broadcast_in_dim3A_428 = vector.broadcast %broadcast_in_dim3A_427 : i32 to vector<16xi32>
        %broadcast_in_dim3A_429 = arith.constant true
        %broadcast_in_dim3A_430 = vector.broadcast %broadcast_in_dim3A_429 : i1 to vector<16xi1>
        %masked_cumsum3A_431 = tpu.scan <sum>, %add3A_425 masked %broadcast_in_dim3A_430 : vector<16xf32>, vector<16xi1> -> vector<16xf32>
        tpu.vector_store_idx %arg17[%broadcast_in_dim3A_426, %broadcast_in_dim3A_428], %masked_cumsum3A_431 masked %eq3A_2 : memref<64x20xf32, #tpu.memory_space<vmem>>[vector<16xi32>, vector<16xi32>], vector<16xf32>, vector<16xi1>
        %mul3A_432 = arith.constant 20 : i32
        %mul3A_433 = arith.muli %scan3A_262, %mul3A_432 : i32
        %add3A_434 = arith.constant 8 : i32
        %add3A_435 = arith.addi %mul3A_433, %add3A_434 : i32
        %get3A_436 = arith.index_cast %add3A_435 : i32 to index
        %get3A_437 = arith.constant 0 : index
        %get3A_438 = tpu.vector_load %arg15[%get3A_436, %get3A_437] {strides = array<i32>} : memref<1280x32xf32, #tpu.memory_space<vmem>>, vector<16xf32>,
        %mul3A_439 = arith.mulf %get3A_264, %get3A_438 : vector<16xf32>
        %get3A_440 = arith.index_cast %add3A_435 : i32 to index
        %get3A_441 = arith.constant 16 : index
        %get3A_442 = tpu.vector_load %arg15[%get3A_440, %get3A_441] {strides = array<i32>} : memref<1280x32xf32, #tpu.memory_space<vmem>>, vector<16xf32>,
        %mul3A_443 = arith.mulf %get3A_267, %get3A_442 : vector<16xf32>
        %add3A_444 = arith.addf %mul3A_439, %mul3A_443 : vector<16xf32>
        %broadcast_in_dim3A_445 = vector.broadcast %scan3A_262 : i32 to vector<16xi32>
        %broadcast_in_dim3A_446 = arith.constant 8 : i32
        %broadcast_in_dim3A_447 = vector.broadcast %broadcast_in_dim3A_446 : i32 to vector<16xi32>
        %broadcast_in_dim3A_448 = arith.constant true
        %broadcast_in_dim3A_449 = vector.broadcast %broadcast_in_dim3A_448 : i1 to vector<16xi1>
        %masked_cumsum3A_450 = tpu.scan <sum>, %add3A_444 masked %broadcast_in_dim3A_449 : vector<16xf32>, vector<16xi1> -> vector<16xf32>
        tpu.vector_store_idx %arg17[%broadcast_in_dim3A_445, %broadcast_in_dim3A_447], %masked_cumsum3A_450 masked %eq3A_2 : memref<64x20xf32, #tpu.memory_space<vmem>>[vector<16xi32>, vector<16xi32>], vector<16xf32>, vector<16xi1>
        %mul3A_451 = arith.constant 20 : i32
        %mul3A_452 = arith.muli %scan3A_262, %mul3A_451 : i32
        %add3A_453 = arith.constant 9 : i32
        %add3A_454 = arith.addi %mul3A_452, %add3A_453 : i32
        %get3A_455 = arith.index_cast %add3A_454 : i32 to index
        %get3A_456 = arith.constant 0 : index
        %get3A_457 = tpu.vector_load %arg15[%get3A_455, %get3A_456] {strides = array<i32>} : memref<1280x32xf32, #tpu.memory_space<vmem>>, vector<16xf32>,
        %mul3A_458 = arith.mulf %get3A_264, %get3A_457 : vector<16xf32>
        %get3A_459 = arith.index_cast %add3A_454 : i32 to index
        %get3A_460 = arith.constant 16 : index
        %get3A_461 = tpu.vector_load %arg15[%get3A_459, %get3A_460] {strides = array<i32>} : memref<1280x32xf32, #tpu.memory_space<vmem>>, vector<16xf32>,
        %mul3A_462 = arith.mulf %get3A_267, %get3A_461 : vector<16xf32>
        %add3A_463 = arith.addf %mul3A_458, %mul3A_462 : vector<16xf32>
        %broadcast_in_dim3A_464 = vector.broadcast %scan3A_262 : i32 to vector<16xi32>
        %broadcast_in_dim3A_465 = arith.constant 9 : i32
        %broadcast_in_dim3A_466 = vector.broadcast %broadcast_in_dim3A_465 : i32 to vector<16xi32>
        %broadcast_in_dim3A_467 = arith.constant true
        %broadcast_in_dim3A_468 = vector.broadcast %broadcast_in_dim3A_467 : i1 to vector<16xi1>
        %masked_cumsum3A_469 = tpu.scan <sum>, %add3A_463 masked %broadcast_in_dim3A_468 : vector<16xf32>, vector<16xi1> -> vector<16xf32>
        tpu.vector_store_idx %arg17[%broadcast_in_dim3A_464, %broadcast_in_dim3A_466], %masked_cumsum3A_469 masked %eq3A_2 : memref<64x20xf32, #tpu.memory_space<vmem>>[vector<16xi32>, vector<16xi32>], vector<16xf32>, vector<16xi1>
        %mul3A_470 = arith.constant 20 : i32
        %mul3A_471 = arith.muli %scan3A_262, %mul3A_470 : i32
        %add3A_472 = arith.constant 10 : i32
        %add3A_473 = arith.addi %mul3A_471, %add3A_472 : i32
        %get3A_474 = arith.index_cast %add3A_473 : i32 to index
        %get3A_475 = arith.constant 0 : index
        %get3A_476 = tpu.vector_load %arg15[%get3A_474, %get3A_475] {strides = array<i32>} : memref<1280x32xf32, #tpu.memory_space<vmem>>, vector<16xf32>,
        %mul3A_477 = arith.mulf %get3A_264, %get3A_476 : vector<16xf32>
        %get3A_478 = arith.index_cast %add3A_473 : i32 to index
        %get3A_479 = arith.constant 16 : index
        %get3A_480 = tpu.vector_load %arg15[%get3A_478, %get3A_479] {strides = array<i32>} : memref<1280x32xf32, #tpu.memory_space<vmem>>, vector<16xf32>,
        %mul3A_481 = arith.mulf %get3A_267, %get3A_480 : vector<16xf32>
        %add3A_482 = arith.addf %mul3A_477, %mul3A_481 : vector<16xf32>
        %broadcast_in_dim3A_483 = vector.broadcast %scan3A_262 : i32 to vector<16xi32>
        %broadcast_in_dim3A_484 = arith.constant 10 : i32
        %broadcast_in_dim3A_485 = vector.broadcast %broadcast_in_dim3A_484 : i32 to vector<16xi32>
        %broadcast_in_dim3A_486 = arith.constant true
        %broadcast_in_dim3A_487 = vector.broadcast %broadcast_in_dim3A_486 : i1 to vector<16xi1>
        %masked_cumsum3A_488 = tpu.scan <sum>, %add3A_482 masked %broadcast_in_dim3A_487 : vector<16xf32>, vector<16xi1> -> vector<16xf32>
        tpu.vector_store_idx %arg17[%broadcast_in_dim3A_483, %broadcast_in_dim3A_485], %masked_cumsum3A_488 masked %eq3A_2 : memref<64x20xf32, #tpu.memory_space<vmem>>[vector<16xi32>, vector<16xi32>], vector<16xf32>, vector<16xi1>
        %mul3A_489 = arith.constant 20 : i32
        %mul3A_490 = arith.muli %scan3A_262, %mul3A_489 : i32
        %add3A_491 = arith.constant 11 : i32
        %add3A_492 = arith.addi %mul3A_490, %add3A_491 : i32
        %get3A_493 = arith.index_cast %add3A_492 : i32 to index
        %get3A_494 = arith.constant 0 : index
        %get3A_495 = tpu.vector_load %arg15[%get3A_493, %get3A_494] {strides = array<i32>} : memref<1280x32xf32, #tpu.memory_space<vmem>>, vector<16xf32>,
        %mul3A_496 = arith.mulf %get3A_264, %get3A_495 : vector<16xf32>
        %get3A_497 = arith.index_cast %add3A_492 : i32 to index
        %get3A_498 = arith.constant 16 : index
        %get3A_499 = tpu.vector_load %arg15[%get3A_497, %get3A_498] {strides = array<i32>} : memref<1280x32xf32, #tpu.memory_space<vmem>>, vector<16xf32>,
        %mul3A_500 = arith.mulf %get3A_267, %get3A_499 : vector<16xf32>
        %add3A_501 = arith.addf %mul3A_496, %mul3A_500 : vector<16xf32>
        %broadcast_in_dim3A_502 = vector.broadcast %scan3A_262 : i32 to vector<16xi32>
        %broadcast_in_dim3A_503 = arith.constant 11 : i32
        %broadcast_in_dim3A_504 = vector.broadcast %broadcast_in_dim3A_503 : i32 to vector<16xi32>
        %broadcast_in_dim3A_505 = arith.constant true
        %broadcast_in_dim3A_506 = vector.broadcast %broadcast_in_dim3A_505 : i1 to vector<16xi1>
        %masked_cumsum3A_507 = tpu.scan <sum>, %add3A_501 masked %broadcast_in_dim3A_506 : vector<16xf32>, vector<16xi1> -> vector<16xf32>
        tpu.vector_store_idx %arg17[%broadcast_in_dim3A_502, %broadcast_in_dim3A_504], %masked_cumsum3A_507 masked %eq3A_2 : memref<64x20xf32, #tpu.memory_space<vmem>>[vector<16xi32>, vector<16xi32>], vector<16xf32>, vector<16xi1>
        %mul3A_508 = arith.constant 20 : i32
        %mul3A_509 = arith.muli %scan3A_262, %mul3A_508 : i32
        %add3A_510 = arith.constant 12 : i32
        %add3A_511 = arith.addi %mul3A_509, %add3A_510 : i32
        %get3A_512 = arith.index_cast %add3A_511 : i32 to index
        %get3A_513 = arith.constant 0 : index
        %get3A_514 = tpu.vector_load %arg15[%get3A_512, %get3A_513] {strides = array<i32>} : memref<1280x32xf32, #tpu.memory_space<vmem>>, vector<16xf32>,
        %mul3A_515 = arith.mulf %get3A_264, %get3A_514 : vector<16xf32>
        %get3A_516 = arith.index_cast %add3A_511 : i32 to index
        %get3A_517 = arith.constant 16 : index
        %get3A_518 = tpu.vector_load %arg15[%get3A_516, %get3A_517] {strides = array<i32>} : memref<1280x32xf32, #tpu.memory_space<vmem>>, vector<16xf32>,
        %mul3A_519 = arith.mulf %get3A_267, %get3A_518 : vector<16xf32>
        %add3A_520 = arith.addf %mul3A_515, %mul3A_519 : vector<16xf32>
        %broadcast_in_dim3A_521 = vector.broadcast %scan3A_262 : i32 to vector<16xi32>
        %broadcast_in_dim3A_522 = arith.constant 12 : i32
        %broadcast_in_dim3A_523 = vector.broadcast %broadcast_in_dim3A_522 : i32 to vector<16xi32>
        %broadcast_in_dim3A_524 = arith.constant true
        %broadcast_in_dim3A_525 = vector.broadcast %broadcast_in_dim3A_524 : i1 to vector<16xi1>
        %masked_cumsum3A_526 = tpu.scan <sum>, %add3A_520 masked %broadcast_in_dim3A_525 : vector<16xf32>, vector<16xi1> -> vector<16xf32>
        tpu.vector_store_idx %arg17[%broadcast_in_dim3A_521, %broadcast_in_dim3A_523], %masked_cumsum3A_526 masked %eq3A_2 : memref<64x20xf32, #tpu.memory_space<vmem>>[vector<16xi32>, vector<16xi32>], vector<16xf32>, vector<16xi1>
        %mul3A_527 = arith.constant 20 : i32
        %mul3A_528 = arith.muli %scan3A_262, %mul3A_527 : i32
        %add3A_529 = arith.constant 13 : i32
        %add3A_530 = arith.addi %mul3A_528, %add3A_529 : i32
        %get3A_531 = arith.index_cast %add3A_530 : i32 to index
        %get3A_532 = arith.constant 0 : index
        %get3A_533 = tpu.vector_load %arg15[%get3A_531, %get3A_532] {strides = array<i32>} : memref<1280x32xf32, #tpu.memory_space<vmem>>, vector<16xf32>,
        %mul3A_534 = arith.mulf %get3A_264, %get3A_533 : vector<16xf32>
        %get3A_535 = arith.index_cast %add3A_530 : i32 to index
        %get3A_536 = arith.constant 16 : index
        %get3A_537 = tpu.vector_load %arg15[%get3A_535, %get3A_536] {strides = array<i32>} : memref<1280x32xf32, #tpu.memory_space<vmem>>, vector<16xf32>,
        %mul3A_538 = arith.mulf %get3A_267, %get3A_537 : vector<16xf32>
        %add3A_539 = arith.addf %mul3A_534, %mul3A_538 : vector<16xf32>
        %broadcast_in_dim3A_540 = vector.broadcast %scan3A_262 : i32 to vector<16xi32>
        %broadcast_in_dim3A_541 = arith.constant 13 : i32
        %broadcast_in_dim3A_542 = vector.broadcast %broadcast_in_dim3A_541 : i32 to vector<16xi32>
        %broadcast_in_dim3A_543 = arith.constant true
        %broadcast_in_dim3A_544 = vector.broadcast %broadcast_in_dim3A_543 : i1 to vector<16xi1>
        %masked_cumsum3A_545 = tpu.scan <sum>, %add3A_539 masked %broadcast_in_dim3A_544 : vector<16xf32>, vector<16xi1> -> vector<16xf32>
        tpu.vector_store_idx %arg17[%broadcast_in_dim3A_540, %broadcast_in_dim3A_542], %masked_cumsum3A_545 masked %eq3A_2 : memref<64x20xf32, #tpu.memory_space<vmem>>[vector<16xi32>, vector<16xi32>], vector<16xf32>, vector<16xi1>
        %mul3A_546 = arith.constant 20 : i32
        %mul3A_547 = arith.muli %scan3A_262, %mul3A_546 : i32
        %add3A_548 = arith.constant 14 : i32
        %add3A_549 = arith.addi %mul3A_547, %add3A_548 : i32
        %get3A_550 = arith.index_cast %add3A_549 : i32 to index
        %get3A_551 = arith.constant 0 : index
        %get3A_552 = tpu.vector_load %arg15[%get3A_550, %get3A_551] {strides = array<i32>} : memref<1280x32xf32, #tpu.memory_space<vmem>>, vector<16xf32>,
        %mul3A_553 = arith.mulf %get3A_264, %get3A_552 : vector<16xf32>
        %get3A_554 = arith.index_cast %add3A_549 : i32 to index
        %get3A_555 = arith.constant 16 : index
        %get3A_556 = tpu.vector_load %arg15[%get3A_554, %get3A_555] {strides = array<i32>} : memref<1280x32xf32, #tpu.memory_space<vmem>>, vector<16xf32>,
        %mul3A_557 = arith.mulf %get3A_267, %get3A_556 : vector<16xf32>
        %add3A_558 = arith.addf %mul3A_553, %mul3A_557 : vector<16xf32>
        %broadcast_in_dim3A_559 = vector.broadcast %scan3A_262 : i32 to vector<16xi32>
        %broadcast_in_dim3A_560 = arith.constant 14 : i32
        %broadcast_in_dim3A_561 = vector.broadcast %broadcast_in_dim3A_560 : i32 to vector<16xi32>
        %broadcast_in_dim3A_562 = arith.constant true
        %broadcast_in_dim3A_563 = vector.broadcast %broadcast_in_dim3A_562 : i1 to vector<16xi1>
        %masked_cumsum3A_564 = tpu.scan <sum>, %add3A_558 masked %broadcast_in_dim3A_563 : vector<16xf32>, vector<16xi1> -> vector<16xf32>
        tpu.vector_store_idx %arg17[%broadcast_in_dim3A_559, %broadcast_in_dim3A_561], %masked_cumsum3A_564 masked %eq3A_2 : memref<64x20xf32, #tpu.memory_space<vmem>>[vector<16xi32>, vector<16xi32>], vector<16xf32>, vector<16xi1>
        %mul3A_565 = arith.constant 20 : i32
        %mul3A_566 = arith.muli %scan3A_262, %mul3A_565 : i32
        %add3A_567 = arith.constant 15 : i32
        %add3A_568 = arith.addi %mul3A_566, %add3A_567 : i32
        %get3A_569 = arith.index_cast %add3A_568 : i32 to index
        %get3A_570 = arith.constant 0 : index
        %get3A_571 = tpu.vector_load %arg15[%get3A_569, %get3A_570] {strides = array<i32>} : memref<1280x32xf32, #tpu.memory_space<vmem>>, vector<16xf32>,
        %mul3A_572 = arith.mulf %get3A_264, %get3A_571 : vector<16xf32>
        %get3A_573 = arith.index_cast %add3A_568 : i32 to index
        %get3A_574 = arith.constant 16 : index
        %get3A_575 = tpu.vector_load %arg15[%get3A_573, %get3A_574] {strides = array<i32>} : memref<1280x32xf32, #tpu.memory_space<vmem>>, vector<16xf32>,
        %mul3A_576 = arith.mulf %get3A_267, %get3A_575 : vector<16xf32>
        %add3A_577 = arith.addf %mul3A_572, %mul3A_576 : vector<16xf32>
        %broadcast_in_dim3A_578 = vector.broadcast %scan3A_262 : i32 to vector<16xi32>
        %broadcast_in_dim3A_579 = arith.constant 15 : i32
        %broadcast_in_dim3A_580 = vector.broadcast %broadcast_in_dim3A_579 : i32 to vector<16xi32>
        %broadcast_in_dim3A_581 = arith.constant true
        %broadcast_in_dim3A_582 = vector.broadcast %broadcast_in_dim3A_581 : i1 to vector<16xi1>
        %masked_cumsum3A_583 = tpu.scan <sum>, %add3A_577 masked %broadcast_in_dim3A_582 : vector<16xf32>, vector<16xi1> -> vector<16xf32>
        tpu.vector_store_idx %arg17[%broadcast_in_dim3A_578, %broadcast_in_dim3A_580], %masked_cumsum3A_583 masked %eq3A_2 : memref<64x20xf32, #tpu.memory_space<vmem>>[vector<16xi32>, vector<16xi32>], vector<16xf32>, vector<16xi1>
        %mul3A_584 = arith.constant 20 : i32
        %mul3A_585 = arith.muli %scan3A_262, %mul3A_584 : i32
        %add3A_586 = arith.constant 16 : i32
        %add3A_587 = arith.addi %mul3A_585, %add3A_586 : i32
        %get3A_588 = arith.index_cast %add3A_587 : i32 to index
        %get3A_589 = arith.constant 0 : index
        %get3A_590 = tpu.vector_load %arg15[%get3A_588, %get3A_589] {strides = array<i32>} : memref<1280x32xf32, #tpu.memory_space<vmem>>, vector<16xf32>,
        %mul3A_591 = arith.mulf %get3A_264, %get3A_590 : vector<16xf32>
        %get3A_592 = arith.index_cast %add3A_587 : i32 to index
        %get3A_593 = arith.constant 16 : index
        %get3A_594 = tpu.vector_load %arg15[%get3A_592, %get3A_593] {strides = array<i32>} : memref<1280x32xf32, #tpu.memory_space<vmem>>, vector<16xf32>,
        %mul3A_595 = arith.mulf %get3A_267, %get3A_594 : vector<16xf32>
        %add3A_596 = arith.addf %mul3A_591, %mul3A_595 : vector<16xf32>
        %broadcast_in_dim3A_597 = vector.broadcast %scan3A_262 : i32 to vector<16xi32>
        %broadcast_in_dim3A_598 = arith.constant 16 : i32
        %broadcast_in_dim3A_599 = vector.broadcast %broadcast_in_dim3A_598 : i32 to vector<16xi32>
        %broadcast_in_dim3A_600 = arith.constant true
        %broadcast_in_dim3A_601 = vector.broadcast %broadcast_in_dim3A_600 : i1 to vector<16xi1>
        %masked_cumsum3A_602 = tpu.scan <sum>, %add3A_596 masked %broadcast_in_dim3A_601 : vector<16xf32>, vector<16xi1> -> vector<16xf32>
        tpu.vector_store_idx %arg17[%broadcast_in_dim3A_597, %broadcast_in_dim3A_599], %masked_cumsum3A_602 masked %eq3A_2 : memref<64x20xf32, #tpu.memory_space<vmem>>[vector<16xi32>, vector<16xi32>], vector<16xf32>, vector<16xi1>
        %mul3A_603 = arith.constant 20 : i32
        %mul3A_604 = arith.muli %scan3A_262, %mul3A_603 : i32
        %add3A_605 = arith.constant 17 : i32
        %add3A_606 = arith.addi %mul3A_604, %add3A_605 : i32
        %get3A_607 = arith.index_cast %add3A_606 : i32 to index
        %get3A_608 = arith.constant 0 : index
        %get3A_609 = tpu.vector_load %arg15[%get3A_607, %get3A_608] {strides = array<i32>} : memref<1280x32xf32, #tpu.memory_space<vmem>>, vector<16xf32>,
        %mul3A_610 = arith.mulf %get3A_264, %get3A_609 : vector<16xf32>
        %get3A_611 = arith.index_cast %add3A_606 : i32 to index
        %get3A_612 = arith.constant 16 : index
        %get3A_613 = tpu.vector_load %arg15[%get3A_611, %get3A_612] {strides = array<i32>} : memref<1280x32xf32, #tpu.memory_space<vmem>>, vector<16xf32>,
        %mul3A_614 = arith.mulf %get3A_267, %get3A_613 : vector<16xf32>
        %add3A_615 = arith.addf %mul3A_610, %mul3A_614 : vector<16xf32>
        %broadcast_in_dim3A_616 = vector.broadcast %scan3A_262 : i32 to vector<16xi32>
        %broadcast_in_dim3A_617 = arith.constant 17 : i32
        %broadcast_in_dim3A_618 = vector.broadcast %broadcast_in_dim3A_617 : i32 to vector<16xi32>
        %broadcast_in_dim3A_619 = arith.constant true
        %broadcast_in_dim3A_620 = vector.broadcast %broadcast_in_dim3A_619 : i1 to vector<16xi1>
        %masked_cumsum3A_621 = tpu.scan <sum>, %add3A_615 masked %broadcast_in_dim3A_620 : vector<16xf32>, vector<16xi1> -> vector<16xf32>
        tpu.vector_store_idx %arg17[%broadcast_in_dim3A_616, %broadcast_in_dim3A_618], %masked_cumsum3A_621 masked %eq3A_2 : memref<64x20xf32, #tpu.memory_space<vmem>>[vector<16xi32>, vector<16xi32>], vector<16xf32>, vector<16xi1>
        %mul3A_622 = arith.constant 20 : i32
        %mul3A_623 = arith.muli %scan3A_262, %mul3A_622 : i32
        %add3A_624 = arith.constant 18 : i32
        %add3A_625 = arith.addi %mul3A_623, %add3A_624 : i32
        %get3A_626 = arith.index_cast %add3A_625 : i32 to index
        %get3A_627 = arith.constant 0 : index
        %get3A_628 = tpu.vector_load %arg15[%get3A_626, %get3A_627] {strides = array<i32>} : memref<1280x32xf32, #tpu.memory_space<vmem>>, vector<16xf32>,
        %mul3A_629 = arith.mulf %get3A_264, %get3A_628 : vector<16xf32>
        %get3A_630 = arith.index_cast %add3A_625 : i32 to index
        %get3A_631 = arith.constant 16 : index
        %get3A_632 = tpu.vector_load %arg15[%get3A_630, %get3A_631] {strides = array<i32>} : memref<1280x32xf32, #tpu.memory_space<vmem>>, vector<16xf32>,
        %mul3A_633 = arith.mulf %get3A_267, %get3A_632 : vector<16xf32>
        %add3A_634 = arith.addf %mul3A_629, %mul3A_633 : vector<16xf32>
        %broadcast_in_dim3A_635 = vector.broadcast %scan3A_262 : i32 to vector<16xi32>
        %broadcast_in_dim3A_636 = arith.constant 18 : i32
        %broadcast_in_dim3A_637 = vector.broadcast %broadcast_in_dim3A_636 : i32 to vector<16xi32>
        %broadcast_in_dim3A_638 = arith.constant true
        %broadcast_in_dim3A_639 = vector.broadcast %broadcast_in_dim3A_638 : i1 to vector<16xi1>
        %masked_cumsum3A_640 = tpu.scan <sum>, %add3A_634 masked %broadcast_in_dim3A_639 : vector<16xf32>, vector<16xi1> -> vector<16xf32>
        tpu.vector_store_idx %arg17[%broadcast_in_dim3A_635, %broadcast_in_dim3A_637], %masked_cumsum3A_640 masked %eq3A_2 : memref<64x20xf32, #tpu.memory_space<vmem>>[vector<16xi32>, vector<16xi32>], vector<16xf32>, vector<16xi1>
        %mul3A_641 = arith.constant 20 : i32
        %mul3A_642 = arith.muli %scan3A_262, %mul3A_641 : i32
        %add3A_643 = arith.constant 19 : i32
        %add3A_644 = arith.addi %mul3A_642, %add3A_643 : i32
        %get3A_645 = arith.index_cast %add3A_644 : i32 to index
        %get3A_646 = arith.constant 0 : index
        %get3A_647 = tpu.vector_load %arg15[%get3A_645, %get3A_646] {strides = array<i32>} : memref<1280x32xf32, #tpu.memory_space<vmem>>, vector<16xf32>,
        %mul3A_648 = arith.mulf %get3A_264, %get3A_647 : vector<16xf32>
        %get3A_649 = arith.index_cast %add3A_644 : i32 to index
        %get3A_650 = arith.constant 16 : index
        %get3A_651 = tpu.vector_load %arg15[%get3A_649, %get3A_650] {strides = array<i32>} : memref<1280x32xf32, #tpu.memory_space<vmem>>, vector<16xf32>,
        %mul3A_652 = arith.mulf %get3A_267, %get3A_651 : vector<16xf32>
        %add3A_653 = arith.addf %mul3A_648, %mul3A_652 : vector<16xf32>
        %broadcast_in_dim3A_654 = vector.broadcast %scan3A_262 : i32 to vector<16xi32>
        %broadcast_in_dim3A_655 = arith.constant 19 : i32
        %broadcast_in_dim3A_656 = vector.broadcast %broadcast_in_dim3A_655 : i32 to vector<16xi32>
        %broadcast_in_dim3A_657 = arith.constant true
        %broadcast_in_dim3A_658 = vector.broadcast %broadcast_in_dim3A_657 : i1 to vector<16xi1>
        %masked_cumsum3A_659 = tpu.scan <sum>, %add3A_653 masked %broadcast_in_dim3A_658 : vector<16xf32>, vector<16xi1> -> vector<16xf32>
        tpu.vector_store_idx %arg17[%broadcast_in_dim3A_654, %broadcast_in_dim3A_656], %masked_cumsum3A_659 masked %eq3A_2 : memref<64x20xf32, #tpu.memory_space<vmem>>[vector<16xi32>, vector<16xi32>], vector<16xf32>, vector<16xi1>
      }
      %scan3A_261 = arith.constant 64 : i32
      "tpu.region"() ({
        %run_scoped3A = tpu.sem_alloc : memref<!tpu.dma_semaphore, #tpu.memory_space<semaphore_mem>>
        %dma_start3A_262 = tpu.memref_slice %arg7[%add3A_79] : memref<16384xf32, #tpu.memory_space<hbm>> -> memref<64xf32, #tpu.memory_space<hbm>>
        %dma_start3A_263 = tpu.memref_slice %arg7[%add3A_79] : memref<16384xf32, #tpu.memory_space<hbm>> -> memref<64xf32, #tpu.memory_space<hbm>>
        tpu.enqueue_dma source(%arg16 : memref<64xf32, #tpu.memory_space<vmem>>) target(%dma_start3A_263 : memref<64xf32, #tpu.memory_space<hbm>>) target_semaphore(%run_scoped3A : memref<!tpu.dma_semaphore, #tpu.memory_space<semaphore_mem>>)
        %dma_wait3A_264 = tpu.memref_slice %arg7[%add3A_79] : memref<16384xf32, #tpu.memory_space<hbm>> -> memref<64xf32, #tpu.memory_space<hbm>>
        %dma_wait3A_265 = tpu.memref_slice %arg7[%add3A_79] : memref<16384xf32, #tpu.memory_space<hbm>> -> memref<64xf32, #tpu.memory_space<hbm>>
        tpu.wait_dma2 semaphore(%run_scoped3A : memref<!tpu.dma_semaphore, #tpu.memory_space<semaphore_mem>>) src(%arg16 : memref<64xf32, #tpu.memory_space<vmem>>) dst(%dma_wait3A_265 : memref<64xf32, #tpu.memory_space<hbm>>)
        tpu.yield
      }) : () -> ()
      "tpu.region"() ({
        %run_scoped3A = tpu.sem_alloc : memref<!tpu.dma_semaphore, #tpu.memory_space<semaphore_mem>>
        %dma_start3A_262 = arith.constant 0 : i32
        %dma_start3A_263 = tpu.memref_slice %arg8[%add3A_79, %dma_start3A_262] : memref<16384x20xf32, #tpu.memory_space<hbm>> -> memref<64x20xf32, #tpu.memory_space<hbm>>
        %dma_start3A_264 = arith.constant 0 : i32
        %dma_start3A_265 = tpu.memref_slice %arg8[%add3A_79, %dma_start3A_264] : memref<16384x20xf32, #tpu.memory_space<hbm>> -> memref<64x20xf32, #tpu.memory_space<hbm>>
        tpu.enqueue_dma source(%arg17 : memref<64x20xf32, #tpu.memory_space<vmem>>) target(%dma_start3A_265 : memref<64x20xf32, #tpu.memory_space<hbm>>) target_semaphore(%run_scoped3A : memref<!tpu.dma_semaphore, #tpu.memory_space<semaphore_mem>>)
        %dma_wait3A_266 = arith.constant 0 : i32
        %dma_wait3A_267 = tpu.memref_slice %arg8[%add3A_79, %dma_wait3A_266] : memref<16384x20xf32, #tpu.memory_space<hbm>> -> memref<64x20xf32, #tpu.memory_space<hbm>>
        %dma_wait3A_268 = arith.constant 0 : i32
        %dma_wait3A_269 = tpu.memref_slice %arg8[%add3A_79, %dma_wait3A_268] : memref<16384x20xf32, #tpu.memory_space<hbm>> -> memref<64x20xf32, #tpu.memory_space<hbm>>
        tpu.wait_dma2 semaphore(%run_scoped3A : memref<!tpu.dma_semaphore, #tpu.memory_space<semaphore_mem>>) src(%arg17 : memref<64x20xf32, #tpu.memory_space<vmem>>) dst(%dma_wait3A_269 : memref<64x20xf32, #tpu.memory_space<hbm>>)
        tpu.yield
      }) : () -> ()
    }
    %scan3A_73 = arith.constant 8 : i32
    return
  }
}

#map = affine_map<(d0, d1) -> (0)>
#map1 = affine_map<(d0, d1) -> (0, 0)>
module attributes {stable_mosaic.version = 14 : i64} {
  func.func @_sg_body(%arg0: i32, %arg1: i32, %arg2: memref<16384xi32, #tpu.memory_space<hbm>>, %arg3: memref<16384xi32, #tpu.memory_space<hbm>>, %arg4: memref<16384x20xi32, #tpu.memory_space<hbm>>, %arg5: memref<1000000x32xf32, #tpu.memory_space<hbm>>, %arg6: memref<1000000x32xf32, #tpu.memory_space<hbm>>, %arg7: memref<16384xf32, #tpu.memory_space<hbm>>, %arg8: memref<16384x20xf32, #tpu.memory_space<hbm>>, %arg9: memref<64xi32, #tpu.memory_space<vmem>>, %arg10: memref<64xi32, #tpu.memory_space<vmem>>, %arg11: memref<64x20xi32, #tpu.memory_space<vmem>>, %arg12: memref<1280xi32, #tpu.memory_space<vmem>>, %arg13: memref<64x32xf32, #tpu.memory_space<vmem>>, %arg14: memref<64x32xf32, #tpu.memory_space<vmem>>, %arg15: memref<1280x32xf32, #tpu.memory_space<vmem>>, %arg16: memref<64xf32, #tpu.memory_space<vmem>>, %arg17: memref<64x20xf32, #tpu.memory_space<vmem>>, %arg18: memref<!tpu.dma_semaphore, #tpu.memory_space<semaphore_mem>>) attributes {dimension_semantics = [#tpu.dimension_semantics<core_parallel>, #tpu.dimension_semantics<subcore_parallel>], iteration_bounds = array<i64: 2, 16>, scalar_prefetch = 0 : i64, scratch_operands = 10 : i64, tpu.core_type = #tpu.core_type<sc_vector_subcore>, window_params = [{transform_indices = #map}, {transform_indices = #map}, {transform_indices = #map1}, {transform_indices = #map1}, {transform_indices = #map1}, {transform_indices = #map}, {transform_indices = #map1}]} {
    %mul3A = arith.constant 2 : i32
    %mul3A_0 = arith.muli %arg1, %mul3A : i32
    %add3A = arith.addi %mul3A_0, %arg0 : i32
    %iota3A = tpu.iota {dimensions = array<i32: 0>} : vector<16xi32>
    %eq3A = arith.constant 15 : i32
    %eq3A_1 = vector.broadcast %eq3A : i32 to vector<16xi32>
    %eq3A_2 = arith.cmpi eq, %iota3A, %eq3A_1 : vector<16xi32>
    %ge3A = arith.constant 20 : i32
    %ge3A_3 = vector.broadcast %ge3A : i32 to vector<16xi32>
    %ge3A_4 = arith.cmpi sge, %iota3A, %ge3A_3 : vector<16xi32>
    %ge3A_5 = arith.constant 4 : i32
    %ge3A_6 = vector.broadcast %ge3A_5 : i32 to vector<16xi32>
    %ge3A_7 = arith.cmpi sge, %iota3A, %ge3A_6 : vector<16xi32>
    %ge3A_8 = arith.constant 8 : i32
    %ge3A_9 = vector.broadcast %ge3A_8 : i32 to vector<16xi32>
    %ge3A_10 = arith.cmpi sge, %iota3A, %ge3A_9 : vector<16xi32>
    %ge3A_11 = arith.constant 12 : i32
    %ge3A_12 = vector.broadcast %ge3A_11 : i32 to vector<16xi32>
    %ge3A_13 = arith.cmpi sge, %iota3A, %ge3A_12 : vector<16xi32>
    %ge3A_14 = arith.constant 16 : i32
    %ge3A_15 = vector.broadcast %ge3A_14 : i32 to vector<16xi32>
    %ge3A_16 = arith.cmpi sge, %iota3A, %ge3A_15 : vector<16xi32>
    %jit3A = arith.constant 1 : i32
    %jit3A_17 = arith.constant 0 : i32
    %broadcast_in_dim3A = vector.broadcast %jit3A : i32 to vector<16xi32>
    %broadcast_in_dim3A_18 = vector.broadcast %jit3A_17 : i32 to vector<16xi32>
    %select_n3A = arith.select %ge3A_4, %broadcast_in_dim3A, %broadcast_in_dim3A_18 : vector<16xi1>, vector<16xi32>
    %jit3A_19 = arith.constant 1 : i32
    %jit3A_20 = arith.constant 0 : i32
    %broadcast_in_dim3A_21 = vector.broadcast %jit3A_19 : i32 to vector<16xi32>
    %broadcast_in_dim3A_22 = vector.broadcast %jit3A_20 : i32 to vector<16xi32>
    %select_n3A_23 = arith.select %ge3A_7, %broadcast_in_dim3A_21, %broadcast_in_dim3A_22 : vector<16xi1>, vector<16xi32>
    %jit3A_24 = arith.constant 2 : i32
    %jit3A_25 = arith.constant 1 : i32
    %broadcast_in_dim3A_26 = vector.broadcast %jit3A_24 : i32 to vector<16xi32>
    %broadcast_in_dim3A_27 = vector.broadcast %jit3A_25 : i32 to vector<16xi32>
    %select_n3A_28 = arith.select %ge3A_10, %broadcast_in_dim3A_26, %broadcast_in_dim3A_27 : vector<16xi1>, vector<16xi32>
    %jit3A_29 = arith.constant 3 : i32
    %jit3A_30 = arith.constant 2 : i32
    %broadcast_in_dim3A_31 = vector.broadcast %jit3A_29 : i32 to vector<16xi32>
    %broadcast_in_dim3A_32 = vector.broadcast %jit3A_30 : i32 to vector<16xi32>
    %select_n3A_33 = arith.select %ge3A_13, %broadcast_in_dim3A_31, %broadcast_in_dim3A_32 : vector<16xi1>, vector<16xi32>
    %jit3A_34 = arith.constant 4 : i32
    %jit3A_35 = arith.constant 3 : i32
    %broadcast_in_dim3A_36 = vector.broadcast %jit3A_34 : i32 to vector<16xi32>
    %broadcast_in_dim3A_37 = vector.broadcast %jit3A_35 : i32 to vector<16xi32>
    %select_n3A_38 = arith.select %ge3A_16, %broadcast_in_dim3A_36, %broadcast_in_dim3A_37 : vector<16xi1>, vector<16xi32>
    %jit3A_39 = arith.constant -20 : i32
    %jit3A_40 = arith.constant 0 : i32
    %broadcast_in_dim3A_41 = vector.broadcast %jit3A_39 : i32 to vector<16xi32>
    %broadcast_in_dim3A_42 = vector.broadcast %jit3A_40 : i32 to vector<16xi32>
    %select_n3A_43 = arith.select %ge3A_4, %broadcast_in_dim3A_41, %broadcast_in_dim3A_42 : vector<16xi1>, vector<16xi32>
    %add3A_44 = arith.addi %iota3A, %select_n3A_43 : vector<16xi32>
    %jit3A_45 = arith.constant -4 : i32
    %jit3A_46 = arith.constant 16 : i32
    %broadcast_in_dim3A_47 = vector.broadcast %jit3A_45 : i32 to vector<16xi32>
    %broadcast_in_dim3A_48 = vector.broadcast %jit3A_46 : i32 to vector<16xi32>
    %select_n3A_49 = arith.select %ge3A_7, %broadcast_in_dim3A_47, %broadcast_in_dim3A_48 : vector<16xi1>, vector<16xi32>
    %add3A_50 = arith.addi %iota3A, %select_n3A_49 : vector<16xi32>
    %jit3A_51 = arith.constant -8 : i32
    %jit3A_52 = arith.constant 12 : i32
    %broadcast_in_dim3A_53 = vector.broadcast %jit3A_51 : i32 to vector<16xi32>
    %broadcast_in_dim3A_54 = vector.broadcast %jit3A_52 : i32 to vector<16xi32>
    %select_n3A_55 = arith.select %ge3A_10, %broadcast_in_dim3A_53, %broadcast_in_dim3A_54 : vector<16xi1>, vector<16xi32>
    %add3A_56 = arith.addi %iota3A, %select_n3A_55 : vector<16xi32>
    %jit3A_57 = arith.constant -12 : i32
    %jit3A_58 = arith.constant 8 : i32
    %broadcast_in_dim3A_59 = vector.broadcast %jit3A_57 : i32 to vector<16xi32>
    %broadcast_in_dim3A_60 = vector.broadcast %jit3A_58 : i32 to vector<16xi32>
    %select_n3A_61 = arith.select %ge3A_13, %broadcast_in_dim3A_59, %broadcast_in_dim3A_60 : vector<16xi1>, vector<16xi32>
    %add3A_62 = arith.addi %iota3A, %select_n3A_61 : vector<16xi32>
    %jit3A_63 = arith.constant -16 : i32
    %jit3A_64 = arith.constant 4 : i32
    %broadcast_in_dim3A_65 = vector.broadcast %jit3A_63 : i32 to vector<16xi32>
    %broadcast_in_dim3A_66 = vector.broadcast %jit3A_64 : i32 to vector<16xi32>
    %select_n3A_67 = arith.select %ge3A_16, %broadcast_in_dim3A_65, %broadcast_in_dim3A_66 : vector<16xi1>, vector<16xi32>
    %add3A_68 = arith.addi %iota3A, %select_n3A_67 : vector<16xi32>
    %scan3A = arith.constant 0 : i32
    %scan3A_69 = arith.constant 0 : i32
    %scan3A_70 = arith.constant 8 : i32
    %scan3A_71 = arith.addi %scan3A_69, %scan3A_70 : i32
    %scan3A_72 = arith.constant 1 : i32
    scf.for %scan3A_74 = %scan3A_69 to %scan3A_71 step %scan3A_72  : i32 {
      %mul3A_75 = arith.constant 512 : i32
      %mul3A_76 = arith.muli %add3A, %mul3A_75 : i32
      %mul3A_77 = arith.constant 64 : i32
      %mul3A_78 = arith.muli %scan3A_74, %mul3A_77 : i32
      %add3A_79 = arith.addi %mul3A_76, %mul3A_78 : i32
      "tpu.region"() ({
        %run_scoped3A = tpu.sem_alloc : memref<!tpu.dma_semaphore, #tpu.memory_space<semaphore_mem>>
        %dma_start3A_262 = tpu.memref_slice %arg2[%add3A_79] : memref<16384xi32, #tpu.memory_space<hbm>> -> memref<64xi32, #tpu.memory_space<hbm>>
        %dma_start3A_263 = tpu.memref_slice %arg2[%add3A_79] : memref<16384xi32, #tpu.memory_space<hbm>> -> memref<64xi32, #tpu.memory_space<hbm>>
        tpu.enqueue_dma source(%dma_start3A_263 : memref<64xi32, #tpu.memory_space<hbm>>) target(%arg9 : memref<64xi32, #tpu.memory_space<vmem>>) target_semaphore(%run_scoped3A : memref<!tpu.dma_semaphore, #tpu.memory_space<semaphore_mem>>)
        %dma_wait3A_264 = tpu.memref_slice %arg2[%add3A_79] : memref<16384xi32, #tpu.memory_space<hbm>> -> memref<64xi32, #tpu.memory_space<hbm>>
        %dma_wait3A_265 = tpu.memref_slice %arg2[%add3A_79] : memref<16384xi32, #tpu.memory_space<hbm>> -> memref<64xi32, #tpu.memory_space<hbm>>
        tpu.wait_dma2 semaphore(%run_scoped3A : memref<!tpu.dma_semaphore, #tpu.memory_space<semaphore_mem>>) src(%dma_wait3A_265 : memref<64xi32, #tpu.memory_space<hbm>>) dst(%arg9 : memref<64xi32, #tpu.memory_space<vmem>>)
        tpu.yield
      }) : () -> ()
      "tpu.region"() ({
        %run_scoped3A = tpu.sem_alloc : memref<!tpu.dma_semaphore, #tpu.memory_space<semaphore_mem>>
        %dma_start3A_262 = tpu.memref_slice %arg3[%add3A_79] : memref<16384xi32, #tpu.memory_space<hbm>> -> memref<64xi32, #tpu.memory_space<hbm>>
        %dma_start3A_263 = tpu.memref_slice %arg3[%add3A_79] : memref<16384xi32, #tpu.memory_space<hbm>> -> memref<64xi32, #tpu.memory_space<hbm>>
        tpu.enqueue_dma source(%dma_start3A_263 : memref<64xi32, #tpu.memory_space<hbm>>) target(%arg10 : memref<64xi32, #tpu.memory_space<vmem>>) target_semaphore(%run_scoped3A : memref<!tpu.dma_semaphore, #tpu.memory_space<semaphore_mem>>)
        %dma_wait3A_264 = tpu.memref_slice %arg3[%add3A_79] : memref<16384xi32, #tpu.memory_space<hbm>> -> memref<64xi32, #tpu.memory_space<hbm>>
        %dma_wait3A_265 = tpu.memref_slice %arg3[%add3A_79] : memref<16384xi32, #tpu.memory_space<hbm>> -> memref<64xi32, #tpu.memory_space<hbm>>
        tpu.wait_dma2 semaphore(%run_scoped3A : memref<!tpu.dma_semaphore, #tpu.memory_space<semaphore_mem>>) src(%dma_wait3A_265 : memref<64xi32, #tpu.memory_space<hbm>>) dst(%arg10 : memref<64xi32, #tpu.memory_space<vmem>>)
        tpu.yield
      }) : () -> ()
      "tpu.region"() ({
        %run_scoped3A = tpu.sem_alloc : memref<!tpu.dma_semaphore, #tpu.memory_space<semaphore_mem>>
        %dma_start3A_262 = arith.constant 0 : i32
        %dma_start3A_263 = tpu.memref_slice %arg4[%add3A_79, %dma_start3A_262] : memref<16384x20xi32, #tpu.memory_space<hbm>> -> memref<64x20xi32, #tpu.memory_space<hbm>>
        %dma_start3A_264 = arith.constant 0 : i32
        %dma_start3A_265 = tpu.memref_slice %arg4[%add3A_79, %dma_start3A_264] : memref<16384x20xi32, #tpu.memory_space<hbm>> -> memref<64x20xi32, #tpu.memory_space<hbm>>
        tpu.enqueue_dma source(%dma_start3A_265 : memref<64x20xi32, #tpu.memory_space<hbm>>) target(%arg11 : memref<64x20xi32, #tpu.memory_space<vmem>>) target_semaphore(%run_scoped3A : memref<!tpu.dma_semaphore, #tpu.memory_space<semaphore_mem>>)
        %dma_wait3A_266 = arith.constant 0 : i32
        %dma_wait3A_267 = tpu.memref_slice %arg4[%add3A_79, %dma_wait3A_266] : memref<16384x20xi32, #tpu.memory_space<hbm>> -> memref<64x20xi32, #tpu.memory_space<hbm>>
        %dma_wait3A_268 = arith.constant 0 : i32
        %dma_wait3A_269 = tpu.memref_slice %arg4[%add3A_79, %dma_wait3A_268] : memref<16384x20xi32, #tpu.memory_space<hbm>> -> memref<64x20xi32, #tpu.memory_space<hbm>>
        tpu.wait_dma2 semaphore(%run_scoped3A : memref<!tpu.dma_semaphore, #tpu.memory_space<semaphore_mem>>) src(%dma_wait3A_269 : memref<64x20xi32, #tpu.memory_space<hbm>>) dst(%arg11 : memref<64x20xi32, #tpu.memory_space<vmem>>)
        tpu.yield
      }) : () -> ()
      %scan3A_80 = arith.constant 0 : i32
      %scan3A_81 = arith.constant 0 : i32
      %scan3A_82 = arith.constant 16 : i32
      %scan3A_83 = arith.addi %scan3A_81, %scan3A_82 : i32
      %scan3A_84 = arith.constant 1 : i32
      scf.for %scan3A_262 = %scan3A_81 to %scan3A_83 step %scan3A_84  : i32 {
        %mul3A_263 = arith.constant 4 : i32
        %mul3A_264 = arith.muli %scan3A_262, %mul3A_263 : i32
        %add3A_265 = vector.broadcast %mul3A_264 : i32 to vector<16xi32>
        %add3A_266 = arith.addi %add3A_265, %select_n3A : vector<16xi32>
        %gather3A = tpu.vector_load_idx %arg11[%add3A_266, %add3A_44] : memref<64x20xi32, #tpu.memory_space<vmem>>[vector<16xi32>, vector<16xi32>], vector<16xi32>,
        %mul3A_267 = arith.constant 20 : i32
        %mul3A_268 = arith.muli %mul3A_264, %mul3A_267 : i32
        %add3A_269 = arith.constant 0 : i32
        %add3A_270 = arith.addi %mul3A_268, %add3A_269 : i32
        %swap3A = arith.index_cast %add3A_270 : i32 to index
        %swap3A_271 = tpu.vector_load %arg12[%swap3A] {strides = array<i32>} : memref<1280xi32, #tpu.memory_space<vmem>>, vector<16xi32>,
        tpu.vector_store %arg12[%swap3A], %gather3A {strides = array<i32>} : memref<1280xi32, #tpu.memory_space<vmem>>, vector<16xi32>,
        %add3A_272 = vector.broadcast %mul3A_264 : i32 to vector<16xi32>
        %add3A_273 = arith.addi %add3A_272, %select_n3A_23 : vector<16xi32>
        %gather3A_274 = tpu.vector_load_idx %arg11[%add3A_273, %add3A_50] : memref<64x20xi32, #tpu.memory_space<vmem>>[vector<16xi32>, vector<16xi32>], vector<16xi32>,
        %mul3A_275 = arith.constant 20 : i32
        %mul3A_276 = arith.muli %mul3A_264, %mul3A_275 : i32
        %add3A_277 = arith.constant 16 : i32
        %add3A_278 = arith.addi %mul3A_276, %add3A_277 : i32
        %swap3A_279 = arith.index_cast %add3A_278 : i32 to index
        %swap3A_280 = tpu.vector_load %arg12[%swap3A_279] {strides = array<i32>} : memref<1280xi32, #tpu.memory_space<vmem>>, vector<16xi32>,
        tpu.vector_store %arg12[%swap3A_279], %gather3A_274 {strides = array<i32>} : memref<1280xi32, #tpu.memory_space<vmem>>, vector<16xi32>,
        %add3A_281 = vector.broadcast %mul3A_264 : i32 to vector<16xi32>
        %add3A_282 = arith.addi %add3A_281, %select_n3A_28 : vector<16xi32>
        %gather3A_283 = tpu.vector_load_idx %arg11[%add3A_282, %add3A_56] : memref<64x20xi32, #tpu.memory_space<vmem>>[vector<16xi32>, vector<16xi32>], vector<16xi32>,
        %mul3A_284 = arith.constant 20 : i32
        %mul3A_285 = arith.muli %mul3A_264, %mul3A_284 : i32
        %add3A_286 = arith.constant 32 : i32
        %add3A_287 = arith.addi %mul3A_285, %add3A_286 : i32
        %swap3A_288 = arith.index_cast %add3A_287 : i32 to index
        %swap3A_289 = tpu.vector_load %arg12[%swap3A_288] {strides = array<i32>} : memref<1280xi32, #tpu.memory_space<vmem>>, vector<16xi32>,
        tpu.vector_store %arg12[%swap3A_288], %gather3A_283 {strides = array<i32>} : memref<1280xi32, #tpu.memory_space<vmem>>, vector<16xi32>,
        %add3A_290 = vector.broadcast %mul3A_264 : i32 to vector<16xi32>
        %add3A_291 = arith.addi %add3A_290, %select_n3A_33 : vector<16xi32>
        %gather3A_292 = tpu.vector_load_idx %arg11[%add3A_291, %add3A_62] : memref<64x20xi32, #tpu.memory_space<vmem>>[vector<16xi32>, vector<16xi32>], vector<16xi32>,
        %mul3A_293 = arith.constant 20 : i32
        %mul3A_294 = arith.muli %mul3A_264, %mul3A_293 : i32
        %add3A_295 = arith.constant 48 : i32
        %add3A_296 = arith.addi %mul3A_294, %add3A_295 : i32
        %swap3A_297 = arith.index_cast %add3A_296 : i32 to index
        %swap3A_298 = tpu.vector_load %arg12[%swap3A_297] {strides = array<i32>} : memref<1280xi32, #tpu.memory_space<vmem>>, vector<16xi32>,
        tpu.vector_store %arg12[%swap3A_297], %gather3A_292 {strides = array<i32>} : memref<1280xi32, #tpu.memory_space<vmem>>, vector<16xi32>,
        %add3A_299 = vector.broadcast %mul3A_264 : i32 to vector<16xi32>
        %add3A_300 = arith.addi %add3A_299, %select_n3A_38 : vector<16xi32>
        %gather3A_301 = tpu.vector_load_idx %arg11[%add3A_300, %add3A_68] : memref<64x20xi32, #tpu.memory_space<vmem>>[vector<16xi32>, vector<16xi32>], vector<16xi32>,
        %mul3A_302 = arith.constant 20 : i32
        %mul3A_303 = arith.muli %mul3A_264, %mul3A_302 : i32
        %add3A_304 = arith.constant 64 : i32
        %add3A_305 = arith.addi %mul3A_303, %add3A_304 : i32
        %swap3A_306 = arith.index_cast %add3A_305 : i32 to index
        %swap3A_307 = tpu.vector_load %arg12[%swap3A_306] {strides = array<i32>} : memref<1280xi32, #tpu.memory_space<vmem>>, vector<16xi32>,
        tpu.vector_store %arg12[%swap3A_306], %gather3A_301 {strides = array<i32>} : memref<1280xi32, #tpu.memory_space<vmem>>, vector<16xi32>,
      }
      %scan3A_85 = arith.constant 16 : i32
      %dma_start3A = arith.constant 0 : i32
      %dma_start3A_86 = arith.constant 0 : i32
      %dma_start3A_87 = tpu.memref_slice %arg5[%dma_start3A, %dma_start3A_86] : memref<1000000x32xf32, #tpu.memory_space<hbm>> -> memref<1000000x32xf32, #tpu.memory_space<hbm>>
      tpu.enqueue_indirect_dma source(%dma_start3A_87 : memref<1000000x32xf32, #tpu.memory_space<hbm>>) target(%arg13 : memref<64x32xf32, #tpu.memory_space<vmem>>) offsets(%arg9 : memref<64xi32, #tpu.memory_space<vmem>>) semaphore(%arg18 : memref<!tpu.dma_semaphore, #tpu.memory_space<semaphore_mem>>)
      %dma_start3A_88 = arith.constant 0 : i32
      %dma_start3A_89 = arith.constant 0 : i32
      %dma_start3A_90 = tpu.memref_slice %arg6[%dma_start3A_88, %dma_start3A_89] : memref<1000000x32xf32, #tpu.memory_space<hbm>> -> memref<1000000x32xf32, #tpu.memory_space<hbm>>
      tpu.enqueue_indirect_dma source(%dma_start3A_90 : memref<1000000x32xf32, #tpu.memory_space<hbm>>) target(%arg14 : memref<64x32xf32, #tpu.memory_space<vmem>>) offsets(%arg10 : memref<64xi32, #tpu.memory_space<vmem>>) semaphore(%arg18 : memref<!tpu.dma_semaphore, #tpu.memory_space<semaphore_mem>>)
      %dma_start3A_91 = arith.constant 0 : i32
      %dma_start3A_92 = arith.constant 0 : i32
      %dma_start3A_93 = tpu.memref_slice %arg15[%dma_start3A_91, %dma_start3A_92] : memref<1280x32xf32, #tpu.memory_space<vmem>> -> memref<128x32xf32, #tpu.memory_space<vmem>>
      %dma_start3A_94 = arith.constant 0 : i32
      %dma_start3A_95 = tpu.memref_slice %arg12[%dma_start3A_94] : memref<1280xi32, #tpu.memory_space<vmem>> -> memref<128xi32, #tpu.memory_space<vmem>>
      %dma_start3A_96 = arith.constant 0 : i32
      %dma_start3A_97 = arith.constant 0 : i32
      %dma_start3A_98 = tpu.memref_slice %arg6[%dma_start3A_96, %dma_start3A_97] : memref<1000000x32xf32, #tpu.memory_space<hbm>> -> memref<1000000x32xf32, #tpu.memory_space<hbm>>
      tpu.enqueue_indirect_dma source(%dma_start3A_98 : memref<1000000x32xf32, #tpu.memory_space<hbm>>) target(%dma_start3A_93 : memref<128x32xf32, #tpu.memory_space<vmem>>) offsets(%dma_start3A_95 : memref<128xi32, #tpu.memory_space<vmem>>) semaphore(%arg18 : memref<!tpu.dma_semaphore, #tpu.memory_space<semaphore_mem>>)
      %dma_start3A_99 = arith.constant 128 : i32
      %dma_start3A_100 = arith.constant 0 : i32
      %dma_start3A_101 = tpu.memref_slice %arg15[%dma_start3A_99, %dma_start3A_100] : memref<1280x32xf32, #tpu.memory_space<vmem>> -> memref<128x32xf32, #tpu.memory_space<vmem>>
      %dma_start3A_102 = arith.constant 128 : i32
      %dma_start3A_103 = tpu.memref_slice %arg12[%dma_start3A_102] : memref<1280xi32, #tpu.memory_space<vmem>> -> memref<128xi32, #tpu.memory_space<vmem>>
      %dma_start3A_104 = arith.constant 0 : i32
      %dma_start3A_105 = arith.constant 0 : i32
      %dma_start3A_106 = tpu.memref_slice %arg6[%dma_start3A_104, %dma_start3A_105] : memref<1000000x32xf32, #tpu.memory_space<hbm>> -> memref<1000000x32xf32, #tpu.memory_space<hbm>>
      tpu.enqueue_indirect_dma source(%dma_start3A_106 : memref<1000000x32xf32, #tpu.memory_space<hbm>>) target(%dma_start3A_101 : memref<128x32xf32, #tpu.memory_space<vmem>>) offsets(%dma_start3A_103 : memref<128xi32, #tpu.memory_space<vmem>>) semaphore(%arg18 : memref<!tpu.dma_semaphore, #tpu.memory_space<semaphore_mem>>)
      %dma_start3A_107 = arith.constant 256 : i32
      %dma_start3A_108 = arith.constant 0 : i32
      %dma_start3A_109 = tpu.memref_slice %arg15[%dma_start3A_107, %dma_start3A_108] : memref<1280x32xf32, #tpu.memory_space<vmem>> -> memref<128x32xf32, #tpu.memory_space<vmem>>
      %dma_start3A_110 = arith.constant 256 : i32
      %dma_start3A_111 = tpu.memref_slice %arg12[%dma_start3A_110] : memref<1280xi32, #tpu.memory_space<vmem>> -> memref<128xi32, #tpu.memory_space<vmem>>
      %dma_start3A_112 = arith.constant 0 : i32
      %dma_start3A_113 = arith.constant 0 : i32
      %dma_start3A_114 = tpu.memref_slice %arg6[%dma_start3A_112, %dma_start3A_113] : memref<1000000x32xf32, #tpu.memory_space<hbm>> -> memref<1000000x32xf32, #tpu.memory_space<hbm>>
      tpu.enqueue_indirect_dma source(%dma_start3A_114 : memref<1000000x32xf32, #tpu.memory_space<hbm>>) target(%dma_start3A_109 : memref<128x32xf32, #tpu.memory_space<vmem>>) offsets(%dma_start3A_111 : memref<128xi32, #tpu.memory_space<vmem>>) semaphore(%arg18 : memref<!tpu.dma_semaphore, #tpu.memory_space<semaphore_mem>>)
      %dma_start3A_115 = arith.constant 384 : i32
      %dma_start3A_116 = arith.constant 0 : i32
      %dma_start3A_117 = tpu.memref_slice %arg15[%dma_start3A_115, %dma_start3A_116] : memref<1280x32xf32, #tpu.memory_space<vmem>> -> memref<128x32xf32, #tpu.memory_space<vmem>>
      %dma_start3A_118 = arith.constant 384 : i32
      %dma_start3A_119 = tpu.memref_slice %arg12[%dma_start3A_118] : memref<1280xi32, #tpu.memory_space<vmem>> -> memref<128xi32, #tpu.memory_space<vmem>>
      %dma_start3A_120 = arith.constant 0 : i32
      %dma_start3A_121 = arith.constant 0 : i32
      %dma_start3A_122 = tpu.memref_slice %arg6[%dma_start3A_120, %dma_start3A_121] : memref<1000000x32xf32, #tpu.memory_space<hbm>> -> memref<1000000x32xf32, #tpu.memory_space<hbm>>
      tpu.enqueue_indirect_dma source(%dma_start3A_122 : memref<1000000x32xf32, #tpu.memory_space<hbm>>) target(%dma_start3A_117 : memref<128x32xf32, #tpu.memory_space<vmem>>) offsets(%dma_start3A_119 : memref<128xi32, #tpu.memory_space<vmem>>) semaphore(%arg18 : memref<!tpu.dma_semaphore, #tpu.memory_space<semaphore_mem>>)
      %dma_start3A_123 = arith.constant 512 : i32
      %dma_start3A_124 = arith.constant 0 : i32
      %dma_start3A_125 = tpu.memref_slice %arg15[%dma_start3A_123, %dma_start3A_124] : memref<1280x32xf32, #tpu.memory_space<vmem>> -> memref<128x32xf32, #tpu.memory_space<vmem>>
      %dma_start3A_126 = arith.constant 512 : i32
      %dma_start3A_127 = tpu.memref_slice %arg12[%dma_start3A_126] : memref<1280xi32, #tpu.memory_space<vmem>> -> memref<128xi32, #tpu.memory_space<vmem>>
      %dma_start3A_128 = arith.constant 0 : i32
      %dma_start3A_129 = arith.constant 0 : i32
      %dma_start3A_130 = tpu.memref_slice %arg6[%dma_start3A_128, %dma_start3A_129] : memref<1000000x32xf32, #tpu.memory_space<hbm>> -> memref<1000000x32xf32, #tpu.memory_space<hbm>>
      tpu.enqueue_indirect_dma source(%dma_start3A_130 : memref<1000000x32xf32, #tpu.memory_space<hbm>>) target(%dma_start3A_125 : memref<128x32xf32, #tpu.memory_space<vmem>>) offsets(%dma_start3A_127 : memref<128xi32, #tpu.memory_space<vmem>>) semaphore(%arg18 : memref<!tpu.dma_semaphore, #tpu.memory_space<semaphore_mem>>)
      %dma_start3A_131 = arith.constant 640 : i32
      %dma_start3A_132 = arith.constant 0 : i32
      %dma_start3A_133 = tpu.memref_slice %arg15[%dma_start3A_131, %dma_start3A_132] : memref<1280x32xf32, #tpu.memory_space<vmem>> -> memref<128x32xf32, #tpu.memory_space<vmem>>
      %dma_start3A_134 = arith.constant 640 : i32
      %dma_start3A_135 = tpu.memref_slice %arg12[%dma_start3A_134] : memref<1280xi32, #tpu.memory_space<vmem>> -> memref<128xi32, #tpu.memory_space<vmem>>
      %dma_start3A_136 = arith.constant 0 : i32
      %dma_start3A_137 = arith.constant 0 : i32
      %dma_start3A_138 = tpu.memref_slice %arg6[%dma_start3A_136, %dma_start3A_137] : memref<1000000x32xf32, #tpu.memory_space<hbm>> -> memref<1000000x32xf32, #tpu.memory_space<hbm>>
      tpu.enqueue_indirect_dma source(%dma_start3A_138 : memref<1000000x32xf32, #tpu.memory_space<hbm>>) target(%dma_start3A_133 : memref<128x32xf32, #tpu.memory_space<vmem>>) offsets(%dma_start3A_135 : memref<128xi32, #tpu.memory_space<vmem>>) semaphore(%arg18 : memref<!tpu.dma_semaphore, #tpu.memory_space<semaphore_mem>>)
      %dma_start3A_139 = arith.constant 768 : i32
      %dma_start3A_140 = arith.constant 0 : i32
      %dma_start3A_141 = tpu.memref_slice %arg15[%dma_start3A_139, %dma_start3A_140] : memref<1280x32xf32, #tpu.memory_space<vmem>> -> memref<128x32xf32, #tpu.memory_space<vmem>>
      %dma_start3A_142 = arith.constant 768 : i32
      %dma_start3A_143 = tpu.memref_slice %arg12[%dma_start3A_142] : memref<1280xi32, #tpu.memory_space<vmem>> -> memref<128xi32, #tpu.memory_space<vmem>>
      %dma_start3A_144 = arith.constant 0 : i32
      %dma_start3A_145 = arith.constant 0 : i32
      %dma_start3A_146 = tpu.memref_slice %arg6[%dma_start3A_144, %dma_start3A_145] : memref<1000000x32xf32, #tpu.memory_space<hbm>> -> memref<1000000x32xf32, #tpu.memory_space<hbm>>
      tpu.enqueue_indirect_dma source(%dma_start3A_146 : memref<1000000x32xf32, #tpu.memory_space<hbm>>) target(%dma_start3A_141 : memref<128x32xf32, #tpu.memory_space<vmem>>) offsets(%dma_start3A_143 : memref<128xi32, #tpu.memory_space<vmem>>) semaphore(%arg18 : memref<!tpu.dma_semaphore, #tpu.memory_space<semaphore_mem>>)
      %dma_start3A_147 = arith.constant 896 : i32
      %dma_start3A_148 = arith.constant 0 : i32
      %dma_start3A_149 = tpu.memref_slice %arg15[%dma_start3A_147, %dma_start3A_148] : memref<1280x32xf32, #tpu.memory_space<vmem>> -> memref<128x32xf32, #tpu.memory_space<vmem>>
      %dma_start3A_150 = arith.constant 896 : i32
      %dma_start3A_151 = tpu.memref_slice %arg12[%dma_start3A_150] : memref<1280xi32, #tpu.memory_space<vmem>> -> memref<128xi32, #tpu.memory_space<vmem>>
      %dma_start3A_152 = arith.constant 0 : i32
      %dma_start3A_153 = arith.constant 0 : i32
      %dma_start3A_154 = tpu.memref_slice %arg6[%dma_start3A_152, %dma_start3A_153] : memref<1000000x32xf32, #tpu.memory_space<hbm>> -> memref<1000000x32xf32, #tpu.memory_space<hbm>>
      tpu.enqueue_indirect_dma source(%dma_start3A_154 : memref<1000000x32xf32, #tpu.memory_space<hbm>>) target(%dma_start3A_149 : memref<128x32xf32, #tpu.memory_space<vmem>>) offsets(%dma_start3A_151 : memref<128xi32, #tpu.memory_space<vmem>>) semaphore(%arg18 : memref<!tpu.dma_semaphore, #tpu.memory_space<semaphore_mem>>)
      %dma_start3A_155 = arith.constant 1024 : i32
      %dma_start3A_156 = arith.constant 0 : i32
      %dma_start3A_157 = tpu.memref_slice %arg15[%dma_start3A_155, %dma_start3A_156] : memref<1280x32xf32, #tpu.memory_space<vmem>> -> memref<128x32xf32, #tpu.memory_space<vmem>>
      %dma_start3A_158 = arith.constant 1024 : i32
      %dma_start3A_159 = tpu.memref_slice %arg12[%dma_start3A_158] : memref<1280xi32, #tpu.memory_space<vmem>> -> memref<128xi32, #tpu.memory_space<vmem>>
      %dma_start3A_160 = arith.constant 0 : i32
      %dma_start3A_161 = arith.constant 0 : i32
      %dma_start3A_162 = tpu.memref_slice %arg6[%dma_start3A_160, %dma_start3A_161] : memref<1000000x32xf32, #tpu.memory_space<hbm>> -> memref<1000000x32xf32, #tpu.memory_space<hbm>>
      tpu.enqueue_indirect_dma source(%dma_start3A_162 : memref<1000000x32xf32, #tpu.memory_space<hbm>>) target(%dma_start3A_157 : memref<128x32xf32, #tpu.memory_space<vmem>>) offsets(%dma_start3A_159 : memref<128xi32, #tpu.memory_space<vmem>>) semaphore(%arg18 : memref<!tpu.dma_semaphore, #tpu.memory_space<semaphore_mem>>)
      %dma_start3A_163 = arith.constant 1152 : i32
      %dma_start3A_164 = arith.constant 0 : i32
      %dma_start3A_165 = tpu.memref_slice %arg15[%dma_start3A_163, %dma_start3A_164] : memref<1280x32xf32, #tpu.memory_space<vmem>> -> memref<128x32xf32, #tpu.memory_space<vmem>>
      %dma_start3A_166 = arith.constant 1152 : i32
      %dma_start3A_167 = tpu.memref_slice %arg12[%dma_start3A_166] : memref<1280xi32, #tpu.memory_space<vmem>> -> memref<128xi32, #tpu.memory_space<vmem>>
      %dma_start3A_168 = arith.constant 0 : i32
      %dma_start3A_169 = arith.constant 0 : i32
      %dma_start3A_170 = tpu.memref_slice %arg6[%dma_start3A_168, %dma_start3A_169] : memref<1000000x32xf32, #tpu.memory_space<hbm>> -> memref<1000000x32xf32, #tpu.memory_space<hbm>>
      tpu.enqueue_indirect_dma source(%dma_start3A_170 : memref<1000000x32xf32, #tpu.memory_space<hbm>>) target(%dma_start3A_165 : memref<128x32xf32, #tpu.memory_space<vmem>>) offsets(%dma_start3A_167 : memref<128xi32, #tpu.memory_space<vmem>>) semaphore(%arg18 : memref<!tpu.dma_semaphore, #tpu.memory_space<semaphore_mem>>)
      %dma_wait3A = arith.constant 0 : i32
      %dma_wait3A_171 = arith.constant 0 : i32
      %dma_wait3A_172 = tpu.memref_slice %arg5[%dma_wait3A, %dma_wait3A_171] : memref<1000000x32xf32, #tpu.memory_space<hbm>> -> memref<1000000x32xf32, #tpu.memory_space<hbm>>
      tpu.wait_indirect_dma semaphore(%arg18 : memref<!tpu.dma_semaphore, #tpu.memory_space<semaphore_mem>>) src(%dma_wait3A_172 : memref<1000000x32xf32, #tpu.memory_space<hbm>>) dst(%arg13 : memref<64x32xf32, #tpu.memory_space<vmem>>)
      %dma_wait3A_173 = arith.constant 0 : i32
      %dma_wait3A_174 = arith.constant 0 : i32
      %dma_wait3A_175 = tpu.memref_slice %arg6[%dma_wait3A_173, %dma_wait3A_174] : memref<1000000x32xf32, #tpu.memory_space<hbm>> -> memref<1000000x32xf32, #tpu.memory_space<hbm>>
      tpu.wait_indirect_dma semaphore(%arg18 : memref<!tpu.dma_semaphore, #tpu.memory_space<semaphore_mem>>) src(%dma_wait3A_175 : memref<1000000x32xf32, #tpu.memory_space<hbm>>) dst(%arg14 : memref<64x32xf32, #tpu.memory_space<vmem>>)
      %dma_wait3A_176 = arith.constant 0 : i32
      %dma_wait3A_177 = arith.constant 0 : i32
      %dma_wait3A_178 = tpu.memref_slice %arg15[%dma_wait3A_176, %dma_wait3A_177] : memref<1280x32xf32, #tpu.memory_space<vmem>> -> memref<128x32xf32, #tpu.memory_space<vmem>>
      %dma_wait3A_179 = arith.constant 0 : i32
      %dma_wait3A_180 = tpu.memref_slice %arg12[%dma_wait3A_179] : memref<1280xi32, #tpu.memory_space<vmem>> -> memref<128xi32, #tpu.memory_space<vmem>>
      %dma_wait3A_181 = arith.constant 0 : i32
      %dma_wait3A_182 = arith.constant 0 : i32
      %dma_wait3A_183 = tpu.memref_slice %arg6[%dma_wait3A_181, %dma_wait3A_182] : memref<1000000x32xf32, #tpu.memory_space<hbm>> -> memref<1000000x32xf32, #tpu.memory_space<hbm>>
      tpu.wait_indirect_dma semaphore(%arg18 : memref<!tpu.dma_semaphore, #tpu.memory_space<semaphore_mem>>) src(%dma_wait3A_183 : memref<1000000x32xf32, #tpu.memory_space<hbm>>) dst(%dma_wait3A_178 : memref<128x32xf32, #tpu.memory_space<vmem>>)
      %dma_wait3A_184 = arith.constant 128 : i32
      %dma_wait3A_185 = arith.constant 0 : i32
      %dma_wait3A_186 = tpu.memref_slice %arg15[%dma_wait3A_184, %dma_wait3A_185] : memref<1280x32xf32, #tpu.memory_space<vmem>> -> memref<128x32xf32, #tpu.memory_space<vmem>>
      %dma_wait3A_187 = arith.constant 128 : i32
      %dma_wait3A_188 = tpu.memref_slice %arg12[%dma_wait3A_187] : memref<1280xi32, #tpu.memory_space<vmem>> -> memref<128xi32, #tpu.memory_space<vmem>>
      %dma_wait3A_189 = arith.constant 0 : i32
      %dma_wait3A_190 = arith.constant 0 : i32
      %dma_wait3A_191 = tpu.memref_slice %arg6[%dma_wait3A_189, %dma_wait3A_190] : memref<1000000x32xf32, #tpu.memory_space<hbm>> -> memref<1000000x32xf32, #tpu.memory_space<hbm>>
      tpu.wait_indirect_dma semaphore(%arg18 : memref<!tpu.dma_semaphore, #tpu.memory_space<semaphore_mem>>) src(%dma_wait3A_191 : memref<1000000x32xf32, #tpu.memory_space<hbm>>) dst(%dma_wait3A_186 : memref<128x32xf32, #tpu.memory_space<vmem>>)
      %dma_wait3A_192 = arith.constant 256 : i32
      %dma_wait3A_193 = arith.constant 0 : i32
      %dma_wait3A_194 = tpu.memref_slice %arg15[%dma_wait3A_192, %dma_wait3A_193] : memref<1280x32xf32, #tpu.memory_space<vmem>> -> memref<128x32xf32, #tpu.memory_space<vmem>>
      %dma_wait3A_195 = arith.constant 256 : i32
      %dma_wait3A_196 = tpu.memref_slice %arg12[%dma_wait3A_195] : memref<1280xi32, #tpu.memory_space<vmem>> -> memref<128xi32, #tpu.memory_space<vmem>>
      %dma_wait3A_197 = arith.constant 0 : i32
      %dma_wait3A_198 = arith.constant 0 : i32
      %dma_wait3A_199 = tpu.memref_slice %arg6[%dma_wait3A_197, %dma_wait3A_198] : memref<1000000x32xf32, #tpu.memory_space<hbm>> -> memref<1000000x32xf32, #tpu.memory_space<hbm>>
      tpu.wait_indirect_dma semaphore(%arg18 : memref<!tpu.dma_semaphore, #tpu.memory_space<semaphore_mem>>) src(%dma_wait3A_199 : memref<1000000x32xf32, #tpu.memory_space<hbm>>) dst(%dma_wait3A_194 : memref<128x32xf32, #tpu.memory_space<vmem>>)
      %dma_wait3A_200 = arith.constant 384 : i32
      %dma_wait3A_201 = arith.constant 0 : i32
      %dma_wait3A_202 = tpu.memref_slice %arg15[%dma_wait3A_200, %dma_wait3A_201] : memref<1280x32xf32, #tpu.memory_space<vmem>> -> memref<128x32xf32, #tpu.memory_space<vmem>>
      %dma_wait3A_203 = arith.constant 384 : i32
      %dma_wait3A_204 = tpu.memref_slice %arg12[%dma_wait3A_203] : memref<1280xi32, #tpu.memory_space<vmem>> -> memref<128xi32, #tpu.memory_space<vmem>>
      %dma_wait3A_205 = arith.constant 0 : i32
      %dma_wait3A_206 = arith.constant 0 : i32
      %dma_wait3A_207 = tpu.memref_slice %arg6[%dma_wait3A_205, %dma_wait3A_206] : memref<1000000x32xf32, #tpu.memory_space<hbm>> -> memref<1000000x32xf32, #tpu.memory_space<hbm>>
      tpu.wait_indirect_dma semaphore(%arg18 : memref<!tpu.dma_semaphore, #tpu.memory_space<semaphore_mem>>) src(%dma_wait3A_207 : memref<1000000x32xf32, #tpu.memory_space<hbm>>) dst(%dma_wait3A_202 : memref<128x32xf32, #tpu.memory_space<vmem>>)
      %dma_wait3A_208 = arith.constant 512 : i32
      %dma_wait3A_209 = arith.constant 0 : i32
      %dma_wait3A_210 = tpu.memref_slice %arg15[%dma_wait3A_208, %dma_wait3A_209] : memref<1280x32xf32, #tpu.memory_space<vmem>> -> memref<128x32xf32, #tpu.memory_space<vmem>>
      %dma_wait3A_211 = arith.constant 512 : i32
      %dma_wait3A_212 = tpu.memref_slice %arg12[%dma_wait3A_211] : memref<1280xi32, #tpu.memory_space<vmem>> -> memref<128xi32, #tpu.memory_space<vmem>>
      %dma_wait3A_213 = arith.constant 0 : i32
      %dma_wait3A_214 = arith.constant 0 : i32
      %dma_wait3A_215 = tpu.memref_slice %arg6[%dma_wait3A_213, %dma_wait3A_214] : memref<1000000x32xf32, #tpu.memory_space<hbm>> -> memref<1000000x32xf32, #tpu.memory_space<hbm>>
      tpu.wait_indirect_dma semaphore(%arg18 : memref<!tpu.dma_semaphore, #tpu.memory_space<semaphore_mem>>) src(%dma_wait3A_215 : memref<1000000x32xf32, #tpu.memory_space<hbm>>) dst(%dma_wait3A_210 : memref<128x32xf32, #tpu.memory_space<vmem>>)
      %dma_wait3A_216 = arith.constant 640 : i32
      %dma_wait3A_217 = arith.constant 0 : i32
      %dma_wait3A_218 = tpu.memref_slice %arg15[%dma_wait3A_216, %dma_wait3A_217] : memref<1280x32xf32, #tpu.memory_space<vmem>> -> memref<128x32xf32, #tpu.memory_space<vmem>>
      %dma_wait3A_219 = arith.constant 640 : i32
      %dma_wait3A_220 = tpu.memref_slice %arg12[%dma_wait3A_219] : memref<1280xi32, #tpu.memory_space<vmem>> -> memref<128xi32, #tpu.memory_space<vmem>>
      %dma_wait3A_221 = arith.constant 0 : i32
      %dma_wait3A_222 = arith.constant 0 : i32
      %dma_wait3A_223 = tpu.memref_slice %arg6[%dma_wait3A_221, %dma_wait3A_222] : memref<1000000x32xf32, #tpu.memory_space<hbm>> -> memref<1000000x32xf32, #tpu.memory_space<hbm>>
      tpu.wait_indirect_dma semaphore(%arg18 : memref<!tpu.dma_semaphore, #tpu.memory_space<semaphore_mem>>) src(%dma_wait3A_223 : memref<1000000x32xf32, #tpu.memory_space<hbm>>) dst(%dma_wait3A_218 : memref<128x32xf32, #tpu.memory_space<vmem>>)
      %dma_wait3A_224 = arith.constant 768 : i32
      %dma_wait3A_225 = arith.constant 0 : i32
      %dma_wait3A_226 = tpu.memref_slice %arg15[%dma_wait3A_224, %dma_wait3A_225] : memref<1280x32xf32, #tpu.memory_space<vmem>> -> memref<128x32xf32, #tpu.memory_space<vmem>>
      %dma_wait3A_227 = arith.constant 768 : i32
      %dma_wait3A_228 = tpu.memref_slice %arg12[%dma_wait3A_227] : memref<1280xi32, #tpu.memory_space<vmem>> -> memref<128xi32, #tpu.memory_space<vmem>>
      %dma_wait3A_229 = arith.constant 0 : i32
      %dma_wait3A_230 = arith.constant 0 : i32
      %dma_wait3A_231 = tpu.memref_slice %arg6[%dma_wait3A_229, %dma_wait3A_230] : memref<1000000x32xf32, #tpu.memory_space<hbm>> -> memref<1000000x32xf32, #tpu.memory_space<hbm>>
      tpu.wait_indirect_dma semaphore(%arg18 : memref<!tpu.dma_semaphore, #tpu.memory_space<semaphore_mem>>) src(%dma_wait3A_231 : memref<1000000x32xf32, #tpu.memory_space<hbm>>) dst(%dma_wait3A_226 : memref<128x32xf32, #tpu.memory_space<vmem>>)
      %dma_wait3A_232 = arith.constant 896 : i32
      %dma_wait3A_233 = arith.constant 0 : i32
      %dma_wait3A_234 = tpu.memref_slice %arg15[%dma_wait3A_232, %dma_wait3A_233] : memref<1280x32xf32, #tpu.memory_space<vmem>> -> memref<128x32xf32, #tpu.memory_space<vmem>>
      %dma_wait3A_235 = arith.constant 896 : i32
      %dma_wait3A_236 = tpu.memref_slice %arg12[%dma_wait3A_235] : memref<1280xi32, #tpu.memory_space<vmem>> -> memref<128xi32, #tpu.memory_space<vmem>>
      %dma_wait3A_237 = arith.constant 0 : i32
      %dma_wait3A_238 = arith.constant 0 : i32
      %dma_wait3A_239 = tpu.memref_slice %arg6[%dma_wait3A_237, %dma_wait3A_238] : memref<1000000x32xf32, #tpu.memory_space<hbm>> -> memref<1000000x32xf32, #tpu.memory_space<hbm>>
      tpu.wait_indirect_dma semaphore(%arg18 : memref<!tpu.dma_semaphore, #tpu.memory_space<semaphore_mem>>) src(%dma_wait3A_239 : memref<1000000x32xf32, #tpu.memory_space<hbm>>) dst(%dma_wait3A_234 : memref<128x32xf32, #tpu.memory_space<vmem>>)
      %dma_wait3A_240 = arith.constant 1024 : i32
      %dma_wait3A_241 = arith.constant 0 : i32
      %dma_wait3A_242 = tpu.memref_slice %arg15[%dma_wait3A_240, %dma_wait3A_241] : memref<1280x32xf32, #tpu.memory_space<vmem>> -> memref<128x32xf32, #tpu.memory_space<vmem>>
      %dma_wait3A_243 = arith.constant 1024 : i32
      %dma_wait3A_244 = tpu.memref_slice %arg12[%dma_wait3A_243] : memref<1280xi32, #tpu.memory_space<vmem>> -> memref<128xi32, #tpu.memory_space<vmem>>
      %dma_wait3A_245 = arith.constant 0 : i32
      %dma_wait3A_246 = arith.constant 0 : i32
      %dma_wait3A_247 = tpu.memref_slice %arg6[%dma_wait3A_245, %dma_wait3A_246] : memref<1000000x32xf32, #tpu.memory_space<hbm>> -> memref<1000000x32xf32, #tpu.memory_space<hbm>>
      tpu.wait_indirect_dma semaphore(%arg18 : memref<!tpu.dma_semaphore, #tpu.memory_space<semaphore_mem>>) src(%dma_wait3A_247 : memref<1000000x32xf32, #tpu.memory_space<hbm>>) dst(%dma_wait3A_242 : memref<128x32xf32, #tpu.memory_space<vmem>>)
      %dma_wait3A_248 = arith.constant 1152 : i32
      %dma_wait3A_249 = arith.constant 0 : i32
      %dma_wait3A_250 = tpu.memref_slice %arg15[%dma_wait3A_248, %dma_wait3A_249] : memref<1280x32xf32, #tpu.memory_space<vmem>> -> memref<128x32xf32, #tpu.memory_space<vmem>>
      %dma_wait3A_251 = arith.constant 1152 : i32
      %dma_wait3A_252 = tpu.memref_slice %arg12[%dma_wait3A_251] : memref<1280xi32, #tpu.memory_space<vmem>> -> memref<128xi32, #tpu.memory_space<vmem>>
      %dma_wait3A_253 = arith.constant 0 : i32
      %dma_wait3A_254 = arith.constant 0 : i32
      %dma_wait3A_255 = tpu.memref_slice %arg6[%dma_wait3A_253, %dma_wait3A_254] : memref<1000000x32xf32, #tpu.memory_space<hbm>> -> memref<1000000x32xf32, #tpu.memory_space<hbm>>
      tpu.wait_indirect_dma semaphore(%arg18 : memref<!tpu.dma_semaphore, #tpu.memory_space<semaphore_mem>>) src(%dma_wait3A_255 : memref<1000000x32xf32, #tpu.memory_space<hbm>>) dst(%dma_wait3A_250 : memref<128x32xf32, #tpu.memory_space<vmem>>)
      %scan3A_256 = arith.constant 0 : i32
      %scan3A_257 = arith.constant 0 : i32
      %scan3A_258 = arith.constant 64 : i32
      %scan3A_259 = arith.addi %scan3A_257, %scan3A_258 : i32
      %scan3A_260 = arith.constant 1 : i32
      scf.for %scan3A_262 = %scan3A_257 to %scan3A_259 step %scan3A_260  : i32 {
        %get3A = arith.index_cast %scan3A_262 : i32 to index
        %get3A_263 = arith.constant 0 : index
        %get3A_264 = tpu.vector_load %arg13[%get3A, %get3A_263] {strides = array<i32>} : memref<64x32xf32, #tpu.memory_space<vmem>>, vector<16xf32>,
        %get3A_265 = arith.index_cast %scan3A_262 : i32 to index
        %get3A_266 = arith.constant 16 : index
        %get3A_267 = tpu.vector_load %arg13[%get3A_265, %get3A_266] {strides = array<i32>} : memref<64x32xf32, #tpu.memory_space<vmem>>, vector<16xf32>,
        %get3A_268 = arith.index_cast %scan3A_262 : i32 to index
        %get3A_269 = arith.constant 0 : index
        %get3A_270 = tpu.vector_load %arg14[%get3A_268, %get3A_269] {strides = array<i32>} : memref<64x32xf32, #tpu.memory_space<vmem>>, vector<16xf32>,
        %mul3A_271 = arith.mulf %get3A_264, %get3A_270 : vector<16xf32>
        %get3A_272 = arith.index_cast %scan3A_262 : i32 to index
        %get3A_273 = arith.constant 16 : index
        %get3A_274 = tpu.vector_load %arg14[%get3A_272, %get3A_273] {strides = array<i32>} : memref<64x32xf32, #tpu.memory_space<vmem>>, vector<16xf32>,
        %mul3A_275 = arith.mulf %get3A_267, %get3A_274 : vector<16xf32>
        %add3A_276 = arith.addf %mul3A_271, %mul3A_275 : vector<16xf32>
        %broadcast_in_dim3A_277 = vector.broadcast %scan3A_262 : i32 to vector<16xi32>
        %broadcast_in_dim3A_278 = arith.constant true
        %broadcast_in_dim3A_279 = vector.broadcast %broadcast_in_dim3A_278 : i1 to vector<16xi1>
        %masked_cumsum3A = tpu.scan <sum>, %add3A_276 masked %broadcast_in_dim3A_279 : vector<16xf32>, vector<16xi1> -> vector<16xf32>
        tpu.vector_store_idx %arg16[%broadcast_in_dim3A_277], %masked_cumsum3A masked %eq3A_2 : memref<64xf32, #tpu.memory_space<vmem>>[vector<16xi32>], vector<16xf32>, vector<16xi1>
        %mul3A_280 = arith.constant 20 : i32
        %mul3A_281 = arith.muli %scan3A_262, %mul3A_280 : i32
        %add3A_282 = arith.constant 0 : i32
        %add3A_283 = arith.addi %mul3A_281, %add3A_282 : i32
        %get3A_284 = arith.index_cast %add3A_283 : i32 to index
        %get3A_285 = arith.constant 0 : index
        %get3A_286 = tpu.vector_load %arg15[%get3A_284, %get3A_285] {strides = array<i32>} : memref<1280x32xf32, #tpu.memory_space<vmem>>, vector<16xf32>,
        %mul3A_287 = arith.mulf %get3A_264, %get3A_286 : vector<16xf32>
        %get3A_288 = arith.index_cast %add3A_283 : i32 to index
        %get3A_289 = arith.constant 16 : index
        %get3A_290 = tpu.vector_load %arg15[%get3A_288, %get3A_289] {strides = array<i32>} : memref<1280x32xf32, #tpu.memory_space<vmem>>, vector<16xf32>,
        %mul3A_291 = arith.mulf %get3A_267, %get3A_290 : vector<16xf32>
        %add3A_292 = arith.addf %mul3A_287, %mul3A_291 : vector<16xf32>
        %broadcast_in_dim3A_293 = vector.broadcast %scan3A_262 : i32 to vector<16xi32>
        %broadcast_in_dim3A_294 = arith.constant 0 : i32
        %broadcast_in_dim3A_295 = vector.broadcast %broadcast_in_dim3A_294 : i32 to vector<16xi32>
        %broadcast_in_dim3A_296 = arith.constant true
        %broadcast_in_dim3A_297 = vector.broadcast %broadcast_in_dim3A_296 : i1 to vector<16xi1>
        %masked_cumsum3A_298 = tpu.scan <sum>, %add3A_292 masked %broadcast_in_dim3A_297 : vector<16xf32>, vector<16xi1> -> vector<16xf32>
        tpu.vector_store_idx %arg17[%broadcast_in_dim3A_293, %broadcast_in_dim3A_295], %masked_cumsum3A_298 masked %eq3A_2 : memref<64x20xf32, #tpu.memory_space<vmem>>[vector<16xi32>, vector<16xi32>], vector<16xf32>, vector<16xi1>
        %mul3A_299 = arith.constant 20 : i32
        %mul3A_300 = arith.muli %scan3A_262, %mul3A_299 : i32
        %add3A_301 = arith.constant 1 : i32
        %add3A_302 = arith.addi %mul3A_300, %add3A_301 : i32
        %get3A_303 = arith.index_cast %add3A_302 : i32 to index
        %get3A_304 = arith.constant 0 : index
        %get3A_305 = tpu.vector_load %arg15[%get3A_303, %get3A_304] {strides = array<i32>} : memref<1280x32xf32, #tpu.memory_space<vmem>>, vector<16xf32>,
        %mul3A_306 = arith.mulf %get3A_264, %get3A_305 : vector<16xf32>
        %get3A_307 = arith.index_cast %add3A_302 : i32 to index
        %get3A_308 = arith.constant 16 : index
        %get3A_309 = tpu.vector_load %arg15[%get3A_307, %get3A_308] {strides = array<i32>} : memref<1280x32xf32, #tpu.memory_space<vmem>>, vector<16xf32>,
        %mul3A_310 = arith.mulf %get3A_267, %get3A_309 : vector<16xf32>
        %add3A_311 = arith.addf %mul3A_306, %mul3A_310 : vector<16xf32>
        %broadcast_in_dim3A_312 = vector.broadcast %scan3A_262 : i32 to vector<16xi32>
        %broadcast_in_dim3A_313 = arith.constant 1 : i32
        %broadcast_in_dim3A_314 = vector.broadcast %broadcast_in_dim3A_313 : i32 to vector<16xi32>
        %broadcast_in_dim3A_315 = arith.constant true
        %broadcast_in_dim3A_316 = vector.broadcast %broadcast_in_dim3A_315 : i1 to vector<16xi1>
        %masked_cumsum3A_317 = tpu.scan <sum>, %add3A_311 masked %broadcast_in_dim3A_316 : vector<16xf32>, vector<16xi1> -> vector<16xf32>
        tpu.vector_store_idx %arg17[%broadcast_in_dim3A_312, %broadcast_in_dim3A_314], %masked_cumsum3A_317 masked %eq3A_2 : memref<64x20xf32, #tpu.memory_space<vmem>>[vector<16xi32>, vector<16xi32>], vector<16xf32>, vector<16xi1>
        %mul3A_318 = arith.constant 20 : i32
        %mul3A_319 = arith.muli %scan3A_262, %mul3A_318 : i32
        %add3A_320 = arith.constant 2 : i32
        %add3A_321 = arith.addi %mul3A_319, %add3A_320 : i32
        %get3A_322 = arith.index_cast %add3A_321 : i32 to index
        %get3A_323 = arith.constant 0 : index
        %get3A_324 = tpu.vector_load %arg15[%get3A_322, %get3A_323] {strides = array<i32>} : memref<1280x32xf32, #tpu.memory_space<vmem>>, vector<16xf32>,
        %mul3A_325 = arith.mulf %get3A_264, %get3A_324 : vector<16xf32>
        %get3A_326 = arith.index_cast %add3A_321 : i32 to index
        %get3A_327 = arith.constant 16 : index
        %get3A_328 = tpu.vector_load %arg15[%get3A_326, %get3A_327] {strides = array<i32>} : memref<1280x32xf32, #tpu.memory_space<vmem>>, vector<16xf32>,
        %mul3A_329 = arith.mulf %get3A_267, %get3A_328 : vector<16xf32>
        %add3A_330 = arith.addf %mul3A_325, %mul3A_329 : vector<16xf32>
        %broadcast_in_dim3A_331 = vector.broadcast %scan3A_262 : i32 to vector<16xi32>
        %broadcast_in_dim3A_332 = arith.constant 2 : i32
        %broadcast_in_dim3A_333 = vector.broadcast %broadcast_in_dim3A_332 : i32 to vector<16xi32>
        %broadcast_in_dim3A_334 = arith.constant true
        %broadcast_in_dim3A_335 = vector.broadcast %broadcast_in_dim3A_334 : i1 to vector<16xi1>
        %masked_cumsum3A_336 = tpu.scan <sum>, %add3A_330 masked %broadcast_in_dim3A_335 : vector<16xf32>, vector<16xi1> -> vector<16xf32>
        tpu.vector_store_idx %arg17[%broadcast_in_dim3A_331, %broadcast_in_dim3A_333], %masked_cumsum3A_336 masked %eq3A_2 : memref<64x20xf32, #tpu.memory_space<vmem>>[vector<16xi32>, vector<16xi32>], vector<16xf32>, vector<16xi1>
        %mul3A_337 = arith.constant 20 : i32
        %mul3A_338 = arith.muli %scan3A_262, %mul3A_337 : i32
        %add3A_339 = arith.constant 3 : i32
        %add3A_340 = arith.addi %mul3A_338, %add3A_339 : i32
        %get3A_341 = arith.index_cast %add3A_340 : i32 to index
        %get3A_342 = arith.constant 0 : index
        %get3A_343 = tpu.vector_load %arg15[%get3A_341, %get3A_342] {strides = array<i32>} : memref<1280x32xf32, #tpu.memory_space<vmem>>, vector<16xf32>,
        %mul3A_344 = arith.mulf %get3A_264, %get3A_343 : vector<16xf32>
        %get3A_345 = arith.index_cast %add3A_340 : i32 to index
        %get3A_346 = arith.constant 16 : index
        %get3A_347 = tpu.vector_load %arg15[%get3A_345, %get3A_346] {strides = array<i32>} : memref<1280x32xf32, #tpu.memory_space<vmem>>, vector<16xf32>,
        %mul3A_348 = arith.mulf %get3A_267, %get3A_347 : vector<16xf32>
        %add3A_349 = arith.addf %mul3A_344, %mul3A_348 : vector<16xf32>
        %broadcast_in_dim3A_350 = vector.broadcast %scan3A_262 : i32 to vector<16xi32>
        %broadcast_in_dim3A_351 = arith.constant 3 : i32
        %broadcast_in_dim3A_352 = vector.broadcast %broadcast_in_dim3A_351 : i32 to vector<16xi32>
        %broadcast_in_dim3A_353 = arith.constant true
        %broadcast_in_dim3A_354 = vector.broadcast %broadcast_in_dim3A_353 : i1 to vector<16xi1>
        %masked_cumsum3A_355 = tpu.scan <sum>, %add3A_349 masked %broadcast_in_dim3A_354 : vector<16xf32>, vector<16xi1> -> vector<16xf32>
        tpu.vector_store_idx %arg17[%broadcast_in_dim3A_350, %broadcast_in_dim3A_352], %masked_cumsum3A_355 masked %eq3A_2 : memref<64x20xf32, #tpu.memory_space<vmem>>[vector<16xi32>, vector<16xi32>], vector<16xf32>, vector<16xi1>
        %mul3A_356 = arith.constant 20 : i32
        %mul3A_357 = arith.muli %scan3A_262, %mul3A_356 : i32
        %add3A_358 = arith.constant 4 : i32
        %add3A_359 = arith.addi %mul3A_357, %add3A_358 : i32
        %get3A_360 = arith.index_cast %add3A_359 : i32 to index
        %get3A_361 = arith.constant 0 : index
        %get3A_362 = tpu.vector_load %arg15[%get3A_360, %get3A_361] {strides = array<i32>} : memref<1280x32xf32, #tpu.memory_space<vmem>>, vector<16xf32>,
        %mul3A_363 = arith.mulf %get3A_264, %get3A_362 : vector<16xf32>
        %get3A_364 = arith.index_cast %add3A_359 : i32 to index
        %get3A_365 = arith.constant 16 : index
        %get3A_366 = tpu.vector_load %arg15[%get3A_364, %get3A_365] {strides = array<i32>} : memref<1280x32xf32, #tpu.memory_space<vmem>>, vector<16xf32>,
        %mul3A_367 = arith.mulf %get3A_267, %get3A_366 : vector<16xf32>
        %add3A_368 = arith.addf %mul3A_363, %mul3A_367 : vector<16xf32>
        %broadcast_in_dim3A_369 = vector.broadcast %scan3A_262 : i32 to vector<16xi32>
        %broadcast_in_dim3A_370 = arith.constant 4 : i32
        %broadcast_in_dim3A_371 = vector.broadcast %broadcast_in_dim3A_370 : i32 to vector<16xi32>
        %broadcast_in_dim3A_372 = arith.constant true
        %broadcast_in_dim3A_373 = vector.broadcast %broadcast_in_dim3A_372 : i1 to vector<16xi1>
        %masked_cumsum3A_374 = tpu.scan <sum>, %add3A_368 masked %broadcast_in_dim3A_373 : vector<16xf32>, vector<16xi1> -> vector<16xf32>
        tpu.vector_store_idx %arg17[%broadcast_in_dim3A_369, %broadcast_in_dim3A_371], %masked_cumsum3A_374 masked %eq3A_2 : memref<64x20xf32, #tpu.memory_space<vmem>>[vector<16xi32>, vector<16xi32>], vector<16xf32>, vector<16xi1>
        %mul3A_375 = arith.constant 20 : i32
        %mul3A_376 = arith.muli %scan3A_262, %mul3A_375 : i32
        %add3A_377 = arith.constant 5 : i32
        %add3A_378 = arith.addi %mul3A_376, %add3A_377 : i32
        %get3A_379 = arith.index_cast %add3A_378 : i32 to index
        %get3A_380 = arith.constant 0 : index
        %get3A_381 = tpu.vector_load %arg15[%get3A_379, %get3A_380] {strides = array<i32>} : memref<1280x32xf32, #tpu.memory_space<vmem>>, vector<16xf32>,
        %mul3A_382 = arith.mulf %get3A_264, %get3A_381 : vector<16xf32>
        %get3A_383 = arith.index_cast %add3A_378 : i32 to index
        %get3A_384 = arith.constant 16 : index
        %get3A_385 = tpu.vector_load %arg15[%get3A_383, %get3A_384] {strides = array<i32>} : memref<1280x32xf32, #tpu.memory_space<vmem>>, vector<16xf32>,
        %mul3A_386 = arith.mulf %get3A_267, %get3A_385 : vector<16xf32>
        %add3A_387 = arith.addf %mul3A_382, %mul3A_386 : vector<16xf32>
        %broadcast_in_dim3A_388 = vector.broadcast %scan3A_262 : i32 to vector<16xi32>
        %broadcast_in_dim3A_389 = arith.constant 5 : i32
        %broadcast_in_dim3A_390 = vector.broadcast %broadcast_in_dim3A_389 : i32 to vector<16xi32>
        %broadcast_in_dim3A_391 = arith.constant true
        %broadcast_in_dim3A_392 = vector.broadcast %broadcast_in_dim3A_391 : i1 to vector<16xi1>
        %masked_cumsum3A_393 = tpu.scan <sum>, %add3A_387 masked %broadcast_in_dim3A_392 : vector<16xf32>, vector<16xi1> -> vector<16xf32>
        tpu.vector_store_idx %arg17[%broadcast_in_dim3A_388, %broadcast_in_dim3A_390], %masked_cumsum3A_393 masked %eq3A_2 : memref<64x20xf32, #tpu.memory_space<vmem>>[vector<16xi32>, vector<16xi32>], vector<16xf32>, vector<16xi1>
        %mul3A_394 = arith.constant 20 : i32
        %mul3A_395 = arith.muli %scan3A_262, %mul3A_394 : i32
        %add3A_396 = arith.constant 6 : i32
        %add3A_397 = arith.addi %mul3A_395, %add3A_396 : i32
        %get3A_398 = arith.index_cast %add3A_397 : i32 to index
        %get3A_399 = arith.constant 0 : index
        %get3A_400 = tpu.vector_load %arg15[%get3A_398, %get3A_399] {strides = array<i32>} : memref<1280x32xf32, #tpu.memory_space<vmem>>, vector<16xf32>,
        %mul3A_401 = arith.mulf %get3A_264, %get3A_400 : vector<16xf32>
        %get3A_402 = arith.index_cast %add3A_397 : i32 to index
        %get3A_403 = arith.constant 16 : index
        %get3A_404 = tpu.vector_load %arg15[%get3A_402, %get3A_403] {strides = array<i32>} : memref<1280x32xf32, #tpu.memory_space<vmem>>, vector<16xf32>,
        %mul3A_405 = arith.mulf %get3A_267, %get3A_404 : vector<16xf32>
        %add3A_406 = arith.addf %mul3A_401, %mul3A_405 : vector<16xf32>
        %broadcast_in_dim3A_407 = vector.broadcast %scan3A_262 : i32 to vector<16xi32>
        %broadcast_in_dim3A_408 = arith.constant 6 : i32
        %broadcast_in_dim3A_409 = vector.broadcast %broadcast_in_dim3A_408 : i32 to vector<16xi32>
        %broadcast_in_dim3A_410 = arith.constant true
        %broadcast_in_dim3A_411 = vector.broadcast %broadcast_in_dim3A_410 : i1 to vector<16xi1>
        %masked_cumsum3A_412 = tpu.scan <sum>, %add3A_406 masked %broadcast_in_dim3A_411 : vector<16xf32>, vector<16xi1> -> vector<16xf32>
        tpu.vector_store_idx %arg17[%broadcast_in_dim3A_407, %broadcast_in_dim3A_409], %masked_cumsum3A_412 masked %eq3A_2 : memref<64x20xf32, #tpu.memory_space<vmem>>[vector<16xi32>, vector<16xi32>], vector<16xf32>, vector<16xi1>
        %mul3A_413 = arith.constant 20 : i32
        %mul3A_414 = arith.muli %scan3A_262, %mul3A_413 : i32
        %add3A_415 = arith.constant 7 : i32
        %add3A_416 = arith.addi %mul3A_414, %add3A_415 : i32
        %get3A_417 = arith.index_cast %add3A_416 : i32 to index
        %get3A_418 = arith.constant 0 : index
        %get3A_419 = tpu.vector_load %arg15[%get3A_417, %get3A_418] {strides = array<i32>} : memref<1280x32xf32, #tpu.memory_space<vmem>>, vector<16xf32>,
        %mul3A_420 = arith.mulf %get3A_264, %get3A_419 : vector<16xf32>
        %get3A_421 = arith.index_cast %add3A_416 : i32 to index
        %get3A_422 = arith.constant 16 : index
        %get3A_423 = tpu.vector_load %arg15[%get3A_421, %get3A_422] {strides = array<i32>} : memref<1280x32xf32, #tpu.memory_space<vmem>>, vector<16xf32>,
        %mul3A_424 = arith.mulf %get3A_267, %get3A_423 : vector<16xf32>
        %add3A_425 = arith.addf %mul3A_420, %mul3A_424 : vector<16xf32>
        %broadcast_in_dim3A_426 = vector.broadcast %scan3A_262 : i32 to vector<16xi32>
        %broadcast_in_dim3A_427 = arith.constant 7 : i32
        %broadcast_in_dim3A_428 = vector.broadcast %broadcast_in_dim3A_427 : i32 to vector<16xi32>
        %broadcast_in_dim3A_429 = arith.constant true
        %broadcast_in_dim3A_430 = vector.broadcast %broadcast_in_dim3A_429 : i1 to vector<16xi1>
        %masked_cumsum3A_431 = tpu.scan <sum>, %add3A_425 masked %broadcast_in_dim3A_430 : vector<16xf32>, vector<16xi1> -> vector<16xf32>
        tpu.vector_store_idx %arg17[%broadcast_in_dim3A_426, %broadcast_in_dim3A_428], %masked_cumsum3A_431 masked %eq3A_2 : memref<64x20xf32, #tpu.memory_space<vmem>>[vector<16xi32>, vector<16xi32>], vector<16xf32>, vector<16xi1>
        %mul3A_432 = arith.constant 20 : i32
        %mul3A_433 = arith.muli %scan3A_262, %mul3A_432 : i32
        %add3A_434 = arith.constant 8 : i32
        %add3A_435 = arith.addi %mul3A_433, %add3A_434 : i32
        %get3A_436 = arith.index_cast %add3A_435 : i32 to index
        %get3A_437 = arith.constant 0 : index
        %get3A_438 = tpu.vector_load %arg15[%get3A_436, %get3A_437] {strides = array<i32>} : memref<1280x32xf32, #tpu.memory_space<vmem>>, vector<16xf32>,
        %mul3A_439 = arith.mulf %get3A_264, %get3A_438 : vector<16xf32>
        %get3A_440 = arith.index_cast %add3A_435 : i32 to index
        %get3A_441 = arith.constant 16 : index
        %get3A_442 = tpu.vector_load %arg15[%get3A_440, %get3A_441] {strides = array<i32>} : memref<1280x32xf32, #tpu.memory_space<vmem>>, vector<16xf32>,
        %mul3A_443 = arith.mulf %get3A_267, %get3A_442 : vector<16xf32>
        %add3A_444 = arith.addf %mul3A_439, %mul3A_443 : vector<16xf32>
        %broadcast_in_dim3A_445 = vector.broadcast %scan3A_262 : i32 to vector<16xi32>
        %broadcast_in_dim3A_446 = arith.constant 8 : i32
        %broadcast_in_dim3A_447 = vector.broadcast %broadcast_in_dim3A_446 : i32 to vector<16xi32>
        %broadcast_in_dim3A_448 = arith.constant true
        %broadcast_in_dim3A_449 = vector.broadcast %broadcast_in_dim3A_448 : i1 to vector<16xi1>
        %masked_cumsum3A_450 = tpu.scan <sum>, %add3A_444 masked %broadcast_in_dim3A_449 : vector<16xf32>, vector<16xi1> -> vector<16xf32>
        tpu.vector_store_idx %arg17[%broadcast_in_dim3A_445, %broadcast_in_dim3A_447], %masked_cumsum3A_450 masked %eq3A_2 : memref<64x20xf32, #tpu.memory_space<vmem>>[vector<16xi32>, vector<16xi32>], vector<16xf32>, vector<16xi1>
        %mul3A_451 = arith.constant 20 : i32
        %mul3A_452 = arith.muli %scan3A_262, %mul3A_451 : i32
        %add3A_453 = arith.constant 9 : i32
        %add3A_454 = arith.addi %mul3A_452, %add3A_453 : i32
        %get3A_455 = arith.index_cast %add3A_454 : i32 to index
        %get3A_456 = arith.constant 0 : index
        %get3A_457 = tpu.vector_load %arg15[%get3A_455, %get3A_456] {strides = array<i32>} : memref<1280x32xf32, #tpu.memory_space<vmem>>, vector<16xf32>,
        %mul3A_458 = arith.mulf %get3A_264, %get3A_457 : vector<16xf32>
        %get3A_459 = arith.index_cast %add3A_454 : i32 to index
        %get3A_460 = arith.constant 16 : index
        %get3A_461 = tpu.vector_load %arg15[%get3A_459, %get3A_460] {strides = array<i32>} : memref<1280x32xf32, #tpu.memory_space<vmem>>, vector<16xf32>,
        %mul3A_462 = arith.mulf %get3A_267, %get3A_461 : vector<16xf32>
        %add3A_463 = arith.addf %mul3A_458, %mul3A_462 : vector<16xf32>
        %broadcast_in_dim3A_464 = vector.broadcast %scan3A_262 : i32 to vector<16xi32>
        %broadcast_in_dim3A_465 = arith.constant 9 : i32
        %broadcast_in_dim3A_466 = vector.broadcast %broadcast_in_dim3A_465 : i32 to vector<16xi32>
        %broadcast_in_dim3A_467 = arith.constant true
        %broadcast_in_dim3A_468 = vector.broadcast %broadcast_in_dim3A_467 : i1 to vector<16xi1>
        %masked_cumsum3A_469 = tpu.scan <sum>, %add3A_463 masked %broadcast_in_dim3A_468 : vector<16xf32>, vector<16xi1> -> vector<16xf32>
        tpu.vector_store_idx %arg17[%broadcast_in_dim3A_464, %broadcast_in_dim3A_466], %masked_cumsum3A_469 masked %eq3A_2 : memref<64x20xf32, #tpu.memory_space<vmem>>[vector<16xi32>, vector<16xi32>], vector<16xf32>, vector<16xi1>
        %mul3A_470 = arith.constant 20 : i32
        %mul3A_471 = arith.muli %scan3A_262, %mul3A_470 : i32
        %add3A_472 = arith.constant 10 : i32
        %add3A_473 = arith.addi %mul3A_471, %add3A_472 : i32
        %get3A_474 = arith.index_cast %add3A_473 : i32 to index
        %get3A_475 = arith.constant 0 : index
        %get3A_476 = tpu.vector_load %arg15[%get3A_474, %get3A_475] {strides = array<i32>} : memref<1280x32xf32, #tpu.memory_space<vmem>>, vector<16xf32>,
        %mul3A_477 = arith.mulf %get3A_264, %get3A_476 : vector<16xf32>
        %get3A_478 = arith.index_cast %add3A_473 : i32 to index
        %get3A_479 = arith.constant 16 : index
        %get3A_480 = tpu.vector_load %arg15[%get3A_478, %get3A_479] {strides = array<i32>} : memref<1280x32xf32, #tpu.memory_space<vmem>>, vector<16xf32>,
        %mul3A_481 = arith.mulf %get3A_267, %get3A_480 : vector<16xf32>
        %add3A_482 = arith.addf %mul3A_477, %mul3A_481 : vector<16xf32>
        %broadcast_in_dim3A_483 = vector.broadcast %scan3A_262 : i32 to vector<16xi32>
        %broadcast_in_dim3A_484 = arith.constant 10 : i32
        %broadcast_in_dim3A_485 = vector.broadcast %broadcast_in_dim3A_484 : i32 to vector<16xi32>
        %broadcast_in_dim3A_486 = arith.constant true
        %broadcast_in_dim3A_487 = vector.broadcast %broadcast_in_dim3A_486 : i1 to vector<16xi1>
        %masked_cumsum3A_488 = tpu.scan <sum>, %add3A_482 masked %broadcast_in_dim3A_487 : vector<16xf32>, vector<16xi1> -> vector<16xf32>
        tpu.vector_store_idx %arg17[%broadcast_in_dim3A_483, %broadcast_in_dim3A_485], %masked_cumsum3A_488 masked %eq3A_2 : memref<64x20xf32, #tpu.memory_space<vmem>>[vector<16xi32>, vector<16xi32>], vector<16xf32>, vector<16xi1>
        %mul3A_489 = arith.constant 20 : i32
        %mul3A_490 = arith.muli %scan3A_262, %mul3A_489 : i32
        %add3A_491 = arith.constant 11 : i32
        %add3A_492 = arith.addi %mul3A_490, %add3A_491 : i32
        %get3A_493 = arith.index_cast %add3A_492 : i32 to index
        %get3A_494 = arith.constant 0 : index
        %get3A_495 = tpu.vector_load %arg15[%get3A_493, %get3A_494] {strides = array<i32>} : memref<1280x32xf32, #tpu.memory_space<vmem>>, vector<16xf32>,
        %mul3A_496 = arith.mulf %get3A_264, %get3A_495 : vector<16xf32>
        %get3A_497 = arith.index_cast %add3A_492 : i32 to index
        %get3A_498 = arith.constant 16 : index
        %get3A_499 = tpu.vector_load %arg15[%get3A_497, %get3A_498] {strides = array<i32>} : memref<1280x32xf32, #tpu.memory_space<vmem>>, vector<16xf32>,
        %mul3A_500 = arith.mulf %get3A_267, %get3A_499 : vector<16xf32>
        %add3A_501 = arith.addf %mul3A_496, %mul3A_500 : vector<16xf32>
        %broadcast_in_dim3A_502 = vector.broadcast %scan3A_262 : i32 to vector<16xi32>
        %broadcast_in_dim3A_503 = arith.constant 11 : i32
        %broadcast_in_dim3A_504 = vector.broadcast %broadcast_in_dim3A_503 : i32 to vector<16xi32>
        %broadcast_in_dim3A_505 = arith.constant true
        %broadcast_in_dim3A_506 = vector.broadcast %broadcast_in_dim3A_505 : i1 to vector<16xi1>
        %masked_cumsum3A_507 = tpu.scan <sum>, %add3A_501 masked %broadcast_in_dim3A_506 : vector<16xf32>, vector<16xi1> -> vector<16xf32>
        tpu.vector_store_idx %arg17[%broadcast_in_dim3A_502, %broadcast_in_dim3A_504], %masked_cumsum3A_507 masked %eq3A_2 : memref<64x20xf32, #tpu.memory_space<vmem>>[vector<16xi32>, vector<16xi32>], vector<16xf32>, vector<16xi1>
        %mul3A_508 = arith.constant 20 : i32
        %mul3A_509 = arith.muli %scan3A_262, %mul3A_508 : i32
        %add3A_510 = arith.constant 12 : i32
        %add3A_511 = arith.addi %mul3A_509, %add3A_510 : i32
        %get3A_512 = arith.index_cast %add3A_511 : i32 to index
        %get3A_513 = arith.constant 0 : index
        %get3A_514 = tpu.vector_load %arg15[%get3A_512, %get3A_513] {strides = array<i32>} : memref<1280x32xf32, #tpu.memory_space<vmem>>, vector<16xf32>,
        %mul3A_515 = arith.mulf %get3A_264, %get3A_514 : vector<16xf32>
        %get3A_516 = arith.index_cast %add3A_511 : i32 to index
        %get3A_517 = arith.constant 16 : index
        %get3A_518 = tpu.vector_load %arg15[%get3A_516, %get3A_517] {strides = array<i32>} : memref<1280x32xf32, #tpu.memory_space<vmem>>, vector<16xf32>,
        %mul3A_519 = arith.mulf %get3A_267, %get3A_518 : vector<16xf32>
        %add3A_520 = arith.addf %mul3A_515, %mul3A_519 : vector<16xf32>
        %broadcast_in_dim3A_521 = vector.broadcast %scan3A_262 : i32 to vector<16xi32>
        %broadcast_in_dim3A_522 = arith.constant 12 : i32
        %broadcast_in_dim3A_523 = vector.broadcast %broadcast_in_dim3A_522 : i32 to vector<16xi32>
        %broadcast_in_dim3A_524 = arith.constant true
        %broadcast_in_dim3A_525 = vector.broadcast %broadcast_in_dim3A_524 : i1 to vector<16xi1>
        %masked_cumsum3A_526 = tpu.scan <sum>, %add3A_520 masked %broadcast_in_dim3A_525 : vector<16xf32>, vector<16xi1> -> vector<16xf32>
        tpu.vector_store_idx %arg17[%broadcast_in_dim3A_521, %broadcast_in_dim3A_523], %masked_cumsum3A_526 masked %eq3A_2 : memref<64x20xf32, #tpu.memory_space<vmem>>[vector<16xi32>, vector<16xi32>], vector<16xf32>, vector<16xi1>
        %mul3A_527 = arith.constant 20 : i32
        %mul3A_528 = arith.muli %scan3A_262, %mul3A_527 : i32
        %add3A_529 = arith.constant 13 : i32
        %add3A_530 = arith.addi %mul3A_528, %add3A_529 : i32
        %get3A_531 = arith.index_cast %add3A_530 : i32 to index
        %get3A_532 = arith.constant 0 : index
        %get3A_533 = tpu.vector_load %arg15[%get3A_531, %get3A_532] {strides = array<i32>} : memref<1280x32xf32, #tpu.memory_space<vmem>>, vector<16xf32>,
        %mul3A_534 = arith.mulf %get3A_264, %get3A_533 : vector<16xf32>
        %get3A_535 = arith.index_cast %add3A_530 : i32 to index
        %get3A_536 = arith.constant 16 : index
        %get3A_537 = tpu.vector_load %arg15[%get3A_535, %get3A_536] {strides = array<i32>} : memref<1280x32xf32, #tpu.memory_space<vmem>>, vector<16xf32>,
        %mul3A_538 = arith.mulf %get3A_267, %get3A_537 : vector<16xf32>
        %add3A_539 = arith.addf %mul3A_534, %mul3A_538 : vector<16xf32>
        %broadcast_in_dim3A_540 = vector.broadcast %scan3A_262 : i32 to vector<16xi32>
        %broadcast_in_dim3A_541 = arith.constant 13 : i32
        %broadcast_in_dim3A_542 = vector.broadcast %broadcast_in_dim3A_541 : i32 to vector<16xi32>
        %broadcast_in_dim3A_543 = arith.constant true
        %broadcast_in_dim3A_544 = vector.broadcast %broadcast_in_dim3A_543 : i1 to vector<16xi1>
        %masked_cumsum3A_545 = tpu.scan <sum>, %add3A_539 masked %broadcast_in_dim3A_544 : vector<16xf32>, vector<16xi1> -> vector<16xf32>
        tpu.vector_store_idx %arg17[%broadcast_in_dim3A_540, %broadcast_in_dim3A_542], %masked_cumsum3A_545 masked %eq3A_2 : memref<64x20xf32, #tpu.memory_space<vmem>>[vector<16xi32>, vector<16xi32>], vector<16xf32>, vector<16xi1>
        %mul3A_546 = arith.constant 20 : i32
        %mul3A_547 = arith.muli %scan3A_262, %mul3A_546 : i32
        %add3A_548 = arith.constant 14 : i32
        %add3A_549 = arith.addi %mul3A_547, %add3A_548 : i32
        %get3A_550 = arith.index_cast %add3A_549 : i32 to index
        %get3A_551 = arith.constant 0 : index
        %get3A_552 = tpu.vector_load %arg15[%get3A_550, %get3A_551] {strides = array<i32>} : memref<1280x32xf32, #tpu.memory_space<vmem>>, vector<16xf32>,
        %mul3A_553 = arith.mulf %get3A_264, %get3A_552 : vector<16xf32>
        %get3A_554 = arith.index_cast %add3A_549 : i32 to index
        %get3A_555 = arith.constant 16 : index
        %get3A_556 = tpu.vector_load %arg15[%get3A_554, %get3A_555] {strides = array<i32>} : memref<1280x32xf32, #tpu.memory_space<vmem>>, vector<16xf32>,
        %mul3A_557 = arith.mulf %get3A_267, %get3A_556 : vector<16xf32>
        %add3A_558 = arith.addf %mul3A_553, %mul3A_557 : vector<16xf32>
        %broadcast_in_dim3A_559 = vector.broadcast %scan3A_262 : i32 to vector<16xi32>
        %broadcast_in_dim3A_560 = arith.constant 14 : i32
        %broadcast_in_dim3A_561 = vector.broadcast %broadcast_in_dim3A_560 : i32 to vector<16xi32>
        %broadcast_in_dim3A_562 = arith.constant true
        %broadcast_in_dim3A_563 = vector.broadcast %broadcast_in_dim3A_562 : i1 to vector<16xi1>
        %masked_cumsum3A_564 = tpu.scan <sum>, %add3A_558 masked %broadcast_in_dim3A_563 : vector<16xf32>, vector<16xi1> -> vector<16xf32>
        tpu.vector_store_idx %arg17[%broadcast_in_dim3A_559, %broadcast_in_dim3A_561], %masked_cumsum3A_564 masked %eq3A_2 : memref<64x20xf32, #tpu.memory_space<vmem>>[vector<16xi32>, vector<16xi32>], vector<16xf32>, vector<16xi1>
        %mul3A_565 = arith.constant 20 : i32
        %mul3A_566 = arith.muli %scan3A_262, %mul3A_565 : i32
        %add3A_567 = arith.constant 15 : i32
        %add3A_568 = arith.addi %mul3A_566, %add3A_567 : i32
        %get3A_569 = arith.index_cast %add3A_568 : i32 to index
        %get3A_570 = arith.constant 0 : index
        %get3A_571 = tpu.vector_load %arg15[%get3A_569, %get3A_570] {strides = array<i32>} : memref<1280x32xf32, #tpu.memory_space<vmem>>, vector<16xf32>,
        %mul3A_572 = arith.mulf %get3A_264, %get3A_571 : vector<16xf32>
        %get3A_573 = arith.index_cast %add3A_568 : i32 to index
        %get3A_574 = arith.constant 16 : index
        %get3A_575 = tpu.vector_load %arg15[%get3A_573, %get3A_574] {strides = array<i32>} : memref<1280x32xf32, #tpu.memory_space<vmem>>, vector<16xf32>,
        %mul3A_576 = arith.mulf %get3A_267, %get3A_575 : vector<16xf32>
        %add3A_577 = arith.addf %mul3A_572, %mul3A_576 : vector<16xf32>
        %broadcast_in_dim3A_578 = vector.broadcast %scan3A_262 : i32 to vector<16xi32>
        %broadcast_in_dim3A_579 = arith.constant 15 : i32
        %broadcast_in_dim3A_580 = vector.broadcast %broadcast_in_dim3A_579 : i32 to vector<16xi32>
        %broadcast_in_dim3A_581 = arith.constant true
        %broadcast_in_dim3A_582 = vector.broadcast %broadcast_in_dim3A_581 : i1 to vector<16xi1>
        %masked_cumsum3A_583 = tpu.scan <sum>, %add3A_577 masked %broadcast_in_dim3A_582 : vector<16xf32>, vector<16xi1> -> vector<16xf32>
        tpu.vector_store_idx %arg17[%broadcast_in_dim3A_578, %broadcast_in_dim3A_580], %masked_cumsum3A_583 masked %eq3A_2 : memref<64x20xf32, #tpu.memory_space<vmem>>[vector<16xi32>, vector<16xi32>], vector<16xf32>, vector<16xi1>
        %mul3A_584 = arith.constant 20 : i32
        %mul3A_585 = arith.muli %scan3A_262, %mul3A_584 : i32
        %add3A_586 = arith.constant 16 : i32
        %add3A_587 = arith.addi %mul3A_585, %add3A_586 : i32
        %get3A_588 = arith.index_cast %add3A_587 : i32 to index
        %get3A_589 = arith.constant 0 : index
        %get3A_590 = tpu.vector_load %arg15[%get3A_588, %get3A_589] {strides = array<i32>} : memref<1280x32xf32, #tpu.memory_space<vmem>>, vector<16xf32>,
        %mul3A_591 = arith.mulf %get3A_264, %get3A_590 : vector<16xf32>
        %get3A_592 = arith.index_cast %add3A_587 : i32 to index
        %get3A_593 = arith.constant 16 : index
        %get3A_594 = tpu.vector_load %arg15[%get3A_592, %get3A_593] {strides = array<i32>} : memref<1280x32xf32, #tpu.memory_space<vmem>>, vector<16xf32>,
        %mul3A_595 = arith.mulf %get3A_267, %get3A_594 : vector<16xf32>
        %add3A_596 = arith.addf %mul3A_591, %mul3A_595 : vector<16xf32>
        %broadcast_in_dim3A_597 = vector.broadcast %scan3A_262 : i32 to vector<16xi32>
        %broadcast_in_dim3A_598 = arith.constant 16 : i32
        %broadcast_in_dim3A_599 = vector.broadcast %broadcast_in_dim3A_598 : i32 to vector<16xi32>
        %broadcast_in_dim3A_600 = arith.constant true
        %broadcast_in_dim3A_601 = vector.broadcast %broadcast_in_dim3A_600 : i1 to vector<16xi1>
        %masked_cumsum3A_602 = tpu.scan <sum>, %add3A_596 masked %broadcast_in_dim3A_601 : vector<16xf32>, vector<16xi1> -> vector<16xf32>
        tpu.vector_store_idx %arg17[%broadcast_in_dim3A_597, %broadcast_in_dim3A_599], %masked_cumsum3A_602 masked %eq3A_2 : memref<64x20xf32, #tpu.memory_space<vmem>>[vector<16xi32>, vector<16xi32>], vector<16xf32>, vector<16xi1>
        %mul3A_603 = arith.constant 20 : i32
        %mul3A_604 = arith.muli %scan3A_262, %mul3A_603 : i32
        %add3A_605 = arith.constant 17 : i32
        %add3A_606 = arith.addi %mul3A_604, %add3A_605 : i32
        %get3A_607 = arith.index_cast %add3A_606 : i32 to index
        %get3A_608 = arith.constant 0 : index
        %get3A_609 = tpu.vector_load %arg15[%get3A_607, %get3A_608] {strides = array<i32>} : memref<1280x32xf32, #tpu.memory_space<vmem>>, vector<16xf32>,
        %mul3A_610 = arith.mulf %get3A_264, %get3A_609 : vector<16xf32>
        %get3A_611 = arith.index_cast %add3A_606 : i32 to index
        %get3A_612 = arith.constant 16 : index
        %get3A_613 = tpu.vector_load %arg15[%get3A_611, %get3A_612] {strides = array<i32>} : memref<1280x32xf32, #tpu.memory_space<vmem>>, vector<16xf32>,
        %mul3A_614 = arith.mulf %get3A_267, %get3A_613 : vector<16xf32>
        %add3A_615 = arith.addf %mul3A_610, %mul3A_614 : vector<16xf32>
        %broadcast_in_dim3A_616 = vector.broadcast %scan3A_262 : i32 to vector<16xi32>
        %broadcast_in_dim3A_617 = arith.constant 17 : i32
        %broadcast_in_dim3A_618 = vector.broadcast %broadcast_in_dim3A_617 : i32 to vector<16xi32>
        %broadcast_in_dim3A_619 = arith.constant true
        %broadcast_in_dim3A_620 = vector.broadcast %broadcast_in_dim3A_619 : i1 to vector<16xi1>
        %masked_cumsum3A_621 = tpu.scan <sum>, %add3A_615 masked %broadcast_in_dim3A_620 : vector<16xf32>, vector<16xi1> -> vector<16xf32>
        tpu.vector_store_idx %arg17[%broadcast_in_dim3A_616, %broadcast_in_dim3A_618], %masked_cumsum3A_621 masked %eq3A_2 : memref<64x20xf32, #tpu.memory_space<vmem>>[vector<16xi32>, vector<16xi32>], vector<16xf32>, vector<16xi1>
        %mul3A_622 = arith.constant 20 : i32
        %mul3A_623 = arith.muli %scan3A_262, %mul3A_622 : i32
        %add3A_624 = arith.constant 18 : i32
        %add3A_625 = arith.addi %mul3A_623, %add3A_624 : i32
        %get3A_626 = arith.index_cast %add3A_625 : i32 to index
        %get3A_627 = arith.constant 0 : index
        %get3A_628 = tpu.vector_load %arg15[%get3A_626, %get3A_627] {strides = array<i32>} : memref<1280x32xf32, #tpu.memory_space<vmem>>, vector<16xf32>,
        %mul3A_629 = arith.mulf %get3A_264, %get3A_628 : vector<16xf32>
        %get3A_630 = arith.index_cast %add3A_625 : i32 to index
        %get3A_631 = arith.constant 16 : index
        %get3A_632 = tpu.vector_load %arg15[%get3A_630, %get3A_631] {strides = array<i32>} : memref<1280x32xf32, #tpu.memory_space<vmem>>, vector<16xf32>,
        %mul3A_633 = arith.mulf %get3A_267, %get3A_632 : vector<16xf32>
        %add3A_634 = arith.addf %mul3A_629, %mul3A_633 : vector<16xf32>
        %broadcast_in_dim3A_635 = vector.broadcast %scan3A_262 : i32 to vector<16xi32>
        %broadcast_in_dim3A_636 = arith.constant 18 : i32
        %broadcast_in_dim3A_637 = vector.broadcast %broadcast_in_dim3A_636 : i32 to vector<16xi32>
        %broadcast_in_dim3A_638 = arith.constant true
        %broadcast_in_dim3A_639 = vector.broadcast %broadcast_in_dim3A_638 : i1 to vector<16xi1>
        %masked_cumsum3A_640 = tpu.scan <sum>, %add3A_634 masked %broadcast_in_dim3A_639 : vector<16xf32>, vector<16xi1> -> vector<16xf32>
        tpu.vector_store_idx %arg17[%broadcast_in_dim3A_635, %broadcast_in_dim3A_637], %masked_cumsum3A_640 masked %eq3A_2 : memref<64x20xf32, #tpu.memory_space<vmem>>[vector<16xi32>, vector<16xi32>], vector<16xf32>, vector<16xi1>
        %mul3A_641 = arith.constant 20 : i32
        %mul3A_642 = arith.muli %scan3A_262, %mul3A_641 : i32
        %add3A_643 = arith.constant 19 : i32
        %add3A_644 = arith.addi %mul3A_642, %add3A_643 : i32
        %get3A_645 = arith.index_cast %add3A_644 : i32 to index
        %get3A_646 = arith.constant 0 : index
        %get3A_647 = tpu.vector_load %arg15[%get3A_645, %get3A_646] {strides = array<i32>} : memref<1280x32xf32, #tpu.memory_space<vmem>>, vector<16xf32>,
        %mul3A_648 = arith.mulf %get3A_264, %get3A_647 : vector<16xf32>
        %get3A_649 = arith.index_cast %add3A_644 : i32 to index
        %get3A_650 = arith.constant 16 : index
        %get3A_651 = tpu.vector_load %arg15[%get3A_649, %get3A_650] {strides = array<i32>} : memref<1280x32xf32, #tpu.memory_space<vmem>>, vector<16xf32>,
        %mul3A_652 = arith.mulf %get3A_267, %get3A_651 : vector<16xf32>
        %add3A_653 = arith.addf %mul3A_648, %mul3A_652 : vector<16xf32>
        %broadcast_in_dim3A_654 = vector.broadcast %scan3A_262 : i32 to vector<16xi32>
        %broadcast_in_dim3A_655 = arith.constant 19 : i32
        %broadcast_in_dim3A_656 = vector.broadcast %broadcast_in_dim3A_655 : i32 to vector<16xi32>
        %broadcast_in_dim3A_657 = arith.constant true
        %broadcast_in_dim3A_658 = vector.broadcast %broadcast_in_dim3A_657 : i1 to vector<16xi1>
        %masked_cumsum3A_659 = tpu.scan <sum>, %add3A_653 masked %broadcast_in_dim3A_658 : vector<16xf32>, vector<16xi1> -> vector<16xf32>
        tpu.vector_store_idx %arg17[%broadcast_in_dim3A_654, %broadcast_in_dim3A_656], %masked_cumsum3A_659 masked %eq3A_2 : memref<64x20xf32, #tpu.memory_space<vmem>>[vector<16xi32>, vector<16xi32>], vector<16xf32>, vector<16xi1>
      }
      %scan3A_261 = arith.constant 64 : i32
      "tpu.region"() ({
        %run_scoped3A = tpu.sem_alloc : memref<!tpu.dma_semaphore, #tpu.memory_space<semaphore_mem>>
        %dma_start3A_262 = tpu.memref_slice %arg7[%add3A_79] : memref<16384xf32, #tpu.memory_space<hbm>> -> memref<64xf32, #tpu.memory_space<hbm>>
        %dma_start3A_263 = tpu.memref_slice %arg7[%add3A_79] : memref<16384xf32, #tpu.memory_space<hbm>> -> memref<64xf32, #tpu.memory_space<hbm>>
        tpu.enqueue_dma source(%arg16 : memref<64xf32, #tpu.memory_space<vmem>>) target(%dma_start3A_263 : memref<64xf32, #tpu.memory_space<hbm>>) target_semaphore(%run_scoped3A : memref<!tpu.dma_semaphore, #tpu.memory_space<semaphore_mem>>)
        %dma_wait3A_264 = tpu.memref_slice %arg7[%add3A_79] : memref<16384xf32, #tpu.memory_space<hbm>> -> memref<64xf32, #tpu.memory_space<hbm>>
        %dma_wait3A_265 = tpu.memref_slice %arg7[%add3A_79] : memref<16384xf32, #tpu.memory_space<hbm>> -> memref<64xf32, #tpu.memory_space<hbm>>
        tpu.wait_dma2 semaphore(%run_scoped3A : memref<!tpu.dma_semaphore, #tpu.memory_space<semaphore_mem>>) src(%arg16 : memref<64xf32, #tpu.memory_space<vmem>>) dst(%dma_wait3A_265 : memref<64xf32, #tpu.memory_space<hbm>>)
        tpu.yield
      }) : () -> ()
      "tpu.region"() ({
        %run_scoped3A = tpu.sem_alloc : memref<!tpu.dma_semaphore, #tpu.memory_space<semaphore_mem>>
        %dma_start3A_262 = arith.constant 0 : i32
        %dma_start3A_263 = tpu.memref_slice %arg8[%add3A_79, %dma_start3A_262] : memref<16384x20xf32, #tpu.memory_space<hbm>> -> memref<64x20xf32, #tpu.memory_space<hbm>>
        %dma_start3A_264 = arith.constant 0 : i32
        %dma_start3A_265 = tpu.memref_slice %arg8[%add3A_79, %dma_start3A_264] : memref<16384x20xf32, #tpu.memory_space<hbm>> -> memref<64x20xf32, #tpu.memory_space<hbm>>
        tpu.enqueue_dma source(%arg17 : memref<64x20xf32, #tpu.memory_space<vmem>>) target(%dma_start3A_265 : memref<64x20xf32, #tpu.memory_space<hbm>>) target_semaphore(%run_scoped3A : memref<!tpu.dma_semaphore, #tpu.memory_space<semaphore_mem>>)
        %dma_wait3A_266 = arith.constant 0 : i32
        %dma_wait3A_267 = tpu.memref_slice %arg8[%add3A_79, %dma_wait3A_266] : memref<16384x20xf32, #tpu.memory_space<hbm>> -> memref<64x20xf32, #tpu.memory_space<hbm>>
        %dma_wait3A_268 = arith.constant 0 : i32
        %dma_wait3A_269 = tpu.memref_slice %arg8[%add3A_79, %dma_wait3A_268] : memref<16384x20xf32, #tpu.memory_space<hbm>> -> memref<64x20xf32, #tpu.memory_space<hbm>>
        tpu.wait_dma2 semaphore(%run_scoped3A : memref<!tpu.dma_semaphore, #tpu.memory_space<semaphore_mem>>) src(%arg17 : memref<64x20xf32, #tpu.memory_space<vmem>>) dst(%dma_wait3A_269 : memref<64x20xf32, #tpu.memory_space<hbm>>)
        tpu.yield
      }) : () -> ()
    }
    %scan3A_73 = arith.constant 8 : i32
    return
  }
}

</mosaic_0001>

<sc_bundles>
// kernel: kernel.4.cloned.1.call-start
scs
__scs_entry_jumppad:
0x0: {  	(pc) =	sbr.rel $0x88, $3  }
0x1: {  	(tag) =	ssettag $0x0;
	lr =	simm.s32 $0x1  }
0x2: {  	[smem:$0x3F9C] =	sst lr;
	_ =	strace $0xD0000000  }
0x3: {  	_ = 	snop  }
0x4: {  	_ = 	snop  }
0x5: {  	_ = 	snop  }
0x6: {  	_ = 	snop  }
0x7: {  	_ = 	snop  }
__scs_overlays_trampoline_lowered:
0x8: {  	[smem:$0x3FAB] =	sst s0  }
0x9: {  	[smem:$0x3FAC] =	sst s1  }
0xa: {  	[smem:$0x3FAD] =	sst s2  }
0xb: {  	[smem:$0x3FAE] =	sst s3  }
0xc: {  	[smem:$0x3FAF] =	sst s4  }
0xd: {  	[smem:$0x3FB0] =	sst s5  }
0xe: {  	[smem:$0x3FB1] =	sst s6  }
0xf: {  	[smem:$0x3FB2] =	sst s7  }
0x10: {  	[smem:$0x3FB3] =	sst s8  }
0x11: {  	[smem:$0x3FB4] =	sst s9;
	s0 =	simm.s32 @!p0 $0x0  }
0x12: {  	s1 =	sld [smem:$0x3F9A];
	s0 =	simm.s32 @p0 $0x1  }
0x13: {  	[smem:$0x3FB5] =	sst s0;
	s0 =	simm.s32 @!p1 $0x0  }
0x14: {  	s2 =	sld [smem:$0x3F99];
	s0 =	simm.s32 @p1 $0x1  }
0x15: {  	[smem:$0x3FB6] =	sst s0;
	s0 =	simm.s32 @!p2 $0x0  }
0x16: {  	s3 =	sld [smem:$0x3FDB];
	s0 =	simm.s32 @p2 $0x1  }
0x17: {  	s4 =	simm.s32 $0x1BF5;
	[smem:$0x3FB8] =	sst s0  }
0x18: {  	s0 =	sld [smem:$0x3F9B];
	_ =	swait.ge [sflag:s4], $0x0  }
0x19: {  	s7 =	sld [smem:$0x3F9C]  }
0x1a: {  	s8 =	sadd.s32 $0xFFFFE003, lr  }
0x1b: {  	s9 =	sadd.s32 $0xFFFFFEF7, lr;
	s5 =	simm.s32 $0xFFFFFFFF;
	p2 =	slt.u32 s8, $0xFFFFF086  }
0x1c: {  	p1 =	slt.u32 s9, $0xF7A;
	s5 =	simm.s32 @!p2 $0x0  }
0x1d: {  	s5 =	simm.s32 @p1 $0x1;
	p0 =	seq.s32 s7, s2  }
0x1e: {  	s7 =	smul.u32 @!p0 $0xF7A, s2;
	p2 =	seq.s32 @!p0 s5, $0x0  }
0x1f: {  	s9 =	smul.u32 $0xF7A, s1;
	s8 =	simm.s32 @!p0 $0x1BF5;
	p2 =	por !p2, p0  }
0x20: {  	[sflag:s8] =	ssyncset.s32 @!p0 $0xFFFFF086;
	s6 =	sadd.s32 @!p0 s3, s7;
	s7 =	simm.s32 @!p0 $0x108  }
0x21: {  	s3 =	sadd.s32 s3, s9;
	s6 =	sadd.s32 @!p0 $0x88, s6;
	s7 =	simm.s32 @p2 $0x1082  }
0x22: {  	[simem:s7], [sflag:s8] =	dma.local @!p0 [hbm:s6], $0xF7A  }
0x23: {  	s9 =	sor.u32 $0xD0000000, s2;
	s6 =	simm.s32 $0x108;
	_ =	swait.ge @!p0 [sflag:s8], $0x0  }
0x24: {  	s3 =	sadd.s32 $0x88, s3;
	s6 =	simm.s32 @!p1 $0x1082;
	[sflag:s4] =	ssyncset.s32 $0xFFFFF086  }
0x25: {  	[simem:s6], [sflag:s4] =	dma.local [hbm:s3], $0xF7A  }
0x26: {  	[smem:$0x3F9C] =	sst s1;
	(tag) =	ssettag s2;
	_ =	strace s9  }
0x27: {  	s1 =	sld [smem:$0x3FAC]  }
0x28: {  	s2 =	sld [smem:$0x3FAD]  }
0x29: {  	s4 =	sld [smem:$0x3FAF]  }
0x2a: {  	p0 =	seq.s32 s5, $0x0;
	s5 =	sld [smem:$0x3FB0]  }
0x2b: {  	s6 =	sld [smem:$0x3FB1]  }
0x2c: {  	s7 =	sld [smem:$0x3FB2]  }
0x2d: {  	s3 =	simm.s32 $0x108;
	s8 =	sld [smem:$0x3FB3]  }
0x2e: {  	s3 =	simm.s32 @!p0 $0x1082;
	s9 =	sld [smem:$0x3FB4]  }
0x2f: {  	lr =	sadd.s32 s0, s3;
	s0 =	sld [smem:$0x3FAB]  }
0x30: {  	s3 =	sld [smem:$0x3FAE]  }
0x31: {  	[smem:$0x3FB7] =	sst s10  }
0x32: {  	s10 =	sld [smem:$0x3FB5];
	_ =	sdelay $0x3  }
0x33: {  	p0 =	seq.s32 s10, $0x1;
	s10 =	sld [smem:$0x3FB7];
	_ =	sdelay $0x3  }
0x34: {  	[smem:$0x3FB7] =	sst s10  }
0x35: {  	s10 =	sld [smem:$0x3FB6];
	_ =	sdelay $0x3  }
0x36: {  	p1 =	seq.s32 s10, $0x1;
	s10 =	sld [smem:$0x3FB7];
	_ =	sdelay $0x3  }
0x37: {  	[smem:$0x3FB7] =	sst s10  }
0x38: {  	s10 =	sld [smem:$0x3FB8]  }
0x39: {  	_ = 	snop;
	(pc) =	sbr.ind lr, $3  }
0x3a: {  	_ = 	snop  }
0x3b: {  	_ = 	snop  }
0x3c: {  	p2 =	seq.s32 s10, $0x1;
	s10 =	sld [smem:$0x3FB7]  }
0x3d: {  	_ =	shalt  }
0x3e: {  	_ =	shalt  }
0x3f: {  	_ =	shalt  }
0x40: {  	_ =	shalt  }
0x41: {  	_ =	shalt  }
0x42: {  	_ =	shalt  }
0x43: {  	_ =	shalt  }
0x44: {  	_ =	shalt  }
0x45: {  	_ =	shalt  }
0x46: {  	_ =	shalt  }
0x47: {  	_ =	shalt  }
0x48: {  	_ =	shalt  }
0x49: {  	_ =	shalt  }
0x4a: {  	_ =	shalt  }
0x4b: {  	_ =	shalt  }
0x4c: {  	_ =	shalt  }
0x4d: {  	_ =	shalt  }
0x4e: {  	_ =	shalt  }
0x4f: {  	_ =	shalt  }
0x50: {  	_ =	shalt  }
0x51: {  	_ =	shalt  }
0x52: {  	_ =	shalt  }
0x53: {  	_ =	shalt  }
0x54: {  	_ =	shalt  }
0x55: {  	_ =	shalt  }
0x56: {  	_ =	shalt  }
0x57: {  	_ =	shalt  }
0x58: {  	_ =	shalt  }
0x59: {  	_ =	shalt  }
0x5a: {  	_ =	shalt  }
0x5b: {  	_ =	shalt  }
0x5c: {  	_ =	shalt  }
0x5d: {  	_ =	shalt  }
0x5e: {  	_ =	shalt  }
0x5f: {  	_ =	shalt  }
0x60: {  	_ =	shalt  }
0x61: {  	_ =	shalt  }
0x62: {  	_ =	shalt  }
0x63: {  	_ =	shalt  }
0x64: {  	_ =	shalt  }
0x65: {  	_ =	shalt  }
0x66: {  	_ =	shalt  }
0x67: {  	_ =	shalt  }
0x68: {  	_ =	shalt  }
0x69: {  	_ =	shalt  }
0x6a: {  	_ =	shalt  }
0x6b: {  	_ =	shalt  }
0x6c: {  	_ =	shalt  }
0x6d: {  	_ =	shalt  }
0x6e: {  	_ =	shalt  }
0x6f: {  	_ =	shalt  }
0x70: {  	_ =	shalt  }
0x71: {  	_ =	shalt  }
0x72: {  	_ =	shalt  }
0x73: {  	_ =	shalt  }
0x74: {  	_ =	shalt  }
0x75: {  	_ =	shalt  }
0x76: {  	_ =	shalt  }
0x77: {  	_ =	shalt  }
0x78: {  	_ =	shalt  }
0x79: {  	_ =	shalt  }
0x7a: {  	_ =	shalt  }
0x7b: {  	_ =	shalt  }
0x7c: {  	_ =	shalt  }
0x7d: {  	_ =	shalt  }
0x7e: {  	_ =	shalt  }
0x7f: {  	_ =	shalt  }
0x80: {  	_ =	shalt  }
0x81: {  	_ =	shalt  }
0x82: {  	_ =	shalt  }
0x83: {  	_ =	shalt  }
0x84: {  	_ =	shalt  }
0x85: {  	_ =	shalt  }
0x86: {  	_ =	shalt  }
0x87: {  	_ =	shalt  }
.Lfunc_end0:
.L_simem_size_0:
called_computation_lowered:
.L_overlay_start_0:
0x88: {  	s2 =	sld [smem:$0x3FD9]  }
0x89: {  	s3 =	sld [smem:$0x3FFE];
	_ =	sdelay $0x1  }
0x8a: {  	s1 =	srdreg.scid  }
0x8b: {  	s0 =	sand.u32 $0x1, s1  }
0x8c: {  	s15 =	sshll.u32 s0, $0xA;
	s2 =	sadd.s32 s3, s2  }
0x8d: {  	s2 =	sadd.s32 s2, s15  }
0x8e: {  	[smem:$0x3FC3] =	sst s2  }
0x8f: {  	_ = 	snop  }
0x90: {  	s4 =	sld [smem:$0x3FD0];
	_ =	sdelay $0x1  }
0x91: {  	s2 =	sld [smem:$0x3FC9]  }
0x92: {  	s6 =	simm.s32 $0xB;
	s5 =	simm.s32 $0x10;
	s16 =	sld [smem:$0x3FC8]  }
0x93: {  	[smem:s5], [sflag:s6] =	dma.local [hbm:s4], $0x1  }
0x94: {  	_ =	swait.eq [sflag:s6], $0x1  }
0x95: {  	[sflag:s6] =	ssyncset.done $0x0  }
0x96: {  	s17 =	sld [smem:$0x10];
	[sflag:s6] =	ssyncadd.s32 $0xFFFFFFFF  }
0x97: {  	s18 =	sld [smem:$0x11];
	(tm) =	ssettm $0x1  }
0x98: {  	s19 =	sld [smem:$0x3FFB];
	_ =	sdelay $0x3  }
0x99: {  	_ =	strace s19  }
0x9a: {  	s4 =	sld [smem:$0x3FFC];
	_ =	sdelay $0x3  }
0x9b: {  	_ =	strace s4  }
0x9c: {  	s4 =	sld [smem:$0x3FFD];
	_ =	sdelay $0x3  }
0x9d: {  	_ =	strace s4  }
0x9e: {  	_ =	strace $0x8FFFFFFF  }
0x9f: {  	s20 =	sld [smem:$0x3FDB];
	_ =	sdelay $0x1  }
0xa0: {  	s7 =	simm.s32 $_scs_section_size  }
0xa1: {  	s8 =	simm.s32 $_size__tile_overlayer_lowered;
	s9 =	simm.s32 $_tile_overlayer_lowered  }
0xa2: {  	s10 =	simm.s32 $0x1BFF;
	s21 =	sshll.u32 s9, $0x1;
	s7 =	sadd.s32 s7, s20  }
0xa3: {  	s22 =	simm.s32 $0x0;
	s8 =	sshll.u32 s8, $0x1;
	s9 =	sadd.s32 s21, s7  }
0xa4: {  	[timem:s22], [sflag:s10] =	dma.local [hbm:s9], s8  }
0xa5: {  	_ =	swait.ge [sflag:s10], s8  }
0xa6: {  	s8 =	ssub.s32 $0x0, s8;
	[sflag:s10] =	ssyncset.done $0x0  }
0xa7: {  	[sflag:s10] =	ssyncadd.s32 s8;
	_ =	sdelay $0x1  }
0xa8: {  	s23 =	simm.s32 $0x1B8B  }
0xa9: {  	_ =	swait.ge [sflag:s23], $0x1  }
0xaa: {  	[sflag:s23] =	ssyncset.done $0x0  }
0xab: {  	[sflag:s23] =	ssyncadd.s32 $0xFFFFFFFF  }
0xac: {  	s8 =	sld [smem:$0x0]  }
0xad: {  	s9 =	sand.u32 $0xFFFFFFFE, s1  }
0xae: {  	p0 =	sne.s32 s1, s9  }
0xaf: {  	s9 =	sshll.u32 @p0 s9, $0xE  }
0xb0: {  	s9 =	sadd.s32 @p0 $0x11B8D, s9;
	s10 =	sshll.u32 @p0 s8, $0x11  }
0xb1: {  	s9 =	sor.u32 @p0 s10, s9  }
0xb2: {  	[sflag:s9] =	ssyncadd.remote.s32 @p0 $0x1;
	_ =	sdelay $0x1  }
0xb3: {  	s9 =	simm.s32 @p0 $0x1B8D  }
0xb4: {  	_ =	swait.eq @p0 [sflag:s9], $0x1  }
0xb5: {  	[sflag:s9] =	ssyncadd.s32 @p0 $0xFFFFFFFF  }
0xb6: {  	s10 =	sshll.u32 @!p0 s1, $0xE  }
0xb7: {  	s10 =	sor.u32 @!p0 $0x4000, s10;
	s9 =	simm.s32 @!p0 $0x1B8D  }
0xb8: {  	s8 =	sshll.u32 @!p0 s8, $0x11;
	s10 =	sadd.s32 @!p0 $0x11B8D, s10;
	_ =	swait.eq @!p0 [sflag:s9], $0x1  }
0xb9: {  	s8 =	sor.u32 @!p0 s8, s10;
	[sflag:s9] =	ssyncadd.s32 @!p0 $0xFFFFFFFF  }
0xba: {  	s25 =	simm.s32 $0x1B8E;
	s24 =	sld [smem:$0x3FFE];
	[sflag:s8] =	ssyncadd.remote.s32 @!p0 $0x1  }
0xbb: {  	s26 =	simm.s32 $execute0_lowered;
	[smem:$0x3FD2] =	sst s25  }
0xbc: {  	s9 =	sshll.u32 s26, $0x1;
	_ =	strace $0x80000049;
	[dreg:$0x1] =	wrdreg $0xFFFFFFFF  }
0xbd: {  	s28 =	simm.s32 $_size_execute0_lowered;
	s7 =	sadd.s32 s7, s9;
	[dreg:$0x0] =	wrdreg $0x0  }
0xbe: {  	s9 =	sshll.u32 s28, $0x1;
	[dreg:$0x2] =	wrdreg s7  }
0xbf: {  	[dreg:$0x3] =	wrdreg s9  }
0xc0: {  	[dreg:$0x4] =	wrdreg $0xC0  }
0xc1: {  	_ =	task [dreg:s22], $0x5FFFF  }
0xc2: {  	[dreg:$0x1] =	wrdreg $0xFFFFFFFF  }
0xc3: {  	[dreg:$0x0] =	wrdreg $0x60  }
0xc4: {  	[dreg:$0x2] =	wrdreg s2  }
0xc5: {  	[dreg:$0x3] =	wrdreg s16  }
0xc6: {  	[dreg:$0x4] =	wrdreg s18  }
0xc7: {  	[dreg:$0x5] =	wrdreg s24  }
0xc8: {  	[dreg:$0x6] =	wrdreg s17  }
0xc9: {  	[dreg:$0x7] =	wrdreg $0x9  }
0xca: {  	_ =	task.clear_ibuf [dreg:s22], $0x8FFFF;
	_ =	strace $0x90000049  }
0xcb: {  	s29 =	simm.s32 $0x9;
	_ =	strace $0x8000004B  }
0xcc: {  	_ =	swait.ge [sflag:s29], $0x1  }
0xcd: {  	[sflag:s29] =	ssyncadd.s32 $0xFFFFFFFF  }
0xce: {  	_ =	strace $0x9000004B  }
0xcf: {  	_ =	sfence  }
0xd0: {  	s30 =	sld [smem:$0x0];
	_ =	sdelay $0x2  }
0xd1: {  	s31 =	sshll.u32 s1, $0xD;
	s1 =	sshrl.u32 s1, $0x2  }
0xd2: {  	s3 =	sand.u32 $0x4000, s31;
	s1 =	sadd.s32 s1, s30  }
0xd3: {  	s0 =	sor.u32 s3, s0;
	s1 =	sshll.u32 s1, $0x11  }
0xd4: {  	s0 =	sor.u32 s1, s0  }
0xd5: {  	s0 =	sadd.s32 $0x8F2B, s0  }
0xd6: {  	[sflag:s0] =	ssyncadd.remote.s32 $0x1  }
0xd7: {  	_ =	sfence.sel $0xFFFF  }
0xd8: {  	[dreg:$0x0] =	wrdreg $0xFFFFFFFF;
	(pc) =	sbr.abs _section_cstart, $3  }
0xd9: {  	[dreg:$0x1] =	wrdreg $0xFFFFFFFF  }
0xda: {  	_ =	task.clear_ibuf [dreg:s22], $0x2FFFF;
	_ =	strace $0x9FFFFFFF  }
0xdb: {  	(tm) =	ssettm $0x7FFFFFFF  }
tec
execute0_lowered:
.L_overlay_start_1:
0x0: {  	(tag) =	ssettag $0x1  }
0x1: {  	s0 =	rddreg [dreg:$0x3];
	s5 =	simm.s32 $0x0;
	v0 =	vimm.s32 $0x1F1E1D1C;
	v1 =	vimm.s32 $0x23222120;
	v2 =	vimm.s32 $0x13121110  }
0x2: {  	s1 =	srdreg.scid;
	s4 =	stileid.u32;
	s12 =	simm.s32 $0x2;
	v3 =	vimm.s32 $0x33323130;
	v4 =	vimm.s32 $0x37363534;
	v5 =	vimm.s32 $0x27262524  }
0x3: {  	s13 =	simm.s32 $0x40;
	s14 =	simm.s32 $0x80;
	v6 =	vimm.s32 $0x2B2A2928;
	s24 =	simm.s32 $0x4B80;
	v0 =	vunpack.c.0.s8.s32 v0;
	v1 =	vunpack.c.0.s8.s32 v1  }
0x4: {  	vm0 =	vcmask $0x1F10;
	v7 =	vimm.s32 $0x43424140;
	s25 =	simm.s32 $0x880;
	s28 =	simm.s32 $0x900;
	s29 =	simm.s32 $0x6B80  }
0x5: {  	s30 =	simm.s32 $0x980;
	s31 =	simm.s32 $0x7B80;
	s7 =	simm.s32 $0x8B80;
	v0 =	vsel vm0, v1, v0;
	v1 =	vunpack.c.0.s8.s32 v2;
	v2 =	vimm.s32 $0x1B1A1918  }
0x6: {  	s11 =	simm.s32 $0xA80;
	s15 =	simm.s32 $0xBB80;
	s16 =	simm.s32 $0xBBC0;
	v3 =	vunpack.c.0.s8.s32 v3;
	v4 =	vunpack.c.0.s8.s32 v4;
	v2 =	vunpack.c.0.s8.s32 v2  }
0x7: {  	v8 =	vimm.s32 $0x4B4A4948;
	s18 =	simm.s32 $0x0;
	[smem:$0x7FF] =	sst s5;
	s6 =	sadd.s32 $0xB73400, s0;
	v5 =	vunpack.c.0.s8.s32 v5;
	v6 =	vunpack.c.0.s8.s32 v6  }
0x8: {  	s1 =	sand.u32 $0x1, s1;
	s8 =	sadd.s32 $0x3D2000, s0;
	s4 =	sshll.u32 s4, $0xA;
	v1 =	vsel vm0, v2, v1;
	v2 =	vsel vm0, v4, v3;
	v3 =	vimm.s32 $0x3B3A3938  }
0x9: {  	s9 =	sadd.s32 $0xF50600, s0;
	s2 =	ssub.s32 $0x2, s1;
	s1 =	sshll.u32 s1, $0x9;
	v4 =	vsel vm0, v6, v5;
	v5 =	vunpack.c.0.s8.s32 v7;
	v6 =	vimm.s32 $0x3F3E3D3C  }
0xa: {  	_ =	strace $0x8000004A;
	s3 =	sshrl.u32 s2, $0x1;
	s10 =	sor.u32 s1, s4;
	v7 =	vunpack.c.0.s8.s32 v8;
	v3 =	vunpack.c.0.s8.s32 v3;
	v6 =	vunpack.c.0.s8.s32 v6  }
0xb: {  	s1 =	simm.s32 $0x9B80;
	s4 =	simm.s32 $0x1;
	s26 =	ssub.s32 s2, s3;
	v0 =	vcombine.low v1, v0;
	v1 =	vcombine.low v4, v2  }
0xc: {  	s2 =	simm.s32 $0xB00;
	s3 =	simm.s32 $0xAB80;
	s0 =	smax.u32 s26, $0x1;
	v2 =	vlaneseq.u32;
	v4 =	vsel vm0, v7, v5;
	v3 =	vsel vm0, v6, v3  }
0xd: {  	s26 =	simm.s32 $0x5B80;
	[dreg:$0x6] =	wrdreg s0;
	s0 =	simm.s32 $0xA00;
	vm0 =	vcmask $0x3F3C;
	v3 =	vcombine.low v3, v4;
	v4 =	vadd.s32 $0x4C, v2  }
.LBB2_1:
0xe: {  	[dreg:$0x7] =	wrdreg s18;
	s17 =	simm.s32 $0x0  }
.LBB2_2:
0xf: {  	s18 =	sshll.u32 s17, $0x6  }
0x10: {  	s19 =	sadd.s32 s10, s18  }
0x11: {  	s20 =	rddreg [dreg:$0x0];
	s18 =	sshrl.u32 s19, $0x3  }
0x12: {  	s21 =	simm.s32 $0x0;
	s20 =	sadd.s32 s20, s18  }
0x13: {  	[tilespmem:s21], [sflag:$0x2] =	stream.linear.gather [hbm4b:s20+s21], $0x40, $0x38;
	[tilespmem:$0xC1C0] =	vst v63  }
0x14: {  	_ =	swait.ge [sflag:s12], $0x40  }
0x15: {  	[sflag:s12] =	ssyncset.done $0x0  }
0x16: {  	[sflag:s12] =	ssyncadd.s32 $0xFFFFFFC0  }
0x17: {  	s23 =	rddreg [dreg:$0x1]  }
0x18: {  	s20 =	sadd.s32 s23, s18  }
0x19: {  	v5 =	vmov s21;
	[tilespmem:s13], [sflag:$0x2] =	stream.linear.gather [hbm4b:s20+s21], $0x40, $0x38;
	[tilespmem:$0xC1C0] =	vst v63  }
0x1a: {  	v5 =	vmul.u32 $0x18, v5;
	_ =	swait.ge [sflag:s12], $0x40  }
0x1b: {  	[sflag:s12] =	ssyncset.done $0x0  }
0x1c: {  	s19 =	smul.u32 $0x3, s19;
	v5 =	vbroadcast v5, $0x0;
	[sflag:s12] =	ssyncadd.s32 $0xFFFFFFC0  }
0x1d: {  	s22 =	rddreg [dreg:$0x2]  }
0x1e: {  	v6 =	vor.u32 v2, v5;
	s20 =	sadd.s32 s22, s19  }
0x1f: {  	[tilespmem:s14], [sflag:$0x2] =	stream.linear.gather [hbm4b:s20+s21], $0x600, $0x38;
	[tilespmem:$0xC1C0] =	vst v63  }
0x20: {  	_ =	swait.ge [sflag:s12], $0x600  }
0x21: {  	[sflag:s12] =	ssyncset.done $0x0  }
0x22: {  	[sflag:s12] =	ssyncadd.s32 $0xFFFFFA00  }
0x23: {  	v6 =	vld.idx.msk [tilespmem:v6+s14+$0x0], $0xffff  }
0x24: {  	v7 =	vadd.s32 v0, v5;
	_ =	sdelay $0x2  }
0x25: {  	s20 =	simm.s32 $0x6A0  }
0x26: {  	[tilespmem:s20+$0xFFFFFFE0] =	vst v6  }
0x27: {  	v6 =	vld.idx.msk [tilespmem:v7+s14+$0x0], $0xffff  }
0x28: {  	v7 =	vadd.s32 v1, v5;
	_ =	sdelay $0x3  }
0x29: {  	[tilespmem:s20+$0xFFFFFFF0] =	vst v6  }
0x2a: {  	v6 =	vld.idx.msk [tilespmem:v7+s14+$0x0], $0xffff  }
0x2b: {  	v7 =	vadd.s32 v3, v5;
	_ =	sdelay $0x3  }
0x2c: {  	[tilespmem:s20+$0x0] =	vst v6  }
0x2d: {  	v6 =	vld.idx.msk [tilespmem:v7+s14+$0x0], $0xffff  }
0x2e: {  	v5 =	vadd.s32 v4, v5  }
0x2f: {  	s23 =	simm.s32 $0x4  }
0x30: {  	s21 =	simm.s32 $0x8;
	v7 =	vmov s23  }
.LBB2_3:
0x31: {  	p0 =	sne.s32 s21, $0x3C;
	v7 =	vmul.u32 $0x18, v7  }
0x32: {  	[tilespmem:s20+$0x10] =	vst v6  }
0x33: {  	v7 =	vbroadcast v7, $0x0;
	v5 =	vld.idx.msk [tilespmem:v5+s14+$0x0], $0xffff;
	_ =	sdelay $0x1  }
0x34: {  	v6 =	vor.u32 v2, v7;
	_ =	sdelay $0x3  }
0x35: {  	[tilespmem:s20+$0x20] =	vst v5  }
0x36: {  	v5 =	vld.idx.msk [tilespmem:v6+s14+$0x0], $0xffff;
	_ =	sdelay $0x1  }
0x37: {  	v6 =	vadd.s32 v0, v7;
	_ =	sdelay $0x2  }
0x38: {  	s20 =	sadd.s32 $0x50, s20  }
0x39: {  	[tilespmem:s20+$0xFFFFFFE0] =	vst v5  }
0x3a: {  	v5 =	vld.idx.msk [tilespmem:v6+s14+$0x0], $0xffff;
	_ =	sdelay $0x1  }
0x3b: {  	v6 =	vadd.s32 v1, v7;
	_ =	sdelay $0x3  }
0x3c: {  	[tilespmem:s20+$0xFFFFFFF0] =	vst v5  }
0x3d: {  	v5 =	vld.idx.msk [tilespmem:v6+s14+$0x0], $0xffff;
	_ =	sdelay $0x1  }
0x3e: {  	v6 =	vadd.s32 v3, v7;
	_ =	sdelay $0x3  }
0x3f: {  	[tilespmem:s20+$0x0] =	vst v5  }
.Ltmp0:
0x40: {  	v6 =	vld.idx.msk [tilespmem:v6+s14+$0x0], $0xffff;
	(pc) =	sbr.rel @p0 .LBB2_3-.Ltmp0, $3  }
0x41: {  	_ = 	snop  }
0x42: {  	v5 =	vadd.s32 v4, v7;
	_ =	sdelay $0x1  }
0x43: {  	v7 =	vmov s21;
	s21 =	sadd.s32 $0x4, s21  }
0x44: {  	_ = 	snop  }
0x45: {  	v7 =	vmul.u32 $0x18, v7;
	_ =	sdelay $0x1  }
0x46: {  	[tilespmem:s20+$0x10] =	vst v6;
	v6 =	vbroadcast v7, $0x0  }
0x47: {  	v5 =	vld.idx.msk [tilespmem:v5+s14+$0x0], $0xffff  }
0x48: {  	v7 =	vor.u32 v2, v6;
	_ =	sdelay $0x3  }
0x49: {  	[tilespmem:s20+$0x20] =	vst v5  }
0x4a: {  	v5 =	vld.idx.msk [tilespmem:v7+s14+$0x0], $0xffff  }
0x4b: {  	v7 =	vadd.s32 v0, v6;
	_ =	sdelay $0x2  }
0x4c: {  	s21 =	sadd.s32 $0x50, s20  }
0x4d: {  	[tilespmem:s21+$0xFFFFFFE0] =	vst v5  }
0x4e: {  	v5 =	vld.idx.msk [tilespmem:v7+s14+$0x0], $0xffff  }
0x4f: {  	v7 =	vadd.s32 v1, v6;
	_ =	sdelay $0x3  }
0x50: {  	[tilespmem:s21+$0xFFFFFFF0] =	vst v5  }
0x51: {  	v5 =	vld.idx.msk [tilespmem:v7+s14+$0x0], $0xffff  }
0x52: {  	v7 =	vadd.s32 v3, v6;
	_ =	sdelay $0x3  }
0x53: {  	[tilespmem:s21+$0x0] =	vst v5  }
0x54: {  	v5 =	vld.idx.msk [tilespmem:v7+s14+$0x0], $0xffff  }
0x55: {  	v6 =	vadd.s32 v4, v6;
	_ =	sdelay $0x3  }
0x56: {  	[tilespmem:s21+$0x10] =	vst v5  }
0x57: {  	v5 =	vld.idx.msk [tilespmem:v6+s14+$0x0], $0xffff;
	_ =	sdelay $0x4  }
0x58: {  	s20 =	simm.s32 $0x0;
	[tilespmem:s21+$0x20] =	vst v5;
	s21 =	simm.s32 $0xB80  }
0x59: {  	[tilespmem:s21], [sflag:$0x1] =	stream.indirect.gather [hbm4b:s6+s13], $0x20, s20, s13, $0xb8;
	[tilespmem:$0xC1C0] =	vst v63  }
0x5a: {  	s22 =	simm.s32 $0x1380  }
0x5b: {  	[tilespmem:s22], [sflag:$0x1] =	stream.indirect.gather [hbm4b:s8+s13], $0x20, s13, s13, $0xb8;
	[tilespmem:$0xC1C0] =	vst v63  }
0x5c: {  	s23 =	simm.s32 $0x680;
	s22 =	simm.s32 $0x1B80  }
0x5d: {  	[tilespmem:s22], [sflag:$0x1] =	stream.indirect.gather [hbm4b:s8+s14], $0x20, s23, s14, $0xb8;
	[tilespmem:$0xC1C0] =	vst v63  }
0x5e: {  	s22 =	simm.s32 $0x700;
	s23 =	simm.s32 $0x2B80  }
0x5f: {  	[tilespmem:s23], [sflag:$0x1] =	stream.indirect.gather [hbm4b:s8+s14], $0x20, s22, s14, $0xb8;
	[tilespmem:$0xC1C0] =	vst v63  }
0x60: {  	s22 =	simm.s32 $0x780;
	s23 =	simm.s32 $0x3B80  }
0x61: {  	[tilespmem:s23], [sflag:$0x1] =	stream.indirect.gather [hbm4b:s8+s14], $0x20, s22, s14, $0xb8;
	[tilespmem:$0xC1C0] =	vst v63  }
0x62: {  	s23 =	simm.s32 $0x800  }
0x63: {  	[tilespmem:s24], [sflag:$0x1] =	stream.indirect.gather [hbm4b:s8+s14], $0x20, s23, s14, $0xb8;
	[tilespmem:$0xC1C0] =	vst v63  }
0x64: {  	_ = 	snop  }
0x65: {  	[tilespmem:s26], [sflag:$0x1] =	stream.indirect.gather [hbm4b:s8+s14], $0x20, s25, s14, $0xb8;
	[tilespmem:$0xC1C0] =	vst v63  }
0x66: {  	_ = 	snop  }
0x67: {  	[tilespmem:s29], [sflag:$0x1] =	stream.indirect.gather [hbm4b:s8+s14], $0x20, s28, s14, $0xb8;
	[tilespmem:$0xC1C0] =	vst v63  }
0x68: {  	_ = 	snop  }
0x69: {  	[tilespmem:s31], [sflag:$0x1] =	stream.indirect.gather [hbm4b:s8+s14], $0x20, s30, s14, $0xb8;
	[tilespmem:$0xC1C0] =	vst v63  }
0x6a: {  	_ = 	snop  }
0x6b: {  	[tilespmem:s7], [sflag:$0x1] =	stream.indirect.gather [hbm4b:s8+s14], $0x20, s0, s14, $0xb8;
	[tilespmem:$0xC1C0] =	vst v63  }
0x6c: {  	_ = 	snop  }
0x6d: {  	[tilespmem:s1], [sflag:$0x1] =	stream.indirect.gather [hbm4b:s8+s14], $0x20, s11, s14, $0xb8;
	[tilespmem:$0xC1C0] =	vst v63  }
0x6e: {  	_ = 	snop  }
0x6f: {  	[tilespmem:s3], [sflag:$0x1] =	stream.indirect.gather [hbm4b:s8+s14], $0x20, s2, s14, $0xb8;
	[tilespmem:$0xC1C0] =	vst v63  }
0x70: {  	_ =	swait.ge [sflag:s4], $0x800  }
0x71: {  	[sflag:s4] =	ssyncset.done $0x0  }
0x72: {  	[sflag:s4] =	ssyncadd.s32 $0xFFFFF800  }
0x73: {  	_ =	swait.ge [sflag:s4], $0x800  }
0x74: {  	[sflag:s4] =	ssyncset.done $0x0  }
0x75: {  	[sflag:s4] =	ssyncadd.s32 $0xFFFFF800  }
0x76: {  	_ =	swait.ge [sflag:s4], $0x1000  }
0x77: {  	[sflag:s4] =	ssyncset.done $0x0  }
0x78: {  	[sflag:s4] =	ssyncadd.s32 $0xFFFFF000  }
0x79: {  	_ =	swait.ge [sflag:s4], $0x1000  }
0x7a: {  	[sflag:s4] =	ssyncset.done $0x0  }
0x7b: {  	[sflag:s4] =	ssyncadd.s32 $0xFFFFF000  }
0x7c: {  	_ =	swait.ge [sflag:s4], $0x1000  }
0x7d: {  	[sflag:s4] =	ssyncset.done $0x0  }
0x7e: {  	[sflag:s4] =	ssyncadd.s32 $0xFFFFF000  }
0x7f: {  	_ =	swait.ge [sflag:s4], $0x1000  }
0x80: {  	[sflag:s4] =	ssyncset.done $0x0  }
0x81: {  	[sflag:s4] =	ssyncadd.s32 $0xFFFFF000  }
0x82: {  	_ =	swait.ge [sflag:s4], $0x1000  }
0x83: {  	[sflag:s4] =	ssyncset.done $0x0  }
0x84: {  	[sflag:s4] =	ssyncadd.s32 $0xFFFFF000  }
0x85: {  	_ =	swait.ge [sflag:s4], $0x1000  }
0x86: {  	[sflag:s4] =	ssyncset.done $0x0  }
0x87: {  	[sflag:s4] =	ssyncadd.s32 $0xFFFFF000  }
0x88: {  	_ =	swait.ge [sflag:s4], $0x1000  }
0x89: {  	[sflag:s4] =	ssyncset.done $0x0  }
0x8a: {  	[sflag:s4] =	ssyncadd.s32 $0xFFFFF000  }
0x8b: {  	_ =	swait.ge [sflag:s4], $0x1000  }
0x8c: {  	[sflag:s4] =	ssyncset.done $0x0  }
0x8d: {  	[sflag:s4] =	ssyncadd.s32 $0xFFFFF000  }
0x8e: {  	_ =	swait.ge [sflag:s4], $0x1000  }
0x8f: {  	[sflag:s4] =	ssyncset.done $0x0  }
0x90: {  	[sflag:s4] =	ssyncadd.s32 $0xFFFFF000  }
0x91: {  	_ =	swait.ge [sflag:s4], $0x1000  }
0x92: {  	s21 =	simm.s32 $0x1CC0;
	[sflag:s4] =	ssyncset.done $0x0  }
0x93: {  	s22 =	simm.s32 $0x1390;
	s23 =	simm.s32 $0xB90;
	[sflag:s4] =	ssyncadd.s32 $0xFFFFF000  }
.LBB2_5:
0x94: {  	v5 =	vld [tilespmem:s23+$0xFFFFFFF0]  }
0x95: {  	v6 =	vld [tilespmem:s23+$0x0]  }
0x96: {  	v7 =	vld [tilespmem:s22+$0xFFFFFFF0]  }
0x97: {  	v8 =	vld [tilespmem:s22+$0x0];
	_ =	sdelay $0x4  }
0x98: {  	v7 =	vmul.f32 v7, v5;
	v8 =	vmul.f32 v8, v6;
	_ =	sdelay $0x1  }
0x99: {  	v7 =	vadd.f32 v8, v7;
	_ =	sdelay $0x1  }
0x9a: {  	(xrf2) =	vadd.scan.msk.f32 $0xffff, v7;
	_ =	sdelay $0x5  }
0x9b: {  	v7 =	vmov s20;
	_ =	sdelay $0x3  }
0x9c: {  	v26, _, _ =	vpop (xrf2)  }
0x9d: {  	[tilespmem:v7+s15+$0x0] =	vst.idx.msk vm0, v26  }
0x9e: {  	v8 =	vld [tilespmem:s21+$0xFFFFFEC0]  }
0x9f: {  	v9 =	vld [tilespmem:s21+$0xFFFFFED0];
	_ =	sdelay $0x4  }
0xa0: {  	v8 =	vmul.f32 v8, v5;
	v9 =	vmul.f32 v9, v6;
	_ =	sdelay $0x1  }
0xa1: {  	v8 =	vadd.f32 v9, v8;
	_ =	sdelay $0x1  }
0xa2: {  	(xrf2) =	vadd.scan.msk.f32 $0xffff, v8;
	_ =	sdelay $0x4  }
0xa3: {  	v7 =	vmul.u32 $0x18, v7;
	_ =	sdelay $0x4  }
0xa4: {  	v8, _, _ =	vpop (xrf2)  }
0xa5: {  	[tilespmem:v7+s16+$0x0] =	vst.idx.msk vm0, v8  }
0xa6: {  	v8 =	vld [tilespmem:s21+$0xFFFFFEE0]  }
0xa7: {  	v27 =	vld [tilespmem:s21+$0xFFFFFEF0];
	_ =	sdelay $0x4  }
0xa8: {  	v8 =	vmul.f32 v8, v5;
	v9 =	vmul.f32 v27, v6;
	_ =	sdelay $0x1  }
0xa9: {  	v8 =	vadd.f32 v9, v8;
	_ =	sdelay $0x1  }
0xaa: {  	(xrf2) =	vadd.scan.msk.f32 $0xffff, v8;
	_ =	sdelay $0x5  }
0xab: {  	v28 =	vor.u32 $0x1, v7;
	_ =	sdelay $0x3  }
0xac: {  	v29, _, _ =	vpop (xrf2)  }
0xad: {  	[tilespmem:v28+s16+$0x0] =	vst.idx.msk vm0, v29  }
0xae: {  	v8 =	vld [tilespmem:s21+$0xFFFFFF00]  }
0xaf: {  	v9 =	vld [tilespmem:s21+$0xFFFFFF10];
	_ =	sdelay $0x4  }
0xb0: {  	v8 =	vmul.f32 v8, v5;
	v9 =	vmul.f32 v9, v6;
	_ =	sdelay $0x1  }
0xb1: {  	v8 =	vadd.f32 v9, v8;
	_ =	sdelay $0x1  }
0xb2: {  	(xrf2) =	vadd.scan.msk.f32 $0xffff, v8;
	_ =	sdelay $0x5  }
0xb3: {  	v30 =	vor.u32 $0x2, v7;
	_ =	sdelay $0x3  }
0xb4: {  	v31, _, _ =	vpop (xrf2)  }
0xb5: {  	[tilespmem:v30+s16+$0x0] =	vst.idx.msk vm0, v31  }
0xb6: {  	v8 =	vld [tilespmem:s21+$0xFFFFFF20]  }
0xb7: {  	v9 =	vld [tilespmem:s21+$0xFFFFFF30];
	_ =	sdelay $0x4  }
0xb8: {  	v8 =	vmul.f32 v8, v5;
	v9 =	vmul.f32 v9, v6;
	_ =	sdelay $0x1  }
0xb9: {  	v8 =	vadd.f32 v9, v8;
	_ =	sdelay $0x1  }
0xba: {  	(xrf2) =	vadd.scan.msk.f32 $0xffff, v8;
	_ =	sdelay $0x5  }
0xbb: {  	v32 =	vor.u32 $0x3, v7;
	_ =	sdelay $0x3  }
0xbc: {  	v33, _, _ =	vpop (xrf2)  }
0xbd: {  	[tilespmem:v32+s16+$0x0] =	vst.idx.msk vm0, v33  }
0xbe: {  	v8 =	vld [tilespmem:s21+$0xFFFFFF40]  }
0xbf: {  	v9 =	vld [tilespmem:s21+$0xFFFFFF50];
	_ =	sdelay $0x4  }
0xc0: {  	v8 =	vmul.f32 v8, v5;
	v9 =	vmul.f32 v9, v6;
	_ =	sdelay $0x1  }
0xc1: {  	v8 =	vadd.f32 v9, v8;
	_ =	sdelay $0x1  }
0xc2: {  	(xrf2) =	vadd.scan.msk.f32 $0xffff, v8;
	_ =	sdelay $0x5  }
0xc3: {  	v34 =	vor.u32 $0x4, v7;
	_ =	sdelay $0x3  }
0xc4: {  	v35, _, _ =	vpop (xrf2)  }
0xc5: {  	[tilespmem:v34+s16+$0x0] =	vst.idx.msk vm0, v35  }
0xc6: {  	v8 =	vld [tilespmem:s21+$0xFFFFFF60]  }
0xc7: {  	v9 =	vld [tilespmem:s21+$0xFFFFFF70];
	_ =	sdelay $0x4  }
0xc8: {  	v8 =	vmul.f32 v8, v5;
	v9 =	vmul.f32 v9, v6;
	_ =	sdelay $0x1  }
0xc9: {  	v8 =	vadd.f32 v9, v8;
	_ =	sdelay $0x1  }
0xca: {  	(xrf2) =	vadd.scan.msk.f32 $0xffff, v8;
	_ =	sdelay $0x5  }
0xcb: {  	v36 =	vor.u32 $0x5, v7;
	_ =	sdelay $0x3  }
0xcc: {  	v37, _, _ =	vpop (xrf2)  }
0xcd: {  	[tilespmem:v36+s16+$0x0] =	vst.idx.msk vm0, v37  }
0xce: {  	v8 =	vld [tilespmem:s21+$0xFFFFFF80]  }
0xcf: {  	v9 =	vld [tilespmem:s21+$0xFFFFFF90];
	_ =	sdelay $0x4  }
0xd0: {  	v8 =	vmul.f32 v8, v5;
	v9 =	vmul.f32 v9, v6;
	_ =	sdelay $0x1  }
0xd1: {  	v8 =	vadd.f32 v9, v8;
	_ =	sdelay $0x1  }
0xd2: {  	(xrf2) =	vadd.scan.msk.f32 $0xffff, v8;
	_ =	sdelay $0x5  }
0xd3: {  	v38 =	vor.u32 $0x6, v7;
	_ =	sdelay $0x3  }
0xd4: {  	v39, _, _ =	vpop (xrf2)  }
0xd5: {  	[tilespmem:v38+s16+$0x0] =	vst.idx.msk vm0, v39  }
0xd6: {  	v8 =	vld [tilespmem:s21+$0xFFFFFFA0]  }
0xd7: {  	v9 =	vld [tilespmem:s21+$0xFFFFFFB0];
	_ =	sdelay $0x4  }
0xd8: {  	v8 =	vmul.f32 v8, v5;
	v9 =	vmul.f32 v9, v6;
	_ =	sdelay $0x1  }
0xd9: {  	v8 =	vadd.f32 v9, v8;
	_ =	sdelay $0x1  }
0xda: {  	(xrf2) =	vadd.scan.msk.f32 $0xffff, v8;
	_ =	sdelay $0x5  }
0xdb: {  	v40 =	vor.u32 $0x7, v7;
	_ =	sdelay $0x3  }
0xdc: {  	v41, _, _ =	vpop (xrf2)  }
0xdd: {  	[tilespmem:v40+s16+$0x0] =	vst.idx.msk vm0, v41  }
0xde: {  	v8 =	vld [tilespmem:s21+$0xFFFFFFC0]  }
0xdf: {  	v9 =	vld [tilespmem:s21+$0xFFFFFFD0];
	_ =	sdelay $0x4  }
0xe0: {  	v8 =	vmul.f32 v8, v5;
	v9 =	vmul.f32 v9, v6;
	_ =	sdelay $0x1  }
0xe1: {  	v8 =	vadd.f32 v9, v8;
	_ =	sdelay $0x1  }
0xe2: {  	(xrf2) =	vadd.scan.msk.f32 $0xffff, v8;
	_ =	sdelay $0x5  }
0xe3: {  	v42 =	vadd.s32 $0x8, v7;
	_ =	sdelay $0x3  }
0xe4: {  	v43, _, _ =	vpop (xrf2)  }
0xe5: {  	[tilespmem:v42+s16+$0x0] =	vst.idx.msk vm0, v43  }
0xe6: {  	v8 =	vld [tilespmem:s21+$0xFFFFFFE0]  }
0xe7: {  	v9 =	vld [tilespmem:s21+$0xFFFFFFF0];
	_ =	sdelay $0x4  }
0xe8: {  	v8 =	vmul.f32 v8, v5;
	v9 =	vmul.f32 v9, v6;
	_ =	sdelay $0x1  }
0xe9: {  	v8 =	vadd.f32 v9, v8;
	_ =	sdelay $0x1  }
0xea: {  	(xrf2) =	vadd.scan.msk.f32 $0xffff, v8;
	_ =	sdelay $0x5  }
0xeb: {  	v44 =	vadd.s32 $0x9, v7;
	_ =	sdelay $0x3  }
0xec: {  	v45, _, _ =	vpop (xrf2)  }
0xed: {  	[tilespmem:v44+s16+$0x0] =	vst.idx.msk vm0, v45  }
0xee: {  	v8 =	vld [tilespmem:s21+$0x0]  }
0xef: {  	v9 =	vld [tilespmem:s21+$0x10];
	_ =	sdelay $0x4  }
0xf0: {  	v8 =	vmul.f32 v8, v5;
	v9 =	vmul.f32 v9, v6;
	_ =	sdelay $0x1  }
0xf1: {  	v8 =	vadd.f32 v9, v8;
	_ =	sdelay $0x1  }
0xf2: {  	(xrf2) =	vadd.scan.msk.f32 $0xffff, v8;
	_ =	sdelay $0x5  }
0xf3: {  	v46 =	vadd.s32 $0xA, v7;
	_ =	sdelay $0x3  }
0xf4: {  	v47, _, _ =	vpop (xrf2)  }
0xf5: {  	[tilespmem:v46+s16+$0x0] =	vst.idx.msk vm0, v47  }
0xf6: {  	v8 =	vld [tilespmem:s21+$0x20]  }
0xf7: {  	v9 =	vld [tilespmem:s21+$0x30];
	_ =	sdelay $0x4  }
0xf8: {  	v8 =	vmul.f32 v8, v5;
	v9 =	vmul.f32 v9, v6;
	_ =	sdelay $0x1  }
0xf9: {  	v8 =	vadd.f32 v9, v8;
	_ =	sdelay $0x1  }
0xfa: {  	(xrf2) =	vadd.scan.msk.f32 $0xffff, v8;
	_ =	sdelay $0x5  }
0xfb: {  	v48 =	vadd.s32 $0xB, v7;
	_ =	sdelay $0x3  }
0xfc: {  	v49, _, _ =	vpop (xrf2)  }
0xfd: {  	[tilespmem:v48+s16+$0x0] =	vst.idx.msk vm0, v49  }
0xfe: {  	v8 =	vld [tilespmem:s21+$0x40]  }
0xff: {  	v9 =	vld [tilespmem:s21+$0x50];
	_ =	sdelay $0x4  }
0x100: {  	v8 =	vmul.f32 v8, v5;
	v9 =	vmul.f32 v9, v6;
	_ =	sdelay $0x1  }
0x101: {  	v8 =	vadd.f32 v9, v8;
	_ =	sdelay $0x1  }
0x102: {  	(xrf2) =	vadd.scan.msk.f32 $0xffff, v8;
	_ =	sdelay $0x5  }
0x103: {  	v50 =	vadd.s32 $0xC, v7;
	_ =	sdelay $0x3  }
0x104: {  	v51, _, _ =	vpop (xrf2)  }
0x105: {  	[tilespmem:v50+s16+$0x0] =	vst.idx.msk vm0, v51  }
0x106: {  	v8 =	vld [tilespmem:s21+$0x60]  }
0x107: {  	v9 =	vld [tilespmem:s21+$0x70];
	_ =	sdelay $0x4  }
0x108: {  	v8 =	vmul.f32 v8, v5;
	v9 =	vmul.f32 v9, v6;
	_ =	sdelay $0x1  }
0x109: {  	v8 =	vadd.f32 v9, v8;
	_ =	sdelay $0x1  }
0x10a: {  	(xrf2) =	vadd.scan.msk.f32 $0xffff, v8;
	_ =	sdelay $0x5  }
0x10b: {  	v52 =	vadd.s32 $0xD, v7;
	_ =	sdelay $0x3  }
0x10c: {  	v53, _, _ =	vpop (xrf2)  }
0x10d: {  	[tilespmem:v52+s16+$0x0] =	vst.idx.msk vm0, v53  }
0x10e: {  	v8 =	vld [tilespmem:s21+$0x80]  }
0x10f: {  	v9 =	vld [tilespmem:s21+$0x90];
	_ =	sdelay $0x4  }
0x110: {  	v8 =	vmul.f32 v8, v5;
	v9 =	vmul.f32 v9, v6;
	_ =	sdelay $0x1  }
0x111: {  	v8 =	vadd.f32 v9, v8;
	_ =	sdelay $0x1  }
0x112: {  	(xrf2) =	vadd.scan.msk.f32 $0xffff, v8;
	_ =	sdelay $0x5  }
0x113: {  	v54 =	vadd.s32 $0xE, v7;
	_ =	sdelay $0x3  }
0x114: {  	v55, _, _ =	vpop (xrf2)  }
0x115: {  	[tilespmem:v54+s16+$0x0] =	vst.idx.msk vm0, v55  }
0x116: {  	v8 =	vld [tilespmem:s21+$0xA0]  }
0x117: {  	v9 =	vld [tilespmem:s21+$0xB0];
	_ =	sdelay $0x4  }
0x118: {  	v8 =	vmul.f32 v8, v5;
	v9 =	vmul.f32 v9, v6;
	_ =	sdelay $0x1  }
0x119: {  	v8 =	vadd.f32 v9, v8;
	_ =	sdelay $0x1  }
0x11a: {  	(xrf2) =	vadd.scan.msk.f32 $0xffff, v8;
	_ =	sdelay $0x5  }
0x11b: {  	v56 =	vadd.s32 $0xF, v7;
	_ =	sdelay $0x3  }
0x11c: {  	v57, _, _ =	vpop (xrf2)  }
0x11d: {  	[tilespmem:v56+s16+$0x0] =	vst.idx.msk vm0, v57  }
0x11e: {  	v8 =	vld [tilespmem:s21+$0xC0]  }
0x11f: {  	v9 =	vld [tilespmem:s21+$0xD0];
	_ =	sdelay $0x4  }
0x120: {  	v8 =	vmul.f32 v8, v5;
	v9 =	vmul.f32 v9, v6;
	_ =	sdelay $0x1  }
0x121: {  	v8 =	vadd.f32 v9, v8;
	_ =	sdelay $0x1  }
0x122: {  	(xrf2) =	vadd.scan.msk.f32 $0xffff, v8;
	_ =	sdelay $0x5  }
0x123: {  	v58 =	vadd.s32 $0x10, v7;
	_ =	sdelay $0x3  }
0x124: {  	v59, _, _ =	vpop (xrf2)  }
0x125: {  	[tilespmem:v58+s16+$0x0] =	vst.idx.msk vm0, v59  }
0x126: {  	v8 =	vld [tilespmem:s21+$0xE0]  }
0x127: {  	v9 =	vld [tilespmem:s21+$0xF0];
	_ =	sdelay $0x4  }
0x128: {  	v8 =	vmul.f32 v8, v5;
	v9 =	vmul.f32 v9, v6;
	_ =	sdelay $0x1  }
0x129: {  	v8 =	vadd.f32 v9, v8;
	_ =	sdelay $0x1  }
0x12a: {  	(xrf2) =	vadd.scan.msk.f32 $0xffff, v8;
	_ =	sdelay $0x5  }
0x12b: {  	v60 =	vadd.s32 $0x11, v7;
	_ =	sdelay $0x3  }
0x12c: {  	v61, _, _ =	vpop (xrf2)  }
0x12d: {  	[tilespmem:v60+s16+$0x0] =	vst.idx.msk vm0, v61  }
0x12e: {  	v8 =	vld [tilespmem:s21+$0x100]  }
0x12f: {  	v9 =	vld [tilespmem:s21+$0x110];
	_ =	sdelay $0x4  }
0x130: {  	v8 =	vmul.f32 v8, v5;
	v9 =	vmul.f32 v9, v6;
	_ =	sdelay $0x1  }
0x131: {  	v8 =	vadd.f32 v9, v8;
	_ =	sdelay $0x1  }
0x132: {  	(xrf2) =	vadd.scan.msk.f32 $0xffff, v8;
	_ =	sdelay $0x5  }
0x133: {  	v62 =	vadd.s32 $0x12, v7;
	_ =	sdelay $0x3  }
0x134: {  	v63, _, _ =	vpop (xrf2)  }
0x135: {  	[tilespmem:v62+s16+$0x0] =	vst.idx.msk vm0, v63  }
0x136: {  	v8 =	vld [tilespmem:s21+$0x120]  }
0x137: {  	v9 =	vld [tilespmem:s21+$0x130];
	_ =	sdelay $0x4  }
0x138: {  	v5 =	vmul.f32 v8, v5;
	v6 =	vmul.f32 v9, v6;
	_ =	sdelay $0x1  }
0x139: {  	v5 =	vadd.f32 v6, v5;
	_ =	sdelay $0x1  }
0x13a: {  	(xrf2) =	vadd.scan.msk.f32 $0xffff, v5;
	_ =	sdelay $0x5  }
0x13b: {  	p0 =	sne.s32 s20, $0x3F;
	v5 =	vadd.s32 $0x13, v7  }
.Ltmp1:
0x13c: {  	_ = 	snop;
	(pc) =	sbr.rel @p0 .LBB2_5-.Ltmp1, $3  }
0x13d: {  	_ =	sdelay $0x1  }
0x13e: {  	s22 =	sadd.s32 $0x20, s22;
	v6, _, _ =	vpop (xrf2)  }
0x13f: {  	s23 =	sadd.s32 $0x20, s23;
	s20 =	sadd.s32 $0x1, s20;
	s21 =	sadd.s32 $0x280, s21;
	[tilespmem:v5+s16+$0x0] =	vst.idx.msk vm0, v6  }
0x140: {  	s20 =	rddreg [dreg:$0x4]  }
0x141: {  	s18 =	sadd.s32 s20, s18  }
0x142: {  	[hbm4b:s18+s5] =	stream.linear.scatter [tilespmem:s15], [sflag:$0x2], $0x40, $0x38;
	[tilespmem:$0xC1C0] =	vst v63  }
0x143: {  	s17 =	sadd.s32 $0x1, s17;
	_ =	swait.ge [sflag:s12], $0x40  }
0x144: {  	p0 =	sne.s32 s17, $0x8;
	[sflag:s12] =	ssyncset.done $0x0  }
.Ltmp2:
0x145: {  	s23 =	sadd.s32 s9, s19;
	[sflag:s12] =	ssyncadd.s32 $0xFFFFFFC0;
	(pc) =	sbr.rel @p0 .LBB2_2-.Ltmp2, $4  }
0x146: {  	[hbm4b:s23+s5] =	stream.linear.scatter [tilespmem:s16], [sflag:$0x2], $0x600, $0x38;
	[tilespmem:$0xC1C0] =	vst v63  }
0x147: {  	_ =	swait.ge [sflag:s12], $0x600  }
0x148: {  	[sflag:s12] =	ssyncset.done $0x0  }
0x149: {  	[sflag:s12] =	ssyncadd.s32 $0xFFFFFA00  }
0x14a: {  	s18 =	rddreg [dreg:$0x7]  }
0x14b: {  	s17 =	rddreg [dreg:$0x6];
	s18 =	sadd.s32 $0x1, s18  }
0x14c: {  	p0 =	sne.s32 s18, s17  }
.Ltmp3:
0x14d: {  	_ = 	snop;
	(pc) =	sbr.rel @p0 .LBB2_1-.Ltmp3, $1  }
0x14e: {  	_ =	sdelay $0x3  }
0x14f: {  	_ =	sfence.sel $0x180000  }
0x150: {  	[bflag:$0x0] =	sbarrier.arrive $0xFFFF  }
0x151: {  	_ =	strace $0x9000004A  }
0x152: {  	s0 =	stileid.u32;
	[bflag:$0x2] =	sbarrier.arrive $0xFFFF  }
0x153: {  	p0 =	sne.s32 s0, $0x0;
	s0 =	rddreg [dreg:$0x5]  }
0x154: {  	s0 =	sadd.s32 @!p0 $0x100000, s0  }
0x155: {  	[sflag:s0] =	ssyncadd.tile.s32 @!p0 $0x1;
	_ =	shalt  }
.Lfunc_end2:
_tile_overlayer_lowered:
.L_overlay_start_2:
0x156: {  	(tag) =	ssettag $0x2  }
0x157: {  	s0 =	rddreg [dreg:$0x0];
	s2 =	stileid.u32  }
0x158: {  	s1 =	rddreg [dreg:$0x1];
	p0 =	sne.s32 s2, $0x0  }
0x159: {  	s3 =	rddreg [dreg:$0x2];
	[bflag:$0x3] =	sbarrier.arrive $0xFFFF;
	s2 =	simm.s32 @!p0 $0x1C02  }
0x15a: {  	[timem:s3], [sflag:s2] =	dma.local @!p0 [hbm:s0], s1  }
0x15b: {  	s0 =	simm.s32 @!p0 $0x2  }
0x15c: {  	_ =	swait.ge @!p0 [sflag:s0], s1  }
0x15d: {  	s1 =	ssub.s32 @!p0 $0x0, s1;
	[sflag:s0] =	ssyncset.done @!p0 $0x0  }
0x15e: {  	[sflag:s0] =	ssyncadd.s32 @!p0 s1  }
0x15f: {  	[bflag:$0x3] =	sbarrier.arrive $0xFFFF  }
0x160: {  	_ =	shalt  }

// kernel: kernel.7.cloned.1.call-start
scs
__scs_entry_jumppad:
0x0: {  	(pc) =	sbr.rel $0x88, $3  }
0x1: {  	(tag) =	ssettag $0x0;
	lr =	simm.s32 $0x1  }
0x2: {  	[smem:$0x3F9C] =	sst lr;
	_ =	strace $0xD0000000  }
0x3: {  	_ = 	snop  }
0x4: {  	_ = 	snop  }
0x5: {  	_ = 	snop  }
0x6: {  	_ = 	snop  }
0x7: {  	_ = 	snop  }
__scs_overlays_trampoline_lowered:
0x8: {  	[smem:$0x3FAB] =	sst s0  }
0x9: {  	[smem:$0x3FAC] =	sst s1  }
0xa: {  	[smem:$0x3FAD] =	sst s2  }
0xb: {  	[smem:$0x3FAE] =	sst s3  }
0xc: {  	[smem:$0x3FAF] =	sst s4  }
0xd: {  	[smem:$0x3FB0] =	sst s5  }
0xe: {  	[smem:$0x3FB1] =	sst s6  }
0xf: {  	[smem:$0x3FB2] =	sst s7  }
0x10: {  	[smem:$0x3FB3] =	sst s8  }
0x11: {  	[smem:$0x3FB4] =	sst s9;
	s0 =	simm.s32 @!p0 $0x0  }
0x12: {  	s1 =	sld [smem:$0x3F9A];
	s0 =	simm.s32 @p0 $0x1  }
0x13: {  	[smem:$0x3FB5] =	sst s0;
	s0 =	simm.s32 @!p1 $0x0  }
0x14: {  	s2 =	sld [smem:$0x3F99];
	s0 =	simm.s32 @p1 $0x1  }
0x15: {  	[smem:$0x3FB6] =	sst s0;
	s0 =	simm.s32 @!p2 $0x0  }
0x16: {  	s3 =	sld [smem:$0x3FDB];
	s0 =	simm.s32 @p2 $0x1  }
0x17: {  	s4 =	simm.s32 $0x1BF5;
	[smem:$0x3FB8] =	sst s0  }
0x18: {  	s0 =	sld [smem:$0x3F9B];
	_ =	swait.ge [sflag:s4], $0x0  }
0x19: {  	s7 =	sld [smem:$0x3F9C]  }
0x1a: {  	s8 =	sadd.s32 $0xFFFFE003, lr  }
0x1b: {  	s9 =	sadd.s32 $0xFFFFFEF7, lr;
	s5 =	simm.s32 $0xFFFFFFFF;
	p2 =	slt.u32 s8, $0xFFFFF086  }
0x1c: {  	p1 =	slt.u32 s9, $0xF7A;
	s5 =	simm.s32 @!p2 $0x0  }
0x1d: {  	s5 =	simm.s32 @p1 $0x1;
	p0 =	seq.s32 s7, s2  }
0x1e: {  	s7 =	smul.u32 @!p0 $0xF7A, s2;
	p2 =	seq.s32 @!p0 s5, $0x0  }
0x1f: {  	s9 =	smul.u32 $0xF7A, s1;
	s8 =	simm.s32 @!p0 $0x1BF5;
	p2 =	por !p2, p0  }
0x20: {  	[sflag:s8] =	ssyncset.s32 @!p0 $0xFFFFF086;
	s6 =	sadd.s32 @!p0 s3, s7;
	s7 =	simm.s32 @!p0 $0x108  }
0x21: {  	s3 =	sadd.s32 s3, s9;
	s6 =	sadd.s32 @!p0 $0x88, s6;
	s7 =	simm.s32 @p2 $0x1082  }
0x22: {  	[simem:s7], [sflag:s8] =	dma.local @!p0 [hbm:s6], $0xF7A  }
0x23: {  	s9 =	sor.u32 $0xD0000000, s2;
	s6 =	simm.s32 $0x108;
	_ =	swait.ge @!p0 [sflag:s8], $0x0  }
0x24: {  	s3 =	sadd.s32 $0x88, s3;
	s6 =	simm.s32 @!p1 $0x1082;
	[sflag:s4] =	ssyncset.s32 $0xFFFFF086  }
0x25: {  	[simem:s6], [sflag:s4] =	dma.local [hbm:s3], $0xF7A  }
0x26: {  	[smem:$0x3F9C] =	sst s1;
	(tag) =	ssettag s2;
	_ =	strace s9  }
0x27: {  	s1 =	sld [smem:$0x3FAC]  }
0x28: {  	s2 =	sld [smem:$0x3FAD]  }
0x29: {  	s4 =	sld [smem:$0x3FAF]  }
0x2a: {  	p0 =	seq.s32 s5, $0x0;
	s5 =	sld [smem:$0x3FB0]  }
0x2b: {  	s6 =	sld [smem:$0x3FB1]  }
0x2c: {  	s7 =	sld [smem:$0x3FB2]  }
0x2d: {  	s3 =	simm.s32 $0x108;
	s8 =	sld [smem:$0x3FB3]  }
0x2e: {  	s3 =	simm.s32 @!p0 $0x1082;
	s9 =	sld [smem:$0x3FB4]  }
0x2f: {  	lr =	sadd.s32 s0, s3;
	s0 =	sld [smem:$0x3FAB]  }
0x30: {  	s3 =	sld [smem:$0x3FAE]  }
0x31: {  	[smem:$0x3FB7] =	sst s10  }
0x32: {  	s10 =	sld [smem:$0x3FB5];
	_ =	sdelay $0x3  }
0x33: {  	p0 =	seq.s32 s10, $0x1;
	s10 =	sld [smem:$0x3FB7];
	_ =	sdelay $0x3  }
0x34: {  	[smem:$0x3FB7] =	sst s10  }
0x35: {  	s10 =	sld [smem:$0x3FB6];
	_ =	sdelay $0x3  }
0x36: {  	p1 =	seq.s32 s10, $0x1;
	s10 =	sld [smem:$0x3FB7];
	_ =	sdelay $0x3  }
0x37: {  	[smem:$0x3FB7] =	sst s10  }
0x38: {  	s10 =	sld [smem:$0x3FB8]  }
0x39: {  	_ = 	snop;
	(pc) =	sbr.ind lr, $3  }
0x3a: {  	_ = 	snop  }
0x3b: {  	_ = 	snop  }
0x3c: {  	p2 =	seq.s32 s10, $0x1;
	s10 =	sld [smem:$0x3FB7]  }
0x3d: {  	_ =	shalt  }
0x3e: {  	_ =	shalt  }
0x3f: {  	_ =	shalt  }
0x40: {  	_ =	shalt  }
0x41: {  	_ =	shalt  }
0x42: {  	_ =	shalt  }
0x43: {  	_ =	shalt  }
0x44: {  	_ =	shalt  }
0x45: {  	_ =	shalt  }
0x46: {  	_ =	shalt  }
0x47: {  	_ =	shalt  }
0x48: {  	_ =	shalt  }
0x49: {  	_ =	shalt  }
0x4a: {  	_ =	shalt  }
0x4b: {  	_ =	shalt  }
0x4c: {  	_ =	shalt  }
0x4d: {  	_ =	shalt  }
0x4e: {  	_ =	shalt  }
0x4f: {  	_ =	shalt  }
0x50: {  	_ =	shalt  }
0x51: {  	_ =	shalt  }
0x52: {  	_ =	shalt  }
0x53: {  	_ =	shalt  }
0x54: {  	_ =	shalt  }
0x55: {  	_ =	shalt  }
0x56: {  	_ =	shalt  }
0x57: {  	_ =	shalt  }
0x58: {  	_ =	shalt  }
0x59: {  	_ =	shalt  }
0x5a: {  	_ =	shalt  }
0x5b: {  	_ =	shalt  }
0x5c: {  	_ =	shalt  }
0x5d: {  	_ =	shalt  }
0x5e: {  	_ =	shalt  }
0x5f: {  	_ =	shalt  }
0x60: {  	_ =	shalt  }
0x61: {  	_ =	shalt  }
0x62: {  	_ =	shalt  }
0x63: {  	_ =	shalt  }
0x64: {  	_ =	shalt  }
0x65: {  	_ =	shalt  }
0x66: {  	_ =	shalt  }
0x67: {  	_ =	shalt  }
0x68: {  	_ =	shalt  }
0x69: {  	_ =	shalt  }
0x6a: {  	_ =	shalt  }
0x6b: {  	_ =	shalt  }
0x6c: {  	_ =	shalt  }
0x6d: {  	_ =	shalt  }
0x6e: {  	_ =	shalt  }
0x6f: {  	_ =	shalt  }
0x70: {  	_ =	shalt  }
0x71: {  	_ =	shalt  }
0x72: {  	_ =	shalt  }
0x73: {  	_ =	shalt  }
0x74: {  	_ =	shalt  }
0x75: {  	_ =	shalt  }
0x76: {  	_ =	shalt  }
0x77: {  	_ =	shalt  }
0x78: {  	_ =	shalt  }
0x79: {  	_ =	shalt  }
0x7a: {  	_ =	shalt  }
0x7b: {  	_ =	shalt  }
0x7c: {  	_ =	shalt  }
0x7d: {  	_ =	shalt  }
0x7e: {  	_ =	shalt  }
0x7f: {  	_ =	shalt  }
0x80: {  	_ =	shalt  }
0x81: {  	_ =	shalt  }
0x82: {  	_ =	shalt  }
0x83: {  	_ =	shalt  }
0x84: {  	_ =	shalt  }
0x85: {  	_ =	shalt  }
0x86: {  	_ =	shalt  }
0x87: {  	_ =	shalt  }
.Lfunc_end0:
.L_simem_size_0:
called_computation.1_lowered:
.L_overlay_start_0:
0x88: {  	s2 =	sld [smem:$0x3FD9]  }
0x89: {  	s3 =	sld [smem:$0x3FFE];
	_ =	sdelay $0x1  }
0x8a: {  	s1 =	srdreg.scid  }
0x8b: {  	s0 =	sand.u32 $0x1, s1  }
0x8c: {  	s14 =	sshll.u32 s0, $0xA;
	s2 =	sadd.s32 s3, s2  }
0x8d: {  	s2 =	sadd.s32 s2, s14  }
0x8e: {  	[smem:$0x3FC3] =	sst s2  }
0x8f: {  	_ = 	snop  }
0x90: {  	s2 =	sld [smem:$0x3FD0];
	_ =	sdelay $0x1  }
0x91: {  	s15 =	sld [smem:$0x3FC9]  }
0x92: {  	s5 =	simm.s32 $0xB;
	s6 =	simm.s32 $0x10;
	s4 =	sld [smem:$0x3FC8]  }
0x93: {  	[smem:s6], [sflag:s5] =	dma.local [hbm:s2], $0x1  }
0x94: {  	_ =	swait.eq [sflag:s5], $0x1  }
0x95: {  	[sflag:s5] =	ssyncset.done $0x0  }
0x96: {  	[sflag:s5] =	ssyncadd.s32 $0xFFFFFFFF  }
0x97: {  	s16 =	sld [smem:$0x11];
	(tm) =	ssettm $0x1  }
0x98: {  	s17 =	sld [smem:$0x3FFB];
	_ =	sdelay $0x3  }
0x99: {  	_ =	strace s17  }
0x9a: {  	s5 =	sld [smem:$0x3FFC];
	_ =	sdelay $0x3  }
0x9b: {  	_ =	strace s5  }
0x9c: {  	s5 =	sld [smem:$0x3FFD];
	_ =	sdelay $0x3  }
0x9d: {  	_ =	strace s5  }
0x9e: {  	_ =	strace $0x8FFFFFFF  }
0x9f: {  	s18 =	sld [smem:$0x3FDB];
	_ =	sdelay $0x1  }
0xa0: {  	s19 =	simm.s32 $_scs_section_size  }
0xa1: {  	s7 =	simm.s32 $_size__tile_overlayer_lowered;
	s8 =	simm.s32 $_tile_overlayer_lowered  }
0xa2: {  	s22 =	simm.s32 $0x1BFF;
	s21 =	sshll.u32 s8, $0x1;
	s5 =	sadd.s32 s19, s18  }
0xa3: {  	s9 =	simm.s32 $0x0;
	s20 =	sshll.u32 s7, $0x1;
	s7 =	sadd.s32 s21, s5  }
0xa4: {  	[timem:s9], [sflag:s22] =	dma.local [hbm:s7], s20  }
0xa5: {  	_ =	swait.ge [sflag:s22], s20  }
0xa6: {  	s6 =	ssub.s32 $0x0, s20;
	[sflag:s22] =	ssyncset.done $0x0  }
0xa7: {  	[sflag:s22] =	ssyncadd.s32 s6;
	_ =	sdelay $0x1  }
0xa8: {  	s23 =	simm.s32 $0x1B8B  }
0xa9: {  	_ =	swait.ge [sflag:s23], $0x1  }
0xaa: {  	[sflag:s23] =	ssyncset.done $0x0  }
0xab: {  	s25 =	simm.s32 $0x1B8E;
	s24 =	sld [smem:$0x3FFE];
	[sflag:s23] =	ssyncadd.s32 $0xFFFFFFFF  }
0xac: {  	s26 =	simm.s32 $execute0_lowered;
	[smem:$0x3FD2] =	sst s25  }
0xad: {  	s7 =	sshll.u32 s26, $0x1;
	_ =	strace $0x80000046;
	[dreg:$0x1] =	wrdreg $0xFFFFFFFF  }
0xae: {  	s28 =	simm.s32 $_size_execute0_lowered;
	s5 =	sadd.s32 s5, s7;
	[dreg:$0x0] =	wrdreg $0x0  }
0xaf: {  	s7 =	sshll.u32 s28, $0x1;
	[dreg:$0x2] =	wrdreg s5  }
0xb0: {  	[dreg:$0x3] =	wrdreg s7  }
0xb1: {  	[dreg:$0x4] =	wrdreg $0xC0  }
0xb2: {  	_ =	task [dreg:s9], $0x5FFFF  }
0xb3: {  	[dreg:$0x1] =	wrdreg $0xFFFFFFFF  }
0xb4: {  	[dreg:$0x0] =	wrdreg $0x60  }
0xb5: {  	[dreg:$0x2] =	wrdreg s15  }
0xb6: {  	[dreg:$0x3] =	wrdreg s4  }
0xb7: {  	[dreg:$0x4] =	wrdreg s16  }
0xb8: {  	[dreg:$0x5] =	wrdreg s24  }
0xb9: {  	[dreg:$0x6] =	wrdreg $0xA  }
0xba: {  	_ =	task.clear_ibuf [dreg:s9], $0x7FFFF;
	_ =	strace $0x90000046  }
0xbb: {  	s29 =	simm.s32 $0xA;
	_ =	strace $0x80000048  }
0xbc: {  	_ =	swait.ge [sflag:s29], $0x1  }
0xbd: {  	[sflag:s29] =	ssyncadd.s32 $0xFFFFFFFF  }
0xbe: {  	_ =	strace $0x90000048  }
0xbf: {  	_ =	sfence  }
0xc0: {  	s30 =	sld [smem:$0x0];
	_ =	sdelay $0x2  }
0xc1: {  	s31 =	sshll.u32 s1, $0xD;
	s1 =	sshrl.u32 s1, $0x2  }
0xc2: {  	s3 =	sand.u32 $0x4000, s31;
	s1 =	sadd.s32 s1, s30  }
0xc3: {  	s0 =	sor.u32 s3, s0;
	s1 =	sshll.u32 s1, $0x11  }
0xc4: {  	s0 =	sor.u32 s1, s0  }
0xc5: {  	s0 =	sadd.s32 $0x8F2B, s0  }
0xc6: {  	[sflag:s0] =	ssyncadd.remote.s32 $0x1  }
0xc7: {  	_ =	sfence.sel $0xFFFF  }
0xc8: {  	[dreg:$0x0] =	wrdreg $0xFFFFFFFF;
	(pc) =	sbr.abs _section_cstart, $3  }
0xc9: {  	[dreg:$0x1] =	wrdreg $0xFFFFFFFF  }
0xca: {  	_ =	task.clear_ibuf [dreg:s9], $0x2FFFF;
	_ =	strace $0x9FFFFFFF  }
0xcb: {  	(tm) =	ssettm $0x7FFFFFFF  }
tec
execute0_lowered:
.L_overlay_start_1:
0x0: {  	(tag) =	ssettag $0x1  }
0x1: {  	s0 =	rddreg [dreg:$0x3];
	s4 =	simm.s32 $0x0;
	v0 =	vimm.s32 $0x1F1E1D1C;
	v1 =	vimm.s32 $0x23222120;
	v2 =	vimm.s32 $0x13121110  }
0x2: {  	s1 =	srdreg.scid;
	s7 =	stileid.u32;
	s12 =	simm.s32 $0x2;
	v3 =	vimm.s32 $0x33323130;
	v4 =	vimm.s32 $0x37363534;
	v5 =	vimm.s32 $0x27262524  }
0x3: {  	s13 =	simm.s32 $0x40;
	s14 =	simm.s32 $0x80;
	v6 =	vimm.s32 $0x2B2A2928;
	s25 =	simm.s32 $0x880;
	v0 =	vunpack.c.0.s8.s32 v0;
	v1 =	vunpack.c.0.s8.s32 v1  }
0x4: {  	vm0 =	vcmask $0x1F10;
	v7 =	vimm.s32 $0x43424140;
	s28 =	simm.s32 $0x900;
	s29 =	simm.s32 $0x6B80;
	s30 =	simm.s32 $0x980  }
0x5: {  	s31 =	simm.s32 $0x7B80;
	s11 =	simm.s32 $0xA80;
	s15 =	simm.s32 $0x1;
	v0 =	vsel vm0, v1, v0;
	v1 =	vunpack.c.0.s8.s32 v2;
	v2 =	vimm.s32 $0x1B1A1918  }
0x6: {  	s16 =	simm.s32 $0xBB80;
	s17 =	simm.s32 $0xBBC0;
	s19 =	simm.s32 $0x0;
	v3 =	vunpack.c.0.s8.s32 v3;
	v4 =	vunpack.c.0.s8.s32 v4;
	v2 =	vunpack.c.0.s8.s32 v2  }
0x7: {  	v8 =	vimm.s32 $0x4B4A4948;
	[smem:$0x7FF] =	sst s4;
	s5 =	sadd.s32 $0x7A2A00, s0;
	s6 =	sadd.s32 $0x1600, s0;
	v5 =	vunpack.c.0.s8.s32 v5;
	v6 =	vunpack.c.0.s8.s32 v6  }
0x8: {  	s1 =	sand.u32 $0x1, s1;
	s8 =	sadd.s32 $0xF4FE00, s0;
	s7 =	sshll.u32 s7, $0xA;
	v1 =	vsel vm0, v2, v1;
	v2 =	vsel vm0, v4, v3;
	v3 =	vimm.s32 $0x3B3A3938  }
0x9: {  	s9 =	sadd.s32 $0xF43E00, s0;
	s2 =	ssub.s32 $0x2, s1;
	s1 =	sshll.u32 s1, $0x9;
	v4 =	vsel vm0, v6, v5;
	v5 =	vunpack.c.0.s8.s32 v7;
	v6 =	vimm.s32 $0x3F3E3D3C  }
0xa: {  	_ =	strace $0x80000047;
	s3 =	sshrl.u32 s2, $0x1;
	s10 =	sor.u32 s1, s7;
	v7 =	vunpack.c.0.s8.s32 v8;
	v3 =	vunpack.c.0.s8.s32 v3;
	v6 =	vunpack.c.0.s8.s32 v6  }
0xb: {  	s7 =	simm.s32 $0x8B80;
	s1 =	simm.s32 $0x9B80;
	s26 =	ssub.s32 s2, s3;
	v0 =	vcombine.low v1, v0;
	v1 =	vcombine.low v4, v2  }
0xc: {  	s2 =	simm.s32 $0xB00;
	s3 =	simm.s32 $0xAB80;
	s0 =	smax.u32 s26, $0x1;
	v2 =	vlaneseq.u32;
	v4 =	vsel vm0, v7, v5;
	v3 =	vsel vm0, v6, v3  }
0xd: {  	s26 =	simm.s32 $0x5B80;
	[dreg:$0x5] =	wrdreg s0;
	s0 =	simm.s32 $0xA00;
	vm0 =	vcmask $0x3F3C;
	v3 =	vcombine.low v3, v4;
	v4 =	vadd.s32 $0x4C, v2  }
.LBB2_1:
0xe: {  	[dreg:$0x6] =	wrdreg s19;
	s18 =	simm.s32 $0x0  }
.LBB2_2:
0xf: {  	s19 =	sshll.u32 s18, $0x6  }
0x10: {  	s20 =	sadd.s32 s10, s19  }
0x11: {  	s21 =	rddreg [dreg:$0x0];
	s19 =	sshrl.u32 s20, $0x3  }
0x12: {  	s22 =	simm.s32 $0x0;
	s21 =	sadd.s32 s21, s19  }
0x13: {  	[tilespmem:s22], [sflag:$0x2] =	stream.linear.gather [hbm4b:s21+s22], $0x40, $0x38;
	[tilespmem:$0xC1C0] =	vst v63  }
0x14: {  	_ =	swait.ge [sflag:s12], $0x40  }
0x15: {  	[sflag:s12] =	ssyncset.done $0x0  }
0x16: {  	[sflag:s12] =	ssyncadd.s32 $0xFFFFFFC0  }
0x17: {  	s24 =	rddreg [dreg:$0x1]  }
0x18: {  	s21 =	sadd.s32 s24, s19  }
0x19: {  	v5 =	vmov s22;
	[tilespmem:s13], [sflag:$0x2] =	stream.linear.gather [hbm4b:s21+s22], $0x40, $0x38;
	[tilespmem:$0xC1C0] =	vst v63  }
0x1a: {  	v5 =	vmul.u32 $0x18, v5;
	_ =	swait.ge [sflag:s12], $0x40  }
0x1b: {  	[sflag:s12] =	ssyncset.done $0x0  }
0x1c: {  	s20 =	smul.u32 $0x3, s20;
	v5 =	vbroadcast v5, $0x0;
	[sflag:s12] =	ssyncadd.s32 $0xFFFFFFC0  }
0x1d: {  	s23 =	rddreg [dreg:$0x2]  }
0x1e: {  	v6 =	vor.u32 v2, v5;
	s21 =	sadd.s32 s23, s20  }
0x1f: {  	[tilespmem:s14], [sflag:$0x2] =	stream.linear.gather [hbm4b:s21+s22], $0x600, $0x38;
	[tilespmem:$0xC1C0] =	vst v63  }
0x20: {  	_ =	swait.ge [sflag:s12], $0x600  }
0x21: {  	[sflag:s12] =	ssyncset.done $0x0  }
0x22: {  	[sflag:s12] =	ssyncadd.s32 $0xFFFFFA00  }
0x23: {  	v6 =	vld.idx.msk [tilespmem:v6+s14+$0x0], $0xffff  }
0x24: {  	v7 =	vadd.s32 v0, v5;
	_ =	sdelay $0x2  }
0x25: {  	s21 =	simm.s32 $0x6A0  }
0x26: {  	[tilespmem:s21+$0xFFFFFFE0] =	vst v6  }
0x27: {  	v6 =	vld.idx.msk [tilespmem:v7+s14+$0x0], $0xffff  }
0x28: {  	v7 =	vadd.s32 v1, v5;
	_ =	sdelay $0x3  }
0x29: {  	[tilespmem:s21+$0xFFFFFFF0] =	vst v6  }
0x2a: {  	v6 =	vld.idx.msk [tilespmem:v7+s14+$0x0], $0xffff  }
0x2b: {  	v7 =	vadd.s32 v3, v5;
	_ =	sdelay $0x3  }
0x2c: {  	[tilespmem:s21+$0x0] =	vst v6  }
0x2d: {  	v6 =	vld.idx.msk [tilespmem:v7+s14+$0x0], $0xffff  }
0x2e: {  	v5 =	vadd.s32 v4, v5  }
0x2f: {  	s24 =	simm.s32 $0x4  }
0x30: {  	s22 =	simm.s32 $0x8;
	v7 =	vmov s24  }
.LBB2_3:
0x31: {  	p0 =	sne.s32 s22, $0x3C;
	v7 =	vmul.u32 $0x18, v7  }
0x32: {  	[tilespmem:s21+$0x10] =	vst v6  }
0x33: {  	v7 =	vbroadcast v7, $0x0;
	v5 =	vld.idx.msk [tilespmem:v5+s14+$0x0], $0xffff;
	_ =	sdelay $0x1  }
0x34: {  	v6 =	vor.u32 v2, v7;
	_ =	sdelay $0x3  }
0x35: {  	[tilespmem:s21+$0x20] =	vst v5  }
0x36: {  	v5 =	vld.idx.msk [tilespmem:v6+s14+$0x0], $0xffff;
	_ =	sdelay $0x1  }
0x37: {  	v6 =	vadd.s32 v0, v7;
	_ =	sdelay $0x2  }
0x38: {  	s21 =	sadd.s32 $0x50, s21  }
0x39: {  	[tilespmem:s21+$0xFFFFFFE0] =	vst v5  }
0x3a: {  	v5 =	vld.idx.msk [tilespmem:v6+s14+$0x0], $0xffff;
	_ =	sdelay $0x1  }
0x3b: {  	v6 =	vadd.s32 v1, v7;
	_ =	sdelay $0x3  }
0x3c: {  	[tilespmem:s21+$0xFFFFFFF0] =	vst v5  }
0x3d: {  	v5 =	vld.idx.msk [tilespmem:v6+s14+$0x0], $0xffff;
	_ =	sdelay $0x1  }
0x3e: {  	v6 =	vadd.s32 v3, v7;
	_ =	sdelay $0x3  }
0x3f: {  	[tilespmem:s21+$0x0] =	vst v5  }
.Ltmp0:
0x40: {  	v6 =	vld.idx.msk [tilespmem:v6+s14+$0x0], $0xffff;
	(pc) =	sbr.rel @p0 .LBB2_3-.Ltmp0, $3  }
0x41: {  	_ = 	snop  }
0x42: {  	v5 =	vadd.s32 v4, v7;
	_ =	sdelay $0x1  }
0x43: {  	v7 =	vmov s22;
	s22 =	sadd.s32 $0x4, s22  }
0x44: {  	_ = 	snop  }
0x45: {  	v7 =	vmul.u32 $0x18, v7;
	_ =	sdelay $0x1  }
0x46: {  	[tilespmem:s21+$0x10] =	vst v6;
	v6 =	vbroadcast v7, $0x0  }
0x47: {  	v5 =	vld.idx.msk [tilespmem:v5+s14+$0x0], $0xffff  }
0x48: {  	v7 =	vor.u32 v2, v6;
	_ =	sdelay $0x3  }
0x49: {  	[tilespmem:s21+$0x20] =	vst v5  }
0x4a: {  	v5 =	vld.idx.msk [tilespmem:v7+s14+$0x0], $0xffff  }
0x4b: {  	v7 =	vadd.s32 v0, v6;
	_ =	sdelay $0x2  }
0x4c: {  	s22 =	sadd.s32 $0x50, s21  }
0x4d: {  	[tilespmem:s22+$0xFFFFFFE0] =	vst v5  }
0x4e: {  	v5 =	vld.idx.msk [tilespmem:v7+s14+$0x0], $0xffff  }
0x4f: {  	v7 =	vadd.s32 v1, v6;
	_ =	sdelay $0x3  }
0x50: {  	[tilespmem:s22+$0xFFFFFFF0] =	vst v5  }
0x51: {  	v5 =	vld.idx.msk [tilespmem:v7+s14+$0x0], $0xffff  }
0x52: {  	v7 =	vadd.s32 v3, v6;
	_ =	sdelay $0x3  }
0x53: {  	[tilespmem:s22+$0x0] =	vst v5  }
0x54: {  	v5 =	vld.idx.msk [tilespmem:v7+s14+$0x0], $0xffff  }
0x55: {  	v6 =	vadd.s32 v4, v6;
	_ =	sdelay $0x3  }
0x56: {  	[tilespmem:s22+$0x10] =	vst v5  }
0x57: {  	v5 =	vld.idx.msk [tilespmem:v6+s14+$0x0], $0xffff;
	_ =	sdelay $0x4  }
0x58: {  	s21 =	simm.s32 $0x0;
	[tilespmem:s22+$0x20] =	vst v5;
	s22 =	simm.s32 $0xB80  }
0x59: {  	[tilespmem:s22], [sflag:$0x1] =	stream.indirect.gather [hbm4b:s5+s13], $0x20, s21, s13, $0xb8;
	[tilespmem:$0xC1C0] =	vst v63  }
0x5a: {  	s23 =	simm.s32 $0x1380  }
0x5b: {  	[tilespmem:s23], [sflag:$0x1] =	stream.indirect.gather [hbm4b:s6+s13], $0x20, s13, s13, $0xb8;
	[tilespmem:$0xC1C0] =	vst v63  }
0x5c: {  	s24 =	simm.s32 $0x680;
	s23 =	simm.s32 $0x1B80  }
0x5d: {  	[tilespmem:s23], [sflag:$0x1] =	stream.indirect.gather [hbm4b:s6+s14], $0x20, s24, s14, $0xb8;
	[tilespmem:$0xC1C0] =	vst v63  }
0x5e: {  	s23 =	simm.s32 $0x700;
	s24 =	simm.s32 $0x2B80  }
0x5f: {  	[tilespmem:s24], [sflag:$0x1] =	stream.indirect.gather [hbm4b:s6+s14], $0x20, s23, s14, $0xb8;
	[tilespmem:$0xC1C0] =	vst v63  }
0x60: {  	s23 =	simm.s32 $0x780;
	s24 =	simm.s32 $0x3B80  }
0x61: {  	[tilespmem:s24], [sflag:$0x1] =	stream.indirect.gather [hbm4b:s6+s14], $0x20, s23, s14, $0xb8;
	[tilespmem:$0xC1C0] =	vst v63  }
0x62: {  	s23 =	simm.s32 $0x800;
	s24 =	simm.s32 $0x4B80  }
0x63: {  	[tilespmem:s24], [sflag:$0x1] =	stream.indirect.gather [hbm4b:s6+s14], $0x20, s23, s14, $0xb8;
	[tilespmem:$0xC1C0] =	vst v63  }
0x64: {  	_ = 	snop  }
0x65: {  	[tilespmem:s26], [sflag:$0x1] =	stream.indirect.gather [hbm4b:s6+s14], $0x20, s25, s14, $0xb8;
	[tilespmem:$0xC1C0] =	vst v63  }
0x66: {  	_ = 	snop  }
0x67: {  	[tilespmem:s29], [sflag:$0x1] =	stream.indirect.gather [hbm4b:s6+s14], $0x20, s28, s14, $0xb8;
	[tilespmem:$0xC1C0] =	vst v63  }
0x68: {  	_ = 	snop  }
0x69: {  	[tilespmem:s31], [sflag:$0x1] =	stream.indirect.gather [hbm4b:s6+s14], $0x20, s30, s14, $0xb8;
	[tilespmem:$0xC1C0] =	vst v63  }
0x6a: {  	_ = 	snop  }
0x6b: {  	[tilespmem:s7], [sflag:$0x1] =	stream.indirect.gather [hbm4b:s6+s14], $0x20, s0, s14, $0xb8;
	[tilespmem:$0xC1C0] =	vst v63  }
0x6c: {  	_ = 	snop  }
0x6d: {  	[tilespmem:s1], [sflag:$0x1] =	stream.indirect.gather [hbm4b:s6+s14], $0x20, s11, s14, $0xb8;
	[tilespmem:$0xC1C0] =	vst v63  }
0x6e: {  	_ = 	snop  }
0x6f: {  	[tilespmem:s3], [sflag:$0x1] =	stream.indirect.gather [hbm4b:s6+s14], $0x20, s2, s14, $0xb8;
	[tilespmem:$0xC1C0] =	vst v63  }
0x70: {  	_ =	swait.ge [sflag:s15], $0x800  }
0x71: {  	[sflag:s15] =	ssyncset.done $0x0  }
0x72: {  	[sflag:s15] =	ssyncadd.s32 $0xFFFFF800  }
0x73: {  	_ =	swait.ge [sflag:s15], $0x800  }
0x74: {  	[sflag:s15] =	ssyncset.done $0x0  }
0x75: {  	[sflag:s15] =	ssyncadd.s32 $0xFFFFF800  }
0x76: {  	_ =	swait.ge [sflag:s15], $0x1000  }
0x77: {  	[sflag:s15] =	ssyncset.done $0x0  }
0x78: {  	[sflag:s15] =	ssyncadd.s32 $0xFFFFF000  }
0x79: {  	_ =	swait.ge [sflag:s15], $0x1000  }
0x7a: {  	[sflag:s15] =	ssyncset.done $0x0  }
0x7b: {  	[sflag:s15] =	ssyncadd.s32 $0xFFFFF000  }
0x7c: {  	_ =	swait.ge [sflag:s15], $0x1000  }
0x7d: {  	[sflag:s15] =	ssyncset.done $0x0  }
0x7e: {  	[sflag:s15] =	ssyncadd.s32 $0xFFFFF000  }
0x7f: {  	_ =	swait.ge [sflag:s15], $0x1000  }
0x80: {  	[sflag:s15] =	ssyncset.done $0x0  }
0x81: {  	[sflag:s15] =	ssyncadd.s32 $0xFFFFF000  }
0x82: {  	_ =	swait.ge [sflag:s15], $0x1000  }
0x83: {  	[sflag:s15] =	ssyncset.done $0x0  }
0x84: {  	[sflag:s15] =	ssyncadd.s32 $0xFFFFF000  }
0x85: {  	_ =	swait.ge [sflag:s15], $0x1000  }
0x86: {  	[sflag:s15] =	ssyncset.done $0x0  }
0x87: {  	[sflag:s15] =	ssyncadd.s32 $0xFFFFF000  }
0x88: {  	_ =	swait.ge [sflag:s15], $0x1000  }
0x89: {  	[sflag:s15] =	ssyncset.done $0x0  }
0x8a: {  	[sflag:s15] =	ssyncadd.s32 $0xFFFFF000  }
0x8b: {  	_ =	swait.ge [sflag:s15], $0x1000  }
0x8c: {  	[sflag:s15] =	ssyncset.done $0x0  }
0x8d: {  	[sflag:s15] =	ssyncadd.s32 $0xFFFFF000  }
0x8e: {  	_ =	swait.ge [sflag:s15], $0x1000  }
0x8f: {  	[sflag:s15] =	ssyncset.done $0x0  }
0x90: {  	[sflag:s15] =	ssyncadd.s32 $0xFFFFF000  }
0x91: {  	_ =	swait.ge [sflag:s15], $0x1000  }
0x92: {  	s22 =	simm.s32 $0x1CC0;
	[sflag:s15] =	ssyncset.done $0x0  }
0x93: {  	s23 =	simm.s32 $0x1390;
	s24 =	simm.s32 $0xB90;
	[sflag:s15] =	ssyncadd.s32 $0xFFFFF000  }
.LBB2_5:
0x94: {  	v5 =	vld [tilespmem:s24+$0xFFFFFFF0]  }
0x95: {  	v6 =	vld [tilespmem:s24+$0x0]  }
0x96: {  	v7 =	vld [tilespmem:s23+$0xFFFFFFF0]  }
0x97: {  	v8 =	vld [tilespmem:s23+$0x0];
	_ =	sdelay $0x4  }
0x98: {  	v7 =	vmul.f32 v7, v5;
	v8 =	vmul.f32 v8, v6;
	_ =	sdelay $0x1  }
0x99: {  	v7 =	vadd.f32 v8, v7;
	_ =	sdelay $0x1  }
0x9a: {  	(xrf2) =	vadd.scan.msk.f32 $0xffff, v7;
	_ =	sdelay $0x5  }
0x9b: {  	v7 =	vmov s21;
	_ =	sdelay $0x3  }
0x9c: {  	v26, _, _ =	vpop (xrf2)  }
0x9d: {  	[tilespmem:v7+s16+$0x0] =	vst.idx.msk vm0, v26  }
0x9e: {  	v8 =	vld [tilespmem:s22+$0xFFFFFEC0]  }
0x9f: {  	v9 =	vld [tilespmem:s22+$0xFFFFFED0];
	_ =	sdelay $0x4  }
0xa0: {  	v8 =	vmul.f32 v8, v5;
	v9 =	vmul.f32 v9, v6;
	_ =	sdelay $0x1  }
0xa1: {  	v8 =	vadd.f32 v9, v8;
	_ =	sdelay $0x1  }
0xa2: {  	(xrf2) =	vadd.scan.msk.f32 $0xffff, v8;
	_ =	sdelay $0x4  }
0xa3: {  	v7 =	vmul.u32 $0x18, v7;
	_ =	sdelay $0x4  }
0xa4: {  	v8, _, _ =	vpop (xrf2)  }
0xa5: {  	[tilespmem:v7+s17+$0x0] =	vst.idx.msk vm0, v8  }
0xa6: {  	v8 =	vld [tilespmem:s22+$0xFFFFFEE0]  }
0xa7: {  	v27 =	vld [tilespmem:s22+$0xFFFFFEF0];
	_ =	sdelay $0x4  }
0xa8: {  	v8 =	vmul.f32 v8, v5;
	v9 =	vmul.f32 v27, v6;
	_ =	sdelay $0x1  }
0xa9: {  	v8 =	vadd.f32 v9, v8;
	_ =	sdelay $0x1  }
0xaa: {  	(xrf2) =	vadd.scan.msk.f32 $0xffff, v8;
	_ =	sdelay $0x5  }
0xab: {  	v28 =	vor.u32 $0x1, v7;
	_ =	sdelay $0x3  }
0xac: {  	v29, _, _ =	vpop (xrf2)  }
0xad: {  	[tilespmem:v28+s17+$0x0] =	vst.idx.msk vm0, v29  }
0xae: {  	v8 =	vld [tilespmem:s22+$0xFFFFFF00]  }
0xaf: {  	v9 =	vld [tilespmem:s22+$0xFFFFFF10];
	_ =	sdelay $0x4  }
0xb0: {  	v8 =	vmul.f32 v8, v5;
	v9 =	vmul.f32 v9, v6;
	_ =	sdelay $0x1  }
0xb1: {  	v8 =	vadd.f32 v9, v8;
	_ =	sdelay $0x1  }
0xb2: {  	(xrf2) =	vadd.scan.msk.f32 $0xffff, v8;
	_ =	sdelay $0x5  }
0xb3: {  	v30 =	vor.u32 $0x2, v7;
	_ =	sdelay $0x3  }
0xb4: {  	v31, _, _ =	vpop (xrf2)  }
0xb5: {  	[tilespmem:v30+s17+$0x0] =	vst.idx.msk vm0, v31  }
0xb6: {  	v8 =	vld [tilespmem:s22+$0xFFFFFF20]  }
0xb7: {  	v9 =	vld [tilespmem:s22+$0xFFFFFF30];
	_ =	sdelay $0x4  }
0xb8: {  	v8 =	vmul.f32 v8, v5;
	v9 =	vmul.f32 v9, v6;
	_ =	sdelay $0x1  }
0xb9: {  	v8 =	vadd.f32 v9, v8;
	_ =	sdelay $0x1  }
0xba: {  	(xrf2) =	vadd.scan.msk.f32 $0xffff, v8;
	_ =	sdelay $0x5  }
0xbb: {  	v32 =	vor.u32 $0x3, v7;
	_ =	sdelay $0x3  }
0xbc: {  	v33, _, _ =	vpop (xrf2)  }
0xbd: {  	[tilespmem:v32+s17+$0x0] =	vst.idx.msk vm0, v33  }
0xbe: {  	v8 =	vld [tilespmem:s22+$0xFFFFFF40]  }
0xbf: {  	v9 =	vld [tilespmem:s22+$0xFFFFFF50];
	_ =	sdelay $0x4  }
0xc0: {  	v8 =	vmul.f32 v8, v5;
	v9 =	vmul.f32 v9, v6;
	_ =	sdelay $0x1  }
0xc1: {  	v8 =	vadd.f32 v9, v8;
	_ =	sdelay $0x1  }
0xc2: {  	(xrf2) =	vadd.scan.msk.f32 $0xffff, v8;
	_ =	sdelay $0x5  }
0xc3: {  	v34 =	vor.u32 $0x4, v7;
	_ =	sdelay $0x3  }
0xc4: {  	v35, _, _ =	vpop (xrf2)  }
0xc5: {  	[tilespmem:v34+s17+$0x0] =	vst.idx.msk vm0, v35  }
0xc6: {  	v8 =	vld [tilespmem:s22+$0xFFFFFF60]  }
0xc7: {  	v9 =	vld [tilespmem:s22+$0xFFFFFF70];
	_ =	sdelay $0x4  }
0xc8: {  	v8 =	vmul.f32 v8, v5;
	v9 =	vmul.f32 v9, v6;
	_ =	sdelay $0x1  }
0xc9: {  	v8 =	vadd.f32 v9, v8;
	_ =	sdelay $0x1  }
0xca: {  	(xrf2) =	vadd.scan.msk.f32 $0xffff, v8;
	_ =	sdelay $0x5  }
0xcb: {  	v36 =	vor.u32 $0x5, v7;
	_ =	sdelay $0x3  }
0xcc: {  	v37, _, _ =	vpop (xrf2)  }
0xcd: {  	[tilespmem:v36+s17+$0x0] =	vst.idx.msk vm0, v37  }
0xce: {  	v8 =	vld [tilespmem:s22+$0xFFFFFF80]  }
0xcf: {  	v9 =	vld [tilespmem:s22+$0xFFFFFF90];
	_ =	sdelay $0x4  }
0xd0: {  	v8 =	vmul.f32 v8, v5;
	v9 =	vmul.f32 v9, v6;
	_ =	sdelay $0x1  }
0xd1: {  	v8 =	vadd.f32 v9, v8;
	_ =	sdelay $0x1  }
0xd2: {  	(xrf2) =	vadd.scan.msk.f32 $0xffff, v8;
	_ =	sdelay $0x5  }
0xd3: {  	v38 =	vor.u32 $0x6, v7;
	_ =	sdelay $0x3  }
0xd4: {  	v39, _, _ =	vpop (xrf2)  }
0xd5: {  	[tilespmem:v38+s17+$0x0] =	vst.idx.msk vm0, v39  }
0xd6: {  	v8 =	vld [tilespmem:s22+$0xFFFFFFA0]  }
0xd7: {  	v9 =	vld [tilespmem:s22+$0xFFFFFFB0];
	_ =	sdelay $0x4  }
0xd8: {  	v8 =	vmul.f32 v8, v5;
	v9 =	vmul.f32 v9, v6;
	_ =	sdelay $0x1  }
0xd9: {  	v8 =	vadd.f32 v9, v8;
	_ =	sdelay $0x1  }
0xda: {  	(xrf2) =	vadd.scan.msk.f32 $0xffff, v8;
	_ =	sdelay $0x5  }
0xdb: {  	v40 =	vor.u32 $0x7, v7;
	_ =	sdelay $0x3  }
0xdc: {  	v41, _, _ =	vpop (xrf2)  }
0xdd: {  	[tilespmem:v40+s17+$0x0] =	vst.idx.msk vm0, v41  }
0xde: {  	v8 =	vld [tilespmem:s22+$0xFFFFFFC0]  }
0xdf: {  	v9 =	vld [tilespmem:s22+$0xFFFFFFD0];
	_ =	sdelay $0x4  }
0xe0: {  	v8 =	vmul.f32 v8, v5;
	v9 =	vmul.f32 v9, v6;
	_ =	sdelay $0x1  }
0xe1: {  	v8 =	vadd.f32 v9, v8;
	_ =	sdelay $0x1  }
0xe2: {  	(xrf2) =	vadd.scan.msk.f32 $0xffff, v8;
	_ =	sdelay $0x5  }
0xe3: {  	v42 =	vadd.s32 $0x8, v7;
	_ =	sdelay $0x3  }
0xe4: {  	v43, _, _ =	vpop (xrf2)  }
0xe5: {  	[tilespmem:v42+s17+$0x0] =	vst.idx.msk vm0, v43  }
0xe6: {  	v8 =	vld [tilespmem:s22+$0xFFFFFFE0]  }
0xe7: {  	v9 =	vld [tilespmem:s22+$0xFFFFFFF0];
	_ =	sdelay $0x4  }
0xe8: {  	v8 =	vmul.f32 v8, v5;
	v9 =	vmul.f32 v9, v6;
	_ =	sdelay $0x1  }
0xe9: {  	v8 =	vadd.f32 v9, v8;
	_ =	sdelay $0x1  }
0xea: {  	(xrf2) =	vadd.scan.msk.f32 $0xffff, v8;
	_ =	sdelay $0x5  }
0xeb: {  	v44 =	vadd.s32 $0x9, v7;
	_ =	sdelay $0x3  }
0xec: {  	v45, _, _ =	vpop (xrf2)  }
0xed: {  	[tilespmem:v44+s17+$0x0] =	vst.idx.msk vm0, v45  }
0xee: {  	v8 =	vld [tilespmem:s22+$0x0]  }
0xef: {  	v9 =	vld [tilespmem:s22+$0x10];
	_ =	sdelay $0x4  }
0xf0: {  	v8 =	vmul.f32 v8, v5;
	v9 =	vmul.f32 v9, v6;
	_ =	sdelay $0x1  }
0xf1: {  	v8 =	vadd.f32 v9, v8;
	_ =	sdelay $0x1  }
0xf2: {  	(xrf2) =	vadd.scan.msk.f32 $0xffff, v8;
	_ =	sdelay $0x5  }
0xf3: {  	v46 =	vadd.s32 $0xA, v7;
	_ =	sdelay $0x3  }
0xf4: {  	v47, _, _ =	vpop (xrf2)  }
0xf5: {  	[tilespmem:v46+s17+$0x0] =	vst.idx.msk vm0, v47  }
0xf6: {  	v8 =	vld [tilespmem:s22+$0x20]  }
0xf7: {  	v9 =	vld [tilespmem:s22+$0x30];
	_ =	sdelay $0x4  }
0xf8: {  	v8 =	vmul.f32 v8, v5;
	v9 =	vmul.f32 v9, v6;
	_ =	sdelay $0x1  }
0xf9: {  	v8 =	vadd.f32 v9, v8;
	_ =	sdelay $0x1  }
0xfa: {  	(xrf2) =	vadd.scan.msk.f32 $0xffff, v8;
	_ =	sdelay $0x5  }
0xfb: {  	v48 =	vadd.s32 $0xB, v7;
	_ =	sdelay $0x3  }
0xfc: {  	v49, _, _ =	vpop (xrf2)  }
0xfd: {  	[tilespmem:v48+s17+$0x0] =	vst.idx.msk vm0, v49  }
0xfe: {  	v8 =	vld [tilespmem:s22+$0x40]  }
0xff: {  	v9 =	vld [tilespmem:s22+$0x50];
	_ =	sdelay $0x4  }
0x100: {  	v8 =	vmul.f32 v8, v5;
	v9 =	vmul.f32 v9, v6;
	_ =	sdelay $0x1  }
0x101: {  	v8 =	vadd.f32 v9, v8;
	_ =	sdelay $0x1  }
0x102: {  	(xrf2) =	vadd.scan.msk.f32 $0xffff, v8;
	_ =	sdelay $0x5  }
0x103: {  	v50 =	vadd.s32 $0xC, v7;
	_ =	sdelay $0x3  }
0x104: {  	v51, _, _ =	vpop (xrf2)  }
0x105: {  	[tilespmem:v50+s17+$0x0] =	vst.idx.msk vm0, v51  }
0x106: {  	v8 =	vld [tilespmem:s22+$0x60]  }
0x107: {  	v9 =	vld [tilespmem:s22+$0x70];
	_ =	sdelay $0x4  }
0x108: {  	v8 =	vmul.f32 v8, v5;
	v9 =	vmul.f32 v9, v6;
	_ =	sdelay $0x1  }
0x109: {  	v8 =	vadd.f32 v9, v8;
	_ =	sdelay $0x1  }
0x10a: {  	(xrf2) =	vadd.scan.msk.f32 $0xffff, v8;
	_ =	sdelay $0x5  }
0x10b: {  	v52 =	vadd.s32 $0xD, v7;
	_ =	sdelay $0x3  }
0x10c: {  	v53, _, _ =	vpop (xrf2)  }
0x10d: {  	[tilespmem:v52+s17+$0x0] =	vst.idx.msk vm0, v53  }
0x10e: {  	v8 =	vld [tilespmem:s22+$0x80]  }
0x10f: {  	v9 =	vld [tilespmem:s22+$0x90];
	_ =	sdelay $0x4  }
0x110: {  	v8 =	vmul.f32 v8, v5;
	v9 =	vmul.f32 v9, v6;
	_ =	sdelay $0x1  }
0x111: {  	v8 =	vadd.f32 v9, v8;
	_ =	sdelay $0x1  }
0x112: {  	(xrf2) =	vadd.scan.msk.f32 $0xffff, v8;
	_ =	sdelay $0x5  }
0x113: {  	v54 =	vadd.s32 $0xE, v7;
	_ =	sdelay $0x3  }
0x114: {  	v55, _, _ =	vpop (xrf2)  }
0x115: {  	[tilespmem:v54+s17+$0x0] =	vst.idx.msk vm0, v55  }
0x116: {  	v8 =	vld [tilespmem:s22+$0xA0]  }
0x117: {  	v9 =	vld [tilespmem:s22+$0xB0];
	_ =	sdelay $0x4  }
0x118: {  	v8 =	vmul.f32 v8, v5;
	v9 =	vmul.f32 v9, v6;
	_ =	sdelay $0x1  }
0x119: {  	v8 =	vadd.f32 v9, v8;
	_ =	sdelay $0x1  }
0x11a: {  	(xrf2) =	vadd.scan.msk.f32 $0xffff, v8;
	_ =	sdelay $0x5  }
0x11b: {  	v56 =	vadd.s32 $0xF, v7;
	_ =	sdelay $0x3  }
0x11c: {  	v57, _, _ =	vpop (xrf2)  }
0x11d: {  	[tilespmem:v56+s17+$0x0] =	vst.idx.msk vm0, v57  }
0x11e: {  	v8 =	vld [tilespmem:s22+$0xC0]  }
0x11f: {  	v9 =	vld [tilespmem:s22+$0xD0];
	_ =	sdelay $0x4  }
0x120: {  	v8 =	vmul.f32 v8, v5;
	v9 =	vmul.f32 v9, v6;
	_ =	sdelay $0x1  }
0x121: {  	v8 =	vadd.f32 v9, v8;
	_ =	sdelay $0x1  }
0x122: {  	(xrf2) =	vadd.scan.msk.f32 $0xffff, v8;
	_ =	sdelay $0x5  }
0x123: {  	v58 =	vadd.s32 $0x10, v7;
	_ =	sdelay $0x3  }
0x124: {  	v59, _, _ =	vpop (xrf2)  }
0x125: {  	[tilespmem:v58+s17+$0x0] =	vst.idx.msk vm0, v59  }
0x126: {  	v8 =	vld [tilespmem:s22+$0xE0]  }
0x127: {  	v9 =	vld [tilespmem:s22+$0xF0];
	_ =	sdelay $0x4  }
0x128: {  	v8 =	vmul.f32 v8, v5;
	v9 =	vmul.f32 v9, v6;
	_ =	sdelay $0x1  }
0x129: {  	v8 =	vadd.f32 v9, v8;
	_ =	sdelay $0x1  }
0x12a: {  	(xrf2) =	vadd.scan.msk.f32 $0xffff, v8;
	_ =	sdelay $0x5  }
0x12b: {  	v60 =	vadd.s32 $0x11, v7;
	_ =	sdelay $0x3  }
0x12c: {  	v61, _, _ =	vpop (xrf2)  }
0x12d: {  	[tilespmem:v60+s17+$0x0] =	vst.idx.msk vm0, v61  }
0x12e: {  	v8 =	vld [tilespmem:s22+$0x100]  }
0x12f: {  	v9 =	vld [tilespmem:s22+$0x110];
	_ =	sdelay $0x4  }
0x130: {  	v8 =	vmul.f32 v8, v5;
	v9 =	vmul.f32 v9, v6;
	_ =	sdelay $0x1  }
0x131: {  	v8 =	vadd.f32 v9, v8;
	_ =	sdelay $0x1  }
0x132: {  	(xrf2) =	vadd.scan.msk.f32 $0xffff, v8;
	_ =	sdelay $0x5  }
0x133: {  	v62 =	vadd.s32 $0x12, v7;
	_ =	sdelay $0x3  }
0x134: {  	v63, _, _ =	vpop (xrf2)  }
0x135: {  	[tilespmem:v62+s17+$0x0] =	vst.idx.msk vm0, v63  }
0x136: {  	v8 =	vld [tilespmem:s22+$0x120]  }
0x137: {  	v9 =	vld [tilespmem:s22+$0x130];
	_ =	sdelay $0x4  }
0x138: {  	v5 =	vmul.f32 v8, v5;
	v6 =	vmul.f32 v9, v6;
	_ =	sdelay $0x1  }
0x139: {  	v5 =	vadd.f32 v6, v5;
	_ =	sdelay $0x1  }
0x13a: {  	(xrf2) =	vadd.scan.msk.f32 $0xffff, v5;
	_ =	sdelay $0x5  }
0x13b: {  	p0 =	sne.s32 s21, $0x3F;
	v5 =	vadd.s32 $0x13, v7  }
.Ltmp1:
0x13c: {  	_ = 	snop;
	(pc) =	sbr.rel @p0 .LBB2_5-.Ltmp1, $3  }
0x13d: {  	_ =	sdelay $0x1  }
0x13e: {  	s23 =	sadd.s32 $0x20, s23;
	v6, _, _ =	vpop (xrf2)  }
0x13f: {  	s24 =	sadd.s32 $0x20, s24;
	s21 =	sadd.s32 $0x1, s21;
	s22 =	sadd.s32 $0x280, s22;
	[tilespmem:v5+s17+$0x0] =	vst.idx.msk vm0, v6  }
0x140: {  	s19 =	sadd.s32 s8, s19  }
0x141: {  	[hbm4b:s19+s4] =	stream.linear.scatter [tilespmem:s16], [sflag:$0x2], $0x40, $0x38;
	[tilespmem:$0xC1C0] =	vst v63  }
0x142: {  	s18 =	sadd.s32 $0x1, s18;
	_ =	swait.ge [sflag:s12], $0x40  }
0x143: {  	p0 =	sne.s32 s18, $0x8;
	[sflag:s12] =	ssyncset.done $0x0  }
.Ltmp2:
0x144: {  	s24 =	sadd.s32 s9, s20;
	[sflag:s12] =	ssyncadd.s32 $0xFFFFFFC0;
	(pc) =	sbr.rel @p0 .LBB2_2-.Ltmp2, $4  }
0x145: {  	[hbm4b:s24+s4] =	stream.linear.scatter [tilespmem:s17], [sflag:$0x2], $0x600, $0x38;
	[tilespmem:$0xC1C0] =	vst v63  }
0x146: {  	_ =	swait.ge [sflag:s12], $0x600  }
0x147: {  	[sflag:s12] =	ssyncset.done $0x0  }
0x148: {  	[sflag:s12] =	ssyncadd.s32 $0xFFFFFA00  }
0x149: {  	s19 =	rddreg [dreg:$0x6]  }
0x14a: {  	s18 =	rddreg [dreg:$0x5];
	s19 =	sadd.s32 $0x1, s19  }
0x14b: {  	p0 =	sne.s32 s19, s18  }
.Ltmp3:
0x14c: {  	_ = 	snop;
	(pc) =	sbr.rel @p0 .LBB2_1-.Ltmp3, $1  }
0x14d: {  	_ =	sdelay $0x3  }
0x14e: {  	_ =	sfence.sel $0x180000  }
0x14f: {  	[bflag:$0x0] =	sbarrier.arrive $0xFFFF  }
0x150: {  	_ =	strace $0x90000047  }
0x151: {  	s0 =	stileid.u32;
	[bflag:$0x2] =	sbarrier.arrive $0xFFFF  }
0x152: {  	p0 =	sne.s32 s0, $0x0;
	s0 =	rddreg [dreg:$0x4]  }
0x153: {  	s0 =	sadd.s32 @!p0 $0x100000, s0  }
0x154: {  	[sflag:s0] =	ssyncadd.tile.s32 @!p0 $0x1;
	_ =	shalt  }
.Lfunc_end2:
_tile_overlayer_lowered:
.L_overlay_start_2:
0x155: {  	(tag) =	ssettag $0x2  }
0x156: {  	s0 =	rddreg [dreg:$0x0];
	s2 =	stileid.u32  }
0x157: {  	s1 =	rddreg [dreg:$0x1];
	p0 =	sne.s32 s2, $0x0  }
0x158: {  	s3 =	rddreg [dreg:$0x2];
	[bflag:$0x3] =	sbarrier.arrive $0xFFFF;
	s2 =	simm.s32 @!p0 $0x1C02  }
0x159: {  	[timem:s3], [sflag:s2] =	dma.local @!p0 [hbm:s0], s1  }
0x15a: {  	s0 =	simm.s32 @!p0 $0x2  }
0x15b: {  	_ =	swait.ge @!p0 [sflag:s0], s1  }
0x15c: {  	s1 =	ssub.s32 @!p0 $0x0, s1;
	[sflag:s0] =	ssyncset.done @!p0 $0x0  }
0x15d: {  	[sflag:s0] =	ssyncadd.s32 @!p0 s1  }
0x15e: {  	[bflag:$0x3] =	sbarrier.arrive $0xFFFF  }
0x15f: {  	_ =	shalt  }

</sc_bundles>
